<compile_context>
chip_gen: v7x
topology: tpu7x:2x2x1
jax: 0.10.2.dev20260603
libtpu: 0.0.44.dev20260713+nightly
codegen_flags: <defaults>
</compile_context>

<pallas_src>
import functools

import jax
import jax.numpy as jnp
from jax import lax
from jax.experimental import pallas as pl
from jax.experimental.pallas import tpu as pltpu
from jax.experimental.pallas import tpu_sc as plsc

_NC = 2
_NS = 16
_NW = _NC * _NS
_L = 16

_C = 80
_D = 128
_KD = _D // _L


def _rsqrt_nr(s):
    i = lax.bitcast_convert_type(s, jnp.int32)
    i = jnp.int32(0x5F3759DF) - lax.shift_right_arithmetic(i, 1)
    y = lax.bitcast_convert_type(i, jnp.float32)
    for _ in range(2):
        h = (jnp.float32(0.5) * s) * y
        y = y * (jnp.float32(1.5) - h * y)
    return y


def _make_sc_kernel(n_edges):
    chunks_pw = n_edges // (_NW * _C)
    mesh = plsc.VectorSubcoreMesh(core_axis_name="c", subcore_axis_name="s")

    @functools.partial(
        pl.kernel,
        mesh=mesh,
        compiler_params=pltpu.CompilerParams(needs_layout_passes=False),
        out_type=(
            jax.ShapeDtypeStruct((n_edges,), jnp.float32),
            jax.ShapeDtypeStruct((n_edges, _D), jnp.float32),
        ),
        scratch_types=[
            pltpu.VMEM((1, chunks_pw, _C), jnp.int32),
            pltpu.VMEM((1, chunks_pw, _C), jnp.int32),
            pltpu.VMEM((2, _C, _D), jnp.float32),
            pltpu.VMEM((2, _C, _D), jnp.float32),
            pltpu.VMEM((2, _C), jnp.float32),
            pltpu.SemaphoreType.DMA,
            pltpu.SemaphoreType.DMA,
            pltpu.SemaphoreType.DMA,
        ],
    )
    def k(x_hbm, srci_hbm, dsti_hbm, dist_hbm, dir_hbm,
          idx_s, idx_d, srcb, dstb, distb, sem_gs, sem_gd, sem_w):
        wid = lax.axis_index("s") * _NC + lax.axis_index("c")
        base_edge = wid * chunks_pw * _C

        pltpu.sync_copy(srci_hbm.at[pl.ds(wid, 1)], idx_s)
        pltpu.sync_copy(dsti_hbm.at[pl.ds(wid, 1)], idx_d)

        lane = lax.iota(jnp.int32, _L)

        def issue_gather(c, p):
            pltpu.async_copy(x_hbm.at[idx_s.at[0, c]], srcb.at[p], sem_gs)
            pltpu.async_copy(x_hbm.at[idx_d.at[0, c]], dstb.at[p], sem_gd)

        def wait_gather(c, p):
            pltpu.make_async_copy(
                x_hbm.at[idx_s.at[0, c]], srcb.at[p], sem_gs).wait()
            pltpu.make_async_copy(
                x_hbm.at[idx_d.at[0, c]], dstb.at[p], sem_gd).wait()

        def issue_writes(c, p):
            off = base_edge + c * _C
            pltpu.async_copy(srcb.at[p], dir_hbm.at[pl.ds(off, _C)], sem_w)
            pltpu.async_copy(distb.at[p], dist_hbm.at[pl.ds(off, _C)], sem_w)

        def wait_writes(c, p):
            off = base_edge + c * _C
            pltpu.make_async_copy(
                srcb.at[p], dir_hbm.at[pl.ds(off, _C)], sem_w).wait()
            pltpu.make_async_copy(
                distb.at[p], dist_hbm.at[pl.ds(off, _C)], sem_w).wait()

        def compute(p):
            for g in range(_C // _L):
                def e_body(j, dist_g, g16=g * _L):
                    e = g16 + j
                    acc = jnp.zeros((_L,), jnp.float32)
                    rs = []
                    for kk in range(_KD):
                        sv = srcb[p, e, pl.ds(kk * _L, _L)]
                        dv = dstb[p, e, pl.ds(kk * _L, _L)]
                        r = sv - dv
                        rs.append(r)
                        acc = acc + r * r
                    totv = jnp.full((_L,), jnp.sum(acc))
                    distv = totv * _rsqrt_nr(totv)
                    rcv = jnp.float32(1.0) / (jnp.float32(1.0) + distv)
                    for kk in range(_KD):
                        srcb[p, e, pl.ds(kk * _L, _L)] = rs[kk] * rcv
                    return jnp.where(lane == j, distv, dist_g)

                dist_g = lax.fori_loop(
                    0, _L, e_body, jnp.zeros((_L,), jnp.float32), unroll=2)
                distb[p, pl.ds(g * _L, _L)] = dist_g

        issue_gather(0, 0)

        def body(c, carry):
            p = lax.rem(c, 2)
            q = 1 - p
            wait_gather(c, p)

            @pl.when(jnp.logical_and(c > 0, c + 1 < chunks_pw))
            def _():
                wait_writes(c - 1, q)

            @pl.when(c + 1 < chunks_pw)
            def _():
                issue_gather(c + 1, q)

            compute(p)
            issue_writes(c, p)
            return carry

        lax.fori_loop(0, chunks_pw, body, 0)

        last = chunks_pw - 1
        wait_writes(last - 1, lax.rem(last - 1, 2))
        wait_writes(last, lax.rem(last, 2))

    return k


def kernel(x, edge_index):
    n_edges = edge_index.shape[1]
    srci = edge_index[0].astype(jnp.int32).reshape(_NW, -1, _C)
    dsti = edge_index[1].astype(jnp.int32).reshape(_NW, -1, _C)
    dist, edir = _make_sc_kernel(n_edges)(x, srci, dsti)
    return dist, edir

# --- scband reference (transcript-rebuilt; emitter-appended) ---
"""Pipeline reference for scband-add-edges-10187662426876 (READ-ONLY COPY).

The authoritative reference and input builder live on the scoring server;
editing this copy changes nothing except your own understanding.
"""

import jax, jax.numpy as jnp
import numpy as np

N_NODES = 10000
N_EDGES = 320000
D_FEAT = 128

def setup_inputs(seed: int = 0) -> dict:
    key = jax.random.key(seed)
    k1, k2, k3 = jax.random.split(key, 3)
    x = jax.random.normal(k1, (N_NODES, D_FEAT), dtype=jnp.float32)
    # Build edge_index with no self-loops so edge_dist > 0 (radius_graph never
    # produces self-loops; also keeps grads well-defined in the bwd variant).
    src = jax.random.randint(k2, (N_EDGES,), 0, N_NODES, dtype=jnp.int64)
    off = jax.random.randint(k3, (N_EDGES,), 1, N_NODES, dtype=jnp.int64)
    dst = (src + off) % N_NODES
    edge_index = jnp.stack([src, dst], axis=0)
    return {"x": x, "edge_index": edge_index}

def reference(x, edge_index):
    # AddEdges.add_edges with should_generate_edge_index=False:
    # gather endpoint features, compute pairwise displacement, distance, and
    # normalized direction r / (1 + |r|).
    r = jnp.take(x, edge_index[0], axis=0) - jnp.take(x, edge_index[1], axis=0)
    edge_dist = jnp.sqrt(jnp.sum(r * r, axis=-1))
    edge_dir = r / (1.0 + edge_dist[:, None])
    return edge_dist, edge_dir

if __name__ == "__main__":
    import jax
    _d = setup_inputs()
    print(jax.jit(kernel)(*tuple(_d.values())))

</pallas_src>

<mosaic_0001>
#map = affine_map<(d0, d1) -> (0, 0)>
#map1 = affine_map<(d0, d1) -> (0, 0, 0)>
#map2 = affine_map<(d0, d1) -> (0)>
module attributes {stable_mosaic.version = 14 : i64} {
  func.func @k(%arg0: i32, %arg1: i32, %arg2: memref<10000x128xf32, #tpu.memory_space<hbm>>, %arg3: memref<32x125x80xi32, #tpu.memory_space<hbm>>, %arg4: memref<32x125x80xi32, #tpu.memory_space<hbm>>, %arg5: memref<320000xf32, #tpu.memory_space<hbm>>, %arg6: memref<320000x128xf32, #tpu.memory_space<hbm>>, %arg7: memref<1x125x80xi32, #tpu.memory_space<vmem>>, %arg8: memref<1x125x80xi32, #tpu.memory_space<vmem>>, %arg9: memref<2x80x128xf32, #tpu.memory_space<vmem>>, %arg10: memref<2x80x128xf32, #tpu.memory_space<vmem>>, %arg11: memref<2x80xf32, #tpu.memory_space<vmem>>, %arg12: memref<!tpu.dma_semaphore, #tpu.memory_space<semaphore_mem>>, %arg13: memref<!tpu.dma_semaphore, #tpu.memory_space<semaphore_mem>>, %arg14: memref<!tpu.dma_semaphore, #tpu.memory_space<semaphore_mem>>) attributes {dimension_semantics = [#tpu.dimension_semantics<core_parallel>, #tpu.dimension_semantics<subcore_parallel>], iteration_bounds = array<i64: 2, 16>, scalar_prefetch = 0 : i64, scratch_operands = 8 : i64, tpu.core_type = #tpu.core_type<sc_vector_subcore>, window_params = [{transform_indices = #map}, {transform_indices = #map1}, {transform_indices = #map1}, {transform_indices = #map2}, {transform_indices = #map}]} {
    %mul3A = arith.constant 2 : i32
    %mul3A_0 = arith.muli %arg1, %mul3A : i32
    %add3A = arith.addi %mul3A_0, %arg0 : i32
    %mul3A_1 = arith.constant 125 : i32
    %mul3A_2 = arith.muli %add3A, %mul3A_1 : i32
    %mul3A_3 = arith.constant 80 : i32
    %mul3A_4 = arith.muli %mul3A_2, %mul3A_3 : i32
    "tpu.region"() ({
      %run_scoped3A = tpu.sem_alloc : memref<!tpu.dma_semaphore, #tpu.memory_space<semaphore_mem>>
      %dma_start3A_83 = arith.constant 0 : i32
      %dma_start3A_84 = arith.constant 0 : i32
      %dma_start3A_85 = tpu.memref_slice %arg3[%add3A, %dma_start3A_83, %dma_start3A_84] : memref<32x125x80xi32, #tpu.memory_space<hbm>> -> memref<1x125x80xi32, #tpu.memory_space<hbm>>
      %dma_start3A_86 = arith.constant 0 : i32
      %dma_start3A_87 = arith.constant 0 : i32
      %dma_start3A_88 = tpu.memref_slice %arg3[%add3A, %dma_start3A_86, %dma_start3A_87] : memref<32x125x80xi32, #tpu.memory_space<hbm>> -> memref<1x125x80xi32, #tpu.memory_space<hbm>>
      tpu.enqueue_dma source(%dma_start3A_88 : memref<1x125x80xi32, #tpu.memory_space<hbm>>) target(%arg7 : memref<1x125x80xi32, #tpu.memory_space<vmem>>) target_semaphore(%run_scoped3A : memref<!tpu.dma_semaphore, #tpu.memory_space<semaphore_mem>>)
      %dma_wait3A_89 = arith.constant 0 : i32
      %dma_wait3A_90 = arith.constant 0 : i32
      %dma_wait3A_91 = tpu.memref_slice %arg3[%add3A, %dma_wait3A_89, %dma_wait3A_90] : memref<32x125x80xi32, #tpu.memory_space<hbm>> -> memref<1x125x80xi32, #tpu.memory_space<hbm>>
      %dma_wait3A_92 = arith.constant 0 : i32
      %dma_wait3A_93 = arith.constant 0 : i32
      %dma_wait3A_94 = tpu.memref_slice %arg3[%add3A, %dma_wait3A_92, %dma_wait3A_93] : memref<32x125x80xi32, #tpu.memory_space<hbm>> -> memref<1x125x80xi32, #tpu.memory_space<hbm>>
      tpu.wait_dma2 semaphore(%run_scoped3A : memref<!tpu.dma_semaphore, #tpu.memory_space<semaphore_mem>>) src(%dma_wait3A_94 : memref<1x125x80xi32, #tpu.memory_space<hbm>>) dst(%arg7 : memref<1x125x80xi32, #tpu.memory_space<vmem>>)
      tpu.yield
    }) : () -> ()
    "tpu.region"() ({
      %run_scoped3A = tpu.sem_alloc : memref<!tpu.dma_semaphore, #tpu.memory_space<semaphore_mem>>
      %dma_start3A_83 = arith.constant 0 : i32
      %dma_start3A_84 = arith.constant 0 : i32
      %dma_start3A_85 = tpu.memref_slice %arg4[%add3A, %dma_start3A_83, %dma_start3A_84] : memref<32x125x80xi32, #tpu.memory_space<hbm>> -> memref<1x125x80xi32, #tpu.memory_space<hbm>>
      %dma_start3A_86 = arith.constant 0 : i32
      %dma_start3A_87 = arith.constant 0 : i32
      %dma_start3A_88 = tpu.memref_slice %arg4[%add3A, %dma_start3A_86, %dma_start3A_87] : memref<32x125x80xi32, #tpu.memory_space<hbm>> -> memref<1x125x80xi32, #tpu.memory_space<hbm>>
      tpu.enqueue_dma source(%dma_start3A_88 : memref<1x125x80xi32, #tpu.memory_space<hbm>>) target(%arg8 : memref<1x125x80xi32, #tpu.memory_space<vmem>>) target_semaphore(%run_scoped3A : memref<!tpu.dma_semaphore, #tpu.memory_space<semaphore_mem>>)
      %dma_wait3A_89 = arith.constant 0 : i32
      %dma_wait3A_90 = arith.constant 0 : i32
      %dma_wait3A_91 = tpu.memref_slice %arg4[%add3A, %dma_wait3A_89, %dma_wait3A_90] : memref<32x125x80xi32, #tpu.memory_space<hbm>> -> memref<1x125x80xi32, #tpu.memory_space<hbm>>
      %dma_wait3A_92 = arith.constant 0 : i32
      %dma_wait3A_93 = arith.constant 0 : i32
      %dma_wait3A_94 = tpu.memref_slice %arg4[%add3A, %dma_wait3A_92, %dma_wait3A_93] : memref<32x125x80xi32, #tpu.memory_space<hbm>> -> memref<1x125x80xi32, #tpu.memory_space<hbm>>
      tpu.wait_dma2 semaphore(%run_scoped3A : memref<!tpu.dma_semaphore, #tpu.memory_space<semaphore_mem>>) src(%dma_wait3A_94 : memref<1x125x80xi32, #tpu.memory_space<hbm>>) dst(%arg8 : memref<1x125x80xi32, #tpu.memory_space<vmem>>)
      tpu.yield
    }) : () -> ()
    %iota3A = tpu.iota {dimensions = array<i32: 0>} : vector<16xi32>
    %dma_start3A = arith.constant 0 : i32
    %dma_start3A_5 = arith.constant 0 : i32
    %dma_start3A_6 = arith.constant 0 : i32
    %dma_start3A_7 = arith.constant 0 : i32
    %dma_start3A_8 = arith.constant 0 : i32
    %dma_start3A_9 = tpu.memref_slice %arg9[%dma_start3A_6, %dma_start3A_7, %dma_start3A_8] : memref<2x80x128xf32, #tpu.memory_space<vmem>> -> memref<1x80x128xf32, #tpu.memory_space<vmem>>
    %dma_start3A_10 = tpu.memref_squeeze %dma_start3A_9 : memref<1x80x128xf32, #tpu.memory_space<vmem>> -> memref<80x128xf32, #tpu.memory_space<vmem>>
    %dma_start3A_11 = arith.constant 0 : i32
    %dma_start3A_12 = tpu.memref_slice %arg7[%dma_start3A, %dma_start3A_5, %dma_start3A_11] : memref<1x125x80xi32, #tpu.memory_space<vmem>> -> memref<1x1x80xi32, #tpu.memory_space<vmem>>
    %dma_start3A_13 = tpu.memref_squeeze %dma_start3A_12 : memref<1x1x80xi32, #tpu.memory_space<vmem>> -> memref<80xi32, #tpu.memory_space<vmem>>
    %dma_start3A_14 = arith.constant 0 : i32
    %dma_start3A_15 = arith.constant 0 : i32
    %dma_start3A_16 = tpu.memref_slice %arg2[%dma_start3A_14, %dma_start3A_15] : memref<10000x128xf32, #tpu.memory_space<hbm>> -> memref<10000x128xf32, #tpu.memory_space<hbm>>
    tpu.enqueue_indirect_dma source(%dma_start3A_16 : memref<10000x128xf32, #tpu.memory_space<hbm>>) target(%dma_start3A_10 : memref<80x128xf32, #tpu.memory_space<vmem>>) offsets(%dma_start3A_13 : memref<80xi32, #tpu.memory_space<vmem>>) semaphore(%arg12 : memref<!tpu.dma_semaphore, #tpu.memory_space<semaphore_mem>>)
    %dma_start3A_17 = arith.constant 0 : i32
    %dma_start3A_18 = arith.constant 0 : i32
    %dma_start3A_19 = arith.constant 0 : i32
    %dma_start3A_20 = arith.constant 0 : i32
    %dma_start3A_21 = arith.constant 0 : i32
    %dma_start3A_22 = tpu.memref_slice %arg10[%dma_start3A_19, %dma_start3A_20, %dma_start3A_21] : memref<2x80x128xf32, #tpu.memory_space<vmem>> -> memref<1x80x128xf32, #tpu.memory_space<vmem>>
    %dma_start3A_23 = tpu.memref_squeeze %dma_start3A_22 : memref<1x80x128xf32, #tpu.memory_space<vmem>> -> memref<80x128xf32, #tpu.memory_space<vmem>>
    %dma_start3A_24 = arith.constant 0 : i32
    %dma_start3A_25 = tpu.memref_slice %arg8[%dma_start3A_17, %dma_start3A_18, %dma_start3A_24] : memref<1x125x80xi32, #tpu.memory_space<vmem>> -> memref<1x1x80xi32, #tpu.memory_space<vmem>>
    %dma_start3A_26 = tpu.memref_squeeze %dma_start3A_25 : memref<1x1x80xi32, #tpu.memory_space<vmem>> -> memref<80xi32, #tpu.memory_space<vmem>>
    %dma_start3A_27 = arith.constant 0 : i32
    %dma_start3A_28 = arith.constant 0 : i32
    %dma_start3A_29 = tpu.memref_slice %arg2[%dma_start3A_27, %dma_start3A_28] : memref<10000x128xf32, #tpu.memory_space<hbm>> -> memref<10000x128xf32, #tpu.memory_space<hbm>>
    tpu.enqueue_indirect_dma source(%dma_start3A_29 : memref<10000x128xf32, #tpu.memory_space<hbm>>) target(%dma_start3A_23 : memref<80x128xf32, #tpu.memory_space<vmem>>) offsets(%dma_start3A_26 : memref<80xi32, #tpu.memory_space<vmem>>) semaphore(%arg13 : memref<!tpu.dma_semaphore, #tpu.memory_space<semaphore_mem>>)
    %scan3A = arith.constant 0 : i32
    %scan3A_30 = arith.constant 0 : i32
    %scan3A_31 = arith.constant 125 : i32
    %scan3A_32 = arith.addi %scan3A_30, %scan3A_31 : i32
    %scan3A_33 = arith.constant 1 : i32
    scf.for %scan3A_83 = %scan3A_30 to %scan3A_32 step %scan3A_33  : i32 {
      %rem3A_84 = arith.constant 2 : i32
      %rem3A_85 = arith.remsi %scan3A_83, %rem3A_84 : i32
      %sub3A = arith.constant 1 : i32
      %sub3A_86 = arith.subi %sub3A, %rem3A_85 : i32
      %dma_wait3A_87 = arith.constant 0 : i32
      %dma_wait3A_88 = arith.constant 0 : i32
      %dma_wait3A_89 = arith.constant 0 : i32
      %dma_wait3A_90 = tpu.memref_slice %arg9[%rem3A_85, %dma_wait3A_88, %dma_wait3A_89] : memref<2x80x128xf32, #tpu.memory_space<vmem>> -> memref<1x80x128xf32, #tpu.memory_space<vmem>>
      %dma_wait3A_91 = tpu.memref_squeeze %dma_wait3A_90 : memref<1x80x128xf32, #tpu.memory_space<vmem>> -> memref<80x128xf32, #tpu.memory_space<vmem>>
      %dma_wait3A_92 = arith.constant 0 : i32
      %dma_wait3A_93 = tpu.memref_slice %arg7[%dma_wait3A_87, %scan3A_83, %dma_wait3A_92] : memref<1x125x80xi32, #tpu.memory_space<vmem>> -> memref<1x1x80xi32, #tpu.memory_space<vmem>>
      %dma_wait3A_94 = tpu.memref_squeeze %dma_wait3A_93 : memref<1x1x80xi32, #tpu.memory_space<vmem>> -> memref<80xi32, #tpu.memory_space<vmem>>
      %dma_wait3A_95 = arith.constant 0 : i32
      %dma_wait3A_96 = arith.constant 0 : i32
      %dma_wait3A_97 = tpu.memref_slice %arg2[%dma_wait3A_95, %dma_wait3A_96] : memref<10000x128xf32, #tpu.memory_space<hbm>> -> memref<10000x128xf32, #tpu.memory_space<hbm>>
      tpu.wait_indirect_dma semaphore(%arg12 : memref<!tpu.dma_semaphore, #tpu.memory_space<semaphore_mem>>) src(%dma_wait3A_97 : memref<10000x128xf32, #tpu.memory_space<hbm>>) dst(%dma_wait3A_91 : memref<80x128xf32, #tpu.memory_space<vmem>>)
      %dma_wait3A_98 = arith.constant 0 : i32
      %dma_wait3A_99 = arith.constant 0 : i32
      %dma_wait3A_100 = arith.constant 0 : i32
      %dma_wait3A_101 = tpu.memref_slice %arg10[%rem3A_85, %dma_wait3A_99, %dma_wait3A_100] : memref<2x80x128xf32, #tpu.memory_space<vmem>> -> memref<1x80x128xf32, #tpu.memory_space<vmem>>
      %dma_wait3A_102 = tpu.memref_squeeze %dma_wait3A_101 : memref<1x80x128xf32, #tpu.memory_space<vmem>> -> memref<80x128xf32, #tpu.memory_space<vmem>>
      %dma_wait3A_103 = arith.constant 0 : i32
      %dma_wait3A_104 = tpu.memref_slice %arg8[%dma_wait3A_98, %scan3A_83, %dma_wait3A_103] : memref<1x125x80xi32, #tpu.memory_space<vmem>> -> memref<1x1x80xi32, #tpu.memory_space<vmem>>
      %dma_wait3A_105 = tpu.memref_squeeze %dma_wait3A_104 : memref<1x1x80xi32, #tpu.memory_space<vmem>> -> memref<80xi32, #tpu.memory_space<vmem>>
      %dma_wait3A_106 = arith.constant 0 : i32
      %dma_wait3A_107 = arith.constant 0 : i32
      %dma_wait3A_108 = tpu.memref_slice %arg2[%dma_wait3A_106, %dma_wait3A_107] : memref<10000x128xf32, #tpu.memory_space<hbm>> -> memref<10000x128xf32, #tpu.memory_space<hbm>>
      tpu.wait_indirect_dma semaphore(%arg13 : memref<!tpu.dma_semaphore, #tpu.memory_space<semaphore_mem>>) src(%dma_wait3A_108 : memref<10000x128xf32, #tpu.memory_space<hbm>>) dst(%dma_wait3A_102 : memref<80x128xf32, #tpu.memory_space<vmem>>)
      %gt3A = arith.constant 0 : i32
      %gt3A_109 = arith.cmpi sgt, %scan3A_83, %gt3A : i32
      %add3A_110 = arith.constant 1 : i32
      %add3A_111 = arith.addi %scan3A_83, %add3A_110 : i32
      %lt3A = arith.constant 125 : i32
      %lt3A_112 = arith.cmpi slt, %add3A_111, %lt3A : i32
      %and3A = arith.andi %gt3A_109, %lt3A_112 : i1
      %convert_element_type3A = arith.extui %and3A : i1 to i32
      %cond3A = arith.constant 0 : i32
      %cond3A_113 = arith.cmpi ne, %convert_element_type3A, %cond3A : i32
      scf.if %cond3A_113 {
        %sub3A_197 = arith.constant 1 : i32
        %sub3A_198 = arith.subi %scan3A_83, %sub3A_197 : i32
        %mul3A_199 = arith.constant 80 : i32
        %mul3A_200 = arith.muli %sub3A_198, %mul3A_199 : i32
        %add3A_201 = arith.addi %mul3A_4, %mul3A_200 : i32
        %dma_wait3A_202 = arith.constant 0 : i32
        %dma_wait3A_203 = arith.constant 0 : i32
        %dma_wait3A_204 = tpu.memref_slice %arg9[%sub3A_86, %dma_wait3A_202, %dma_wait3A_203] : memref<2x80x128xf32, #tpu.memory_space<vmem>> -> memref<1x80x128xf32, #tpu.memory_space<vmem>>
        %dma_wait3A_205 = tpu.memref_squeeze %dma_wait3A_204 : memref<1x80x128xf32, #tpu.memory_space<vmem>> -> memref<80x128xf32, #tpu.memory_space<vmem>>
        %dma_wait3A_206 = arith.constant 0 : i32
        %dma_wait3A_207 = tpu.memref_slice %arg6[%add3A_201, %dma_wait3A_206] : memref<320000x128xf32, #tpu.memory_space<hbm>> -> memref<80x128xf32, #tpu.memory_space<hbm>>
        %dma_wait3A_208 = arith.constant 0 : i32
        %dma_wait3A_209 = tpu.memref_slice %arg6[%add3A_201, %dma_wait3A_208] : memref<320000x128xf32, #tpu.memory_space<hbm>> -> memref<80x128xf32, #tpu.memory_space<hbm>>
        %dma_wait3A_210 = arith.constant 0 : i32
        %dma_wait3A_211 = arith.constant 0 : i32
        %dma_wait3A_212 = tpu.memref_slice %arg9[%sub3A_86, %dma_wait3A_210, %dma_wait3A_211] : memref<2x80x128xf32, #tpu.memory_space<vmem>> -> memref<1x80x128xf32, #tpu.memory_space<vmem>>
        %dma_wait3A_213 = tpu.memref_squeeze %dma_wait3A_212 : memref<1x80x128xf32, #tpu.memory_space<vmem>> -> memref<80x128xf32, #tpu.memory_space<vmem>>
        tpu.wait_dma2 semaphore(%arg14 : memref<!tpu.dma_semaphore, #tpu.memory_space<semaphore_mem>>) src(%dma_wait3A_213 : memref<80x128xf32, #tpu.memory_space<vmem>>) dst(%dma_wait3A_209 : memref<80x128xf32, #tpu.memory_space<hbm>>)
        %dma_wait3A_214 = arith.constant 0 : i32
        %dma_wait3A_215 = tpu.memref_slice %arg11[%sub3A_86, %dma_wait3A_214] : memref<2x80xf32, #tpu.memory_space<vmem>> -> memref<1x80xf32, #tpu.memory_space<vmem>>
        %dma_wait3A_216 = tpu.memref_squeeze %dma_wait3A_215 : memref<1x80xf32, #tpu.memory_space<vmem>> -> memref<80xf32, #tpu.memory_space<vmem>>
        %dma_wait3A_217 = tpu.memref_slice %arg5[%add3A_201] : memref<320000xf32, #tpu.memory_space<hbm>> -> memref<80xf32, #tpu.memory_space<hbm>>
        %dma_wait3A_218 = tpu.memref_slice %arg5[%add3A_201] : memref<320000xf32, #tpu.memory_space<hbm>> -> memref<80xf32, #tpu.memory_space<hbm>>
        %dma_wait3A_219 = arith.constant 0 : i32
        %dma_wait3A_220 = tpu.memref_slice %arg11[%sub3A_86, %dma_wait3A_219] : memref<2x80xf32, #tpu.memory_space<vmem>> -> memref<1x80xf32, #tpu.memory_space<vmem>>
        %dma_wait3A_221 = tpu.memref_squeeze %dma_wait3A_220 : memref<1x80xf32, #tpu.memory_space<vmem>> -> memref<80xf32, #tpu.memory_space<vmem>>
        tpu.wait_dma2 semaphore(%arg14 : memref<!tpu.dma_semaphore, #tpu.memory_space<semaphore_mem>>) src(%dma_wait3A_221 : memref<80xf32, #tpu.memory_space<vmem>>) dst(%dma_wait3A_218 : memref<80xf32, #tpu.memory_space<hbm>>)
      } else {
      }
      %add3A_114 = arith.constant 1 : i32
      %add3A_115 = arith.addi %scan3A_83, %add3A_114 : i32
      %lt3A_116 = arith.constant 125 : i32
      %lt3A_117 = arith.cmpi slt, %add3A_115, %lt3A_116 : i32
      %convert_element_type3A_118 = arith.extui %lt3A_117 : i1 to i32
      %cond3A_119 = arith.constant 0 : i32
      %cond3A_120 = arith.cmpi ne, %convert_element_type3A_118, %cond3A_119 : i32
      scf.if %cond3A_120 {
        %add3A_197 = arith.constant 1 : i32
        %add3A_198 = arith.addi %scan3A_83, %add3A_197 : i32
        %dma_start3A_199 = arith.constant 0 : i32
        %dma_start3A_200 = arith.constant 0 : i32
        %dma_start3A_201 = arith.constant 0 : i32
        %dma_start3A_202 = tpu.memref_slice %arg9[%sub3A_86, %dma_start3A_200, %dma_start3A_201] : memref<2x80x128xf32, #tpu.memory_space<vmem>> -> memref<1x80x128xf32, #tpu.memory_space<vmem>>
        %dma_start3A_203 = tpu.memref_squeeze %dma_start3A_202 : memref<1x80x128xf32, #tpu.memory_space<vmem>> -> memref<80x128xf32, #tpu.memory_space<vmem>>
        %dma_start3A_204 = arith.constant 0 : i32
        %dma_start3A_205 = tpu.memref_slice %arg7[%dma_start3A_199, %add3A_198, %dma_start3A_204] : memref<1x125x80xi32, #tpu.memory_space<vmem>> -> memref<1x1x80xi32, #tpu.memory_space<vmem>>
        %dma_start3A_206 = tpu.memref_squeeze %dma_start3A_205 : memref<1x1x80xi32, #tpu.memory_space<vmem>> -> memref<80xi32, #tpu.memory_space<vmem>>
        %dma_start3A_207 = arith.constant 0 : i32
        %dma_start3A_208 = arith.constant 0 : i32
        %dma_start3A_209 = tpu.memref_slice %arg2[%dma_start3A_207, %dma_start3A_208] : memref<10000x128xf32, #tpu.memory_space<hbm>> -> memref<10000x128xf32, #tpu.memory_space<hbm>>
        tpu.enqueue_indirect_dma source(%dma_start3A_209 : memref<10000x128xf32, #tpu.memory_space<hbm>>) target(%dma_start3A_203 : memref<80x128xf32, #tpu.memory_space<vmem>>) offsets(%dma_start3A_206 : memref<80xi32, #tpu.memory_space<vmem>>) semaphore(%arg12 : memref<!tpu.dma_semaphore, #tpu.memory_space<semaphore_mem>>)
        %dma_start3A_210 = arith.constant 0 : i32
        %dma_start3A_211 = arith.constant 0 : i32
        %dma_start3A_212 = arith.constant 0 : i32
        %dma_start3A_213 = tpu.memref_slice %arg10[%sub3A_86, %dma_start3A_211, %dma_start3A_212] : memref<2x80x128xf32, #tpu.memory_space<vmem>> -> memref<1x80x128xf32, #tpu.memory_space<vmem>>
        %dma_start3A_214 = tpu.memref_squeeze %dma_start3A_213 : memref<1x80x128xf32, #tpu.memory_space<vmem>> -> memref<80x128xf32, #tpu.memory_space<vmem>>
        %dma_start3A_215 = arith.constant 0 : i32
        %dma_start3A_216 = tpu.memref_slice %arg8[%dma_start3A_210, %add3A_198, %dma_start3A_215] : memref<1x125x80xi32, #tpu.memory_space<vmem>> -> memref<1x1x80xi32, #tpu.memory_space<vmem>>
        %dma_start3A_217 = tpu.memref_squeeze %dma_start3A_216 : memref<1x1x80xi32, #tpu.memory_space<vmem>> -> memref<80xi32, #tpu.memory_space<vmem>>
        %dma_start3A_218 = arith.constant 0 : i32
        %dma_start3A_219 = arith.constant 0 : i32
        %dma_start3A_220 = tpu.memref_slice %arg2[%dma_start3A_218, %dma_start3A_219] : memref<10000x128xf32, #tpu.memory_space<hbm>> -> memref<10000x128xf32, #tpu.memory_space<hbm>>
        tpu.enqueue_indirect_dma source(%dma_start3A_220 : memref<10000x128xf32, #tpu.memory_space<hbm>>) target(%dma_start3A_214 : memref<80x128xf32, #tpu.memory_space<vmem>>) offsets(%dma_start3A_217 : memref<80xi32, #tpu.memory_space<vmem>>) semaphore(%arg13 : memref<!tpu.dma_semaphore, #tpu.memory_space<semaphore_mem>>)
      } else {
      }
      %broadcast_in_dim3A = arith.constant 0.000000e+00 : f32
      %broadcast_in_dim3A_121 = vector.broadcast %broadcast_in_dim3A : f32 to vector<16xf32>
      %scan3A_122 = arith.constant 0 : i32
      %scan3A_123 = arith.constant 16 : i32
      %scan3A_124 = arith.addi %scan3A_122, %scan3A_123 : i32
      %scan3A_125 = arith.constant 2 : i32
      %scan3A_126 = scf.for %scan3A_197 = %scan3A_122 to %scan3A_124 step %scan3A_125 iter_args(%scan3A_198 = %broadcast_in_dim3A_121) -> (vector<16xf32>)  : i32 {
        %add3A_199 = arith.constant 0 : i32
        %add3A_200 = arith.addi %add3A_199, %scan3A_197 : i32
        %broadcast_in_dim3A_201 = arith.constant 0.000000e+00 : f32
        %broadcast_in_dim3A_202 = vector.broadcast %broadcast_in_dim3A_201 : f32 to vector<16xf32>
        %get3A = arith.index_cast %rem3A_85 : i32 to index
        %get3A_203 = arith.index_cast %add3A_200 : i32 to index
        %get3A_204 = arith.constant 0 : index
        %get3A_205 = tpu.vector_load %arg9[%get3A, %get3A_203, %get3A_204] {strides = array<i32>} : memref<2x80x128xf32, #tpu.memory_space<vmem>>, vector<16xf32>,
        %get3A_206 = arith.index_cast %rem3A_85 : i32 to index
        %get3A_207 = arith.index_cast %add3A_200 : i32 to index
        %get3A_208 = arith.constant 0 : index
        %get3A_209 = tpu.vector_load %arg10[%get3A_206, %get3A_207, %get3A_208] {strides = array<i32>} : memref<2x80x128xf32, #tpu.memory_space<vmem>>, vector<16xf32>,
        %sub3A_210 = arith.subf %get3A_205, %get3A_209 : vector<16xf32>
        %mul3A_211 = arith.mulf %sub3A_210, %sub3A_210 : vector<16xf32>
        %add3A_212 = arith.addf %broadcast_in_dim3A_202, %mul3A_211 : vector<16xf32>
        %get3A_213 = arith.index_cast %rem3A_85 : i32 to index
        %get3A_214 = arith.index_cast %add3A_200 : i32 to index
        %get3A_215 = arith.constant 16 : index
        %get3A_216 = tpu.vector_load %arg9[%get3A_213, %get3A_214, %get3A_215] {strides = array<i32>} : memref<2x80x128xf32, #tpu.memory_space<vmem>>, vector<16xf32>,
        %get3A_217 = arith.index_cast %rem3A_85 : i32 to index
        %get3A_218 = arith.index_cast %add3A_200 : i32 to index
        %get3A_219 = arith.constant 16 : index
        %get3A_220 = tpu.vector_load %arg10[%get3A_217, %get3A_218, %get3A_219] {strides = array<i32>} : memref<2x80x128xf32, #tpu.memory_space<vmem>>, vector<16xf32>,
        %sub3A_221 = arith.subf %get3A_216, %get3A_220 : vector<16xf32>
        %mul3A_222 = arith.mulf %sub3A_221, %sub3A_221 : vector<16xf32>
        %add3A_223 = arith.addf %add3A_212, %mul3A_222 : vector<16xf32>
        %get3A_224 = arith.index_cast %rem3A_85 : i32 to index
        %get3A_225 = arith.index_cast %add3A_200 : i32 to index
        %get3A_226 = arith.constant 32 : index
        %get3A_227 = tpu.vector_load %arg9[%get3A_224, %get3A_225, %get3A_226] {strides = array<i32>} : memref<2x80x128xf32, #tpu.memory_space<vmem>>, vector<16xf32>,
        %get3A_228 = arith.index_cast %rem3A_85 : i32 to index
        %get3A_229 = arith.index_cast %add3A_200 : i32 to index
        %get3A_230 = arith.constant 32 : index
        %get3A_231 = tpu.vector_load %arg10[%get3A_228, %get3A_229, %get3A_230] {strides = array<i32>} : memref<2x80x128xf32, #tpu.memory_space<vmem>>, vector<16xf32>,
        %sub3A_232 = arith.subf %get3A_227, %get3A_231 : vector<16xf32>
        %mul3A_233 = arith.mulf %sub3A_232, %sub3A_232 : vector<16xf32>
        %add3A_234 = arith.addf %add3A_223, %mul3A_233 : vector<16xf32>
        %get3A_235 = arith.index_cast %rem3A_85 : i32 to index
        %get3A_236 = arith.index_cast %add3A_200 : i32 to index
        %get3A_237 = arith.constant 48 : index
        %get3A_238 = tpu.vector_load %arg9[%get3A_235, %get3A_236, %get3A_237] {strides = array<i32>} : memref<2x80x128xf32, #tpu.memory_space<vmem>>, vector<16xf32>,
        %get3A_239 = arith.index_cast %rem3A_85 : i32 to index
        %get3A_240 = arith.index_cast %add3A_200 : i32 to index
        %get3A_241 = arith.constant 48 : index
        %get3A_242 = tpu.vector_load %arg10[%get3A_239, %get3A_240, %get3A_241] {strides = array<i32>} : memref<2x80x128xf32, #tpu.memory_space<vmem>>, vector<16xf32>,
        %sub3A_243 = arith.subf %get3A_238, %get3A_242 : vector<16xf32>
        %mul3A_244 = arith.mulf %sub3A_243, %sub3A_243 : vector<16xf32>
        %add3A_245 = arith.addf %add3A_234, %mul3A_244 : vector<16xf32>
        %get3A_246 = arith.index_cast %rem3A_85 : i32 to index
        %get3A_247 = arith.index_cast %add3A_200 : i32 to index
        %get3A_248 = arith.constant 64 : index
        %get3A_249 = tpu.vector_load %arg9[%get3A_246, %get3A_247, %get3A_248] {strides = array<i32>} : memref<2x80x128xf32, #tpu.memory_space<vmem>>, vector<16xf32>,
        %get3A_250 = arith.index_cast %rem3A_85 : i32 to index
        %get3A_251 = arith.index_cast %add3A_200 : i32 to index
        %get3A_252 = arith.constant 64 : index
        %get3A_253 = tpu.vector_load %arg10[%get3A_250, %get3A_251, %get3A_252] {strides = array<i32>} : memref<2x80x128xf32, #tpu.memory_space<vmem>>, vector<16xf32>,
        %sub3A_254 = arith.subf %get3A_249, %get3A_253 : vector<16xf32>
        %mul3A_255 = arith.mulf %sub3A_254, %sub3A_254 : vector<16xf32>
        %add3A_256 = arith.addf %add3A_245, %mul3A_255 : vector<16xf32>
        %get3A_257 = arith.index_cast %rem3A_85 : i32 to index
        %get3A_258 = arith.index_cast %add3A_200 : i32 to index
        %get3A_259 = arith.constant 80 : index
        %get3A_260 = tpu.vector_load %arg9[%get3A_257, %get3A_258, %get3A_259] {strides = array<i32>} : memref<2x80x128xf32, #tpu.memory_space<vmem>>, vector<16xf32>,
        %get3A_261 = arith.index_cast %rem3A_85 : i32 to index
        %get3A_262 = arith.index_cast %add3A_200 : i32 to index
        %get3A_263 = arith.constant 80 : index
        %get3A_264 = tpu.vector_load %arg10[%get3A_261, %get3A_262, %get3A_263] {strides = array<i32>} : memref<2x80x128xf32, #tpu.memory_space<vmem>>, vector<16xf32>,
        %sub3A_265 = arith.subf %get3A_260, %get3A_264 : vector<16xf32>
        %mul3A_266 = arith.mulf %sub3A_265, %sub3A_265 : vector<16xf32>
        %add3A_267 = arith.addf %add3A_256, %mul3A_266 : vector<16xf32>
        %get3A_268 = arith.index_cast %rem3A_85 : i32 to index
        %get3A_269 = arith.index_cast %add3A_200 : i32 to index
        %get3A_270 = arith.constant 96 : index
        %get3A_271 = tpu.vector_load %arg9[%get3A_268, %get3A_269, %get3A_270] {strides = array<i32>} : memref<2x80x128xf32, #tpu.memory_space<vmem>>, vector<16xf32>,
        %get3A_272 = arith.index_cast %rem3A_85 : i32 to index
        %get3A_273 = arith.index_cast %add3A_200 : i32 to index
        %get3A_274 = arith.constant 96 : index
        %get3A_275 = tpu.vector_load %arg10[%get3A_272, %get3A_273, %get3A_274] {strides = array<i32>} : memref<2x80x128xf32, #tpu.memory_space<vmem>>, vector<16xf32>,
        %sub3A_276 = arith.subf %get3A_271, %get3A_275 : vector<16xf32>
        %mul3A_277 = arith.mulf %sub3A_276, %sub3A_276 : vector<16xf32>
        %add3A_278 = arith.addf %add3A_267, %mul3A_277 : vector<16xf32>
        %get3A_279 = arith.index_cast %rem3A_85 : i32 to index
        %get3A_280 = arith.index_cast %add3A_200 : i32 to index
        %get3A_281 = arith.constant 112 : index
        %get3A_282 = tpu.vector_load %arg9[%get3A_279, %get3A_280, %get3A_281] {strides = array<i32>} : memref<2x80x128xf32, #tpu.memory_space<vmem>>, vector<16xf32>,
        %get3A_283 = arith.index_cast %rem3A_85 : i32 to index
        %get3A_284 = arith.index_cast %add3A_200 : i32 to index
        %get3A_285 = arith.constant 112 : index
        %get3A_286 = tpu.vector_load %arg10[%get3A_283, %get3A_284, %get3A_285] {strides = array<i32>} : memref<2x80x128xf32, #tpu.memory_space<vmem>>, vector<16xf32>,
        %sub3A_287 = arith.subf %get3A_282, %get3A_286 : vector<16xf32>
        %mul3A_288 = arith.mulf %sub3A_287, %sub3A_287 : vector<16xf32>
        %add3A_289 = arith.addf %add3A_278, %mul3A_288 : vector<16xf32>
        %reduce_sum3A = arith.constant true
        %reduce_sum3A_290 = vector.broadcast %reduce_sum3A : i1 to vector<16xi1>
        %reduce_sum3A_291 = tpu.scan <sum>, %add3A_289 masked %reduce_sum3A_290 : vector<16xf32>, vector<16xi1> -> vector<16xf32>
        %reduce_sum3A_292 = vector.extract %reduce_sum3A_291[15] : f32 from vector<16xf32>
        %broadcast_in_dim3A_293 = vector.broadcast %reduce_sum3A_292 : f32 to vector<16xf32>
        %bitcast_convert_type3A = tpu.bitcast %broadcast_in_dim3A_293 : vector<16xf32> -> vector<16xi32>
        %shift_right_arithmetic3A = arith.constant 1 : i32
        %shift_right_arithmetic3A_294 = vector.broadcast %shift_right_arithmetic3A : i32 to vector<16xi32>
        %shift_right_arithmetic3A_295 = arith.shrsi %bitcast_convert_type3A, %shift_right_arithmetic3A_294 : vector<16xi32>
        %sub3A_296 = arith.constant 1597463007 : i32
        %sub3A_297 = vector.broadcast %sub3A_296 : i32 to vector<16xi32>
        %sub3A_298 = arith.subi %sub3A_297, %shift_right_arithmetic3A_295 : vector<16xi32>
        %bitcast_convert_type3A_299 = tpu.bitcast %sub3A_298 : vector<16xi32> -> vector<16xf32>
        %mul3A_300 = arith.constant 5.000000e-01 : f32
        %mul3A_301 = vector.broadcast %mul3A_300 : f32 to vector<16xf32>
        %mul3A_302 = arith.mulf %mul3A_301, %broadcast_in_dim3A_293 : vector<16xf32>
        %mul3A_303 = arith.mulf %mul3A_302, %bitcast_convert_type3A_299 : vector<16xf32>
        %mul3A_304 = arith.mulf %mul3A_303, %bitcast_convert_type3A_299 : vector<16xf32>
        %sub3A_305 = arith.constant 1.500000e+00 : f32
        %sub3A_306 = vector.broadcast %sub3A_305 : f32 to vector<16xf32>
        %sub3A_307 = arith.subf %sub3A_306, %mul3A_304 : vector<16xf32>
        %mul3A_308 = arith.mulf %bitcast_convert_type3A_299, %sub3A_307 : vector<16xf32>
        %mul3A_309 = arith.constant 5.000000e-01 : f32
        %mul3A_310 = vector.broadcast %mul3A_309 : f32 to vector<16xf32>
        %mul3A_311 = arith.mulf %mul3A_310, %broadcast_in_dim3A_293 : vector<16xf32>
        %mul3A_312 = arith.mulf %mul3A_311, %mul3A_308 : vector<16xf32>
        %mul3A_313 = arith.mulf %mul3A_312, %mul3A_308 : vector<16xf32>
        %sub3A_314 = arith.constant 1.500000e+00 : f32
        %sub3A_315 = vector.broadcast %sub3A_314 : f32 to vector<16xf32>
        %sub3A_316 = arith.subf %sub3A_315, %mul3A_313 : vector<16xf32>
        %mul3A_317 = arith.mulf %mul3A_308, %sub3A_316 : vector<16xf32>
        %mul3A_318 = arith.mulf %broadcast_in_dim3A_293, %mul3A_317 : vector<16xf32>
        %add3A_319 = arith.constant 1.000000e+00 : f32
        %add3A_320 = vector.broadcast %add3A_319 : f32 to vector<16xf32>
        %add3A_321 = arith.addf %add3A_320, %mul3A_318 : vector<16xf32>
        %div3A = arith.constant 1.000000e+00 : f32
        %div3A_322 = vector.broadcast %div3A : f32 to vector<16xf32>
        %div3A_323 = arith.divf %div3A_322, %add3A_321 : vector<16xf32>
        %mul3A_324 = arith.mulf %sub3A_210, %div3A_323 : vector<16xf32>
        %swap3A_325 = arith.index_cast %rem3A_85 : i32 to index
        %swap3A_326 = arith.index_cast %add3A_200 : i32 to index
        %swap3A_327 = arith.constant 0 : index
        %swap3A_328 = tpu.vector_load %arg9[%swap3A_325, %swap3A_326, %swap3A_327] {strides = array<i32>} : memref<2x80x128xf32, #tpu.memory_space<vmem>>, vector<16xf32>,
        tpu.vector_store %arg9[%swap3A_325, %swap3A_326, %swap3A_327], %mul3A_324 {strides = array<i32>} : memref<2x80x128xf32, #tpu.memory_space<vmem>>, vector<16xf32>,
        %mul3A_329 = arith.mulf %sub3A_221, %div3A_323 : vector<16xf32>
        %swap3A_330 = arith.index_cast %rem3A_85 : i32 to index
        %swap3A_331 = arith.index_cast %add3A_200 : i32 to index
        %swap3A_332 = arith.constant 16 : index
        %swap3A_333 = tpu.vector_load %arg9[%swap3A_330, %swap3A_331, %swap3A_332] {strides = array<i32>} : memref<2x80x128xf32, #tpu.memory_space<vmem>>, vector<16xf32>,
        tpu.vector_store %arg9[%swap3A_330, %swap3A_331, %swap3A_332], %mul3A_329 {strides = array<i32>} : memref<2x80x128xf32, #tpu.memory_space<vmem>>, vector<16xf32>,
        %mul3A_334 = arith.mulf %sub3A_232, %div3A_323 : vector<16xf32>
        %swap3A_335 = arith.index_cast %rem3A_85 : i32 to index
        %swap3A_336 = arith.index_cast %add3A_200 : i32 to index
        %swap3A_337 = arith.constant 32 : index
        %swap3A_338 = tpu.vector_load %arg9[%swap3A_335, %swap3A_336, %swap3A_337] {strides = array<i32>} : memref<2x80x128xf32, #tpu.memory_space<vmem>>, vector<16xf32>,
        tpu.vector_store %arg9[%swap3A_335, %swap3A_336, %swap3A_337], %mul3A_334 {strides = array<i32>} : memref<2x80x128xf32, #tpu.memory_space<vmem>>, vector<16xf32>,
        %mul3A_339 = arith.mulf %sub3A_243, %div3A_323 : vector<16xf32>
        %swap3A_340 = arith.index_cast %rem3A_85 : i32 to index
        %swap3A_341 = arith.index_cast %add3A_200 : i32 to index
        %swap3A_342 = arith.constant 48 : index
        %swap3A_343 = tpu.vector_load %arg9[%swap3A_340, %swap3A_341, %swap3A_342] {strides = array<i32>} : memref<2x80x128xf32, #tpu.memory_space<vmem>>, vector<16xf32>,
        tpu.vector_store %arg9[%swap3A_340, %swap3A_341, %swap3A_342], %mul3A_339 {strides = array<i32>} : memref<2x80x128xf32, #tpu.memory_space<vmem>>, vector<16xf32>,
        %mul3A_344 = arith.mulf %sub3A_254, %div3A_323 : vector<16xf32>
        %swap3A_345 = arith.index_cast %rem3A_85 : i32 to index
        %swap3A_346 = arith.index_cast %add3A_200 : i32 to index
        %swap3A_347 = arith.constant 64 : index
        %swap3A_348 = tpu.vector_load %arg9[%swap3A_345, %swap3A_346, %swap3A_347] {strides = array<i32>} : memref<2x80x128xf32, #tpu.memory_space<vmem>>, vector<16xf32>,
        tpu.vector_store %arg9[%swap3A_345, %swap3A_346, %swap3A_347], %mul3A_344 {strides = array<i32>} : memref<2x80x128xf32, #tpu.memory_space<vmem>>, vector<16xf32>,
        %mul3A_349 = arith.mulf %sub3A_265, %div3A_323 : vector<16xf32>
        %swap3A_350 = arith.index_cast %rem3A_85 : i32 to index
        %swap3A_351 = arith.index_cast %add3A_200 : i32 to index
        %swap3A_352 = arith.constant 80 : index
        %swap3A_353 = tpu.vector_load %arg9[%swap3A_350, %swap3A_351, %swap3A_352] {strides = array<i32>} : memref<2x80x128xf32, #tpu.memory_space<vmem>>, vector<16xf32>,
        tpu.vector_store %arg9[%swap3A_350, %swap3A_351, %swap3A_352], %mul3A_349 {strides = array<i32>} : memref<2x80x128xf32, #tpu.memory_space<vmem>>, vector<16xf32>,
        %mul3A_354 = arith.mulf %sub3A_276, %div3A_323 : vector<16xf32>
        %swap3A_355 = arith.index_cast %rem3A_85 : i32 to index
        %swap3A_356 = arith.index_cast %add3A_200 : i32 to index
        %swap3A_357 = arith.constant 96 : index
        %swap3A_358 = tpu.vector_load %arg9[%swap3A_355, %swap3A_356, %swap3A_357] {strides = array<i32>} : memref<2x80x128xf32, #tpu.memory_space<vmem>>, vector<16xf32>,
        tpu.vector_store %arg9[%swap3A_355, %swap3A_356, %swap3A_357], %mul3A_354 {strides = array<i32>} : memref<2x80x128xf32, #tpu.memory_space<vmem>>, vector<16xf32>,
        %mul3A_359 = arith.mulf %sub3A_287, %div3A_323 : vector<16xf32>
        %swap3A_360 = arith.index_cast %rem3A_85 : i32 to index
        %swap3A_361 = arith.index_cast %add3A_200 : i32 to index
        %swap3A_362 = arith.constant 112 : index
        %swap3A_363 = tpu.vector_load %arg9[%swap3A_360, %swap3A_361, %swap3A_362] {strides = array<i32>} : memref<2x80x128xf32, #tpu.memory_space<vmem>>, vector<16xf32>,
        tpu.vector_store %arg9[%swap3A_360, %swap3A_361, %swap3A_362], %mul3A_359 {strides = array<i32>} : memref<2x80x128xf32, #tpu.memory_space<vmem>>, vector<16xf32>,
        %eq3A = vector.broadcast %scan3A_197 : i32 to vector<16xi32>
        %eq3A_364 = arith.cmpi eq, %iota3A, %eq3A : vector<16xi32>
        %select_n3A = arith.select %eq3A_364, %mul3A_318, %scan3A_198 : vector<16xi1>, vector<16xf32>
        %scan3A_365 = arith.constant 1 : i32
        %scan3A_366 = arith.addi %scan3A_197, %scan3A_365 : i32
        %add3A_367 = arith.constant 0 : i32
        %add3A_368 = arith.addi %add3A_367, %scan3A_366 : i32
        %broadcast_in_dim3A_369 = arith.constant 0.000000e+00 : f32
        %broadcast_in_dim3A_370 = vector.broadcast %broadcast_in_dim3A_369 : f32 to vector<16xf32>
        %get3A_371 = arith.index_cast %rem3A_85 : i32 to index
        %get3A_372 = arith.index_cast %add3A_368 : i32 to index
        %get3A_373 = arith.constant 0 : index
        %get3A_374 = tpu.vector_load %arg9[%get3A_371, %get3A_372, %get3A_373] {strides = array<i32>} : memref<2x80x128xf32, #tpu.memory_space<vmem>>, vector<16xf32>,
        %get3A_375 = arith.index_cast %rem3A_85 : i32 to index
        %get3A_376 = arith.index_cast %add3A_368 : i32 to index
        %get3A_377 = arith.constant 0 : index
        %get3A_378 = tpu.vector_load %arg10[%get3A_375, %get3A_376, %get3A_377] {strides = array<i32>} : memref<2x80x128xf32, #tpu.memory_space<vmem>>, vector<16xf32>,
        %sub3A_379 = arith.subf %get3A_374, %get3A_378 : vector<16xf32>
        %mul3A_380 = arith.mulf %sub3A_379, %sub3A_379 : vector<16xf32>
        %add3A_381 = arith.addf %broadcast_in_dim3A_370, %mul3A_380 : vector<16xf32>
        %get3A_382 = arith.index_cast %rem3A_85 : i32 to index
        %get3A_383 = arith.index_cast %add3A_368 : i32 to index
        %get3A_384 = arith.constant 16 : index
        %get3A_385 = tpu.vector_load %arg9[%get3A_382, %get3A_383, %get3A_384] {strides = array<i32>} : memref<2x80x128xf32, #tpu.memory_space<vmem>>, vector<16xf32>,
        %get3A_386 = arith.index_cast %rem3A_85 : i32 to index
        %get3A_387 = arith.index_cast %add3A_368 : i32 to index
        %get3A_388 = arith.constant 16 : index
        %get3A_389 = tpu.vector_load %arg10[%get3A_386, %get3A_387, %get3A_388] {strides = array<i32>} : memref<2x80x128xf32, #tpu.memory_space<vmem>>, vector<16xf32>,
        %sub3A_390 = arith.subf %get3A_385, %get3A_389 : vector<16xf32>
        %mul3A_391 = arith.mulf %sub3A_390, %sub3A_390 : vector<16xf32>
        %add3A_392 = arith.addf %add3A_381, %mul3A_391 : vector<16xf32>
        %get3A_393 = arith.index_cast %rem3A_85 : i32 to index
        %get3A_394 = arith.index_cast %add3A_368 : i32 to index
        %get3A_395 = arith.constant 32 : index
        %get3A_396 = tpu.vector_load %arg9[%get3A_393, %get3A_394, %get3A_395] {strides = array<i32>} : memref<2x80x128xf32, #tpu.memory_space<vmem>>, vector<16xf32>,
        %get3A_397 = arith.index_cast %rem3A_85 : i32 to index
        %get3A_398 = arith.index_cast %add3A_368 : i32 to index
        %get3A_399 = arith.constant 32 : index
        %get3A_400 = tpu.vector_load %arg10[%get3A_397, %get3A_398, %get3A_399] {strides = array<i32>} : memref<2x80x128xf32, #tpu.memory_space<vmem>>, vector<16xf32>,
        %sub3A_401 = arith.subf %get3A_396, %get3A_400 : vector<16xf32>
        %mul3A_402 = arith.mulf %sub3A_401, %sub3A_401 : vector<16xf32>
        %add3A_403 = arith.addf %add3A_392, %mul3A_402 : vector<16xf32>
        %get3A_404 = arith.index_cast %rem3A_85 : i32 to index
        %get3A_405 = arith.index_cast %add3A_368 : i32 to index
        %get3A_406 = arith.constant 48 : index
        %get3A_407 = tpu.vector_load %arg9[%get3A_404, %get3A_405, %get3A_406] {strides = array<i32>} : memref<2x80x128xf32, #tpu.memory_space<vmem>>, vector<16xf32>,
        %get3A_408 = arith.index_cast %rem3A_85 : i32 to index
        %get3A_409 = arith.index_cast %add3A_368 : i32 to index
        %get3A_410 = arith.constant 48 : index
        %get3A_411 = tpu.vector_load %arg10[%get3A_408, %get3A_409, %get3A_410] {strides = array<i32>} : memref<2x80x128xf32, #tpu.memory_space<vmem>>, vector<16xf32>,
        %sub3A_412 = arith.subf %get3A_407, %get3A_411 : vector<16xf32>
        %mul3A_413 = arith.mulf %sub3A_412, %sub3A_412 : vector<16xf32>
        %add3A_414 = arith.addf %add3A_403, %mul3A_413 : vector<16xf32>
        %get3A_415 = arith.index_cast %rem3A_85 : i32 to index
        %get3A_416 = arith.index_cast %add3A_368 : i32 to index
        %get3A_417 = arith.constant 64 : index
        %get3A_418 = tpu.vector_load %arg9[%get3A_415, %get3A_416, %get3A_417] {strides = array<i32>} : memref<2x80x128xf32, #tpu.memory_space<vmem>>, vector<16xf32>,
        %get3A_419 = arith.index_cast %rem3A_85 : i32 to index
        %get3A_420 = arith.index_cast %add3A_368 : i32 to index
        %get3A_421 = arith.constant 64 : index
        %get3A_422 = tpu.vector_load %arg10[%get3A_419, %get3A_420, %get3A_421] {strides = array<i32>} : memref<2x80x128xf32, #tpu.memory_space<vmem>>, vector<16xf32>,
        %sub3A_423 = arith.subf %get3A_418, %get3A_422 : vector<16xf32>
        %mul3A_424 = arith.mulf %sub3A_423, %sub3A_423 : vector<16xf32>
        %add3A_425 = arith.addf %add3A_414, %mul3A_424 : vector<16xf32>
        %get3A_426 = arith.index_cast %rem3A_85 : i32 to index
        %get3A_427 = arith.index_cast %add3A_368 : i32 to index
        %get3A_428 = arith.constant 80 : index
        %get3A_429 = tpu.vector_load %arg9[%get3A_426, %get3A_427, %get3A_428] {strides = array<i32>} : memref<2x80x128xf32, #tpu.memory_space<vmem>>, vector<16xf32>,
        %get3A_430 = arith.index_cast %rem3A_85 : i32 to index
        %get3A_431 = arith.index_cast %add3A_368 : i32 to index
        %get3A_432 = arith.constant 80 : index
        %get3A_433 = tpu.vector_load %arg10[%get3A_430, %get3A_431, %get3A_432] {strides = array<i32>} : memref<2x80x128xf32, #tpu.memory_space<vmem>>, vector<16xf32>,
        %sub3A_434 = arith.subf %get3A_429, %get3A_433 : vector<16xf32>
        %mul3A_435 = arith.mulf %sub3A_434, %sub3A_434 : vector<16xf32>
        %add3A_436 = arith.addf %add3A_425, %mul3A_435 : vector<16xf32>
        %get3A_437 = arith.index_cast %rem3A_85 : i32 to index
        %get3A_438 = arith.index_cast %add3A_368 : i32 to index
        %get3A_439 = arith.constant 96 : index
        %get3A_440 = tpu.vector_load %arg9[%get3A_437, %get3A_438, %get3A_439] {strides = array<i32>} : memref<2x80x128xf32, #tpu.memory_space<vmem>>, vector<16xf32>,
        %get3A_441 = arith.index_cast %rem3A_85 : i32 to index
        %get3A_442 = arith.index_cast %add3A_368 : i32 to index
        %get3A_443 = arith.constant 96 : index
        %get3A_444 = tpu.vector_load %arg10[%get3A_441, %get3A_442, %get3A_443] {strides = array<i32>} : memref<2x80x128xf32, #tpu.memory_space<vmem>>, vector<16xf32>,
        %sub3A_445 = arith.subf %get3A_440, %get3A_444 : vector<16xf32>
        %mul3A_446 = arith.mulf %sub3A_445, %sub3A_445 : vector<16xf32>
        %add3A_447 = arith.addf %add3A_436, %mul3A_446 : vector<16xf32>
        %get3A_448 = arith.index_cast %rem3A_85 : i32 to index
        %get3A_449 = arith.index_cast %add3A_368 : i32 to index
        %get3A_450 = arith.constant 112 : index
        %get3A_451 = tpu.vector_load %arg9[%get3A_448, %get3A_449, %get3A_450] {strides = array<i32>} : memref<2x80x128xf32, #tpu.memory_space<vmem>>, vector<16xf32>,
        %get3A_452 = arith.index_cast %rem3A_85 : i32 to index
        %get3A_453 = arith.index_cast %add3A_368 : i32 to index
        %get3A_454 = arith.constant 112 : index
        %get3A_455 = tpu.vector_load %arg10[%get3A_452, %get3A_453, %get3A_454] {strides = array<i32>} : memref<2x80x128xf32, #tpu.memory_space<vmem>>, vector<16xf32>,
        %sub3A_456 = arith.subf %get3A_451, %get3A_455 : vector<16xf32>
        %mul3A_457 = arith.mulf %sub3A_456, %sub3A_456 : vector<16xf32>
        %add3A_458 = arith.addf %add3A_447, %mul3A_457 : vector<16xf32>
        %reduce_sum3A_459 = arith.constant true
        %reduce_sum3A_460 = vector.broadcast %reduce_sum3A_459 : i1 to vector<16xi1>
        %reduce_sum3A_461 = tpu.scan <sum>, %add3A_458 masked %reduce_sum3A_460 : vector<16xf32>, vector<16xi1> -> vector<16xf32>
        %reduce_sum3A_462 = vector.extract %reduce_sum3A_461[15] : f32 from vector<16xf32>
        %broadcast_in_dim3A_463 = vector.broadcast %reduce_sum3A_462 : f32 to vector<16xf32>
        %bitcast_convert_type3A_464 = tpu.bitcast %broadcast_in_dim3A_463 : vector<16xf32> -> vector<16xi32>
        %shift_right_arithmetic3A_465 = arith.constant 1 : i32
        %shift_right_arithmetic3A_466 = vector.broadcast %shift_right_arithmetic3A_465 : i32 to vector<16xi32>
        %shift_right_arithmetic3A_467 = arith.shrsi %bitcast_convert_type3A_464, %shift_right_arithmetic3A_466 : vector<16xi32>
        %sub3A_468 = arith.constant 1597463007 : i32
        %sub3A_469 = vector.broadcast %sub3A_468 : i32 to vector<16xi32>
        %sub3A_470 = arith.subi %sub3A_469, %shift_right_arithmetic3A_467 : vector<16xi32>
        %bitcast_convert_type3A_471 = tpu.bitcast %sub3A_470 : vector<16xi32> -> vector<16xf32>
        %mul3A_472 = arith.constant 5.000000e-01 : f32
        %mul3A_473 = vector.broadcast %mul3A_472 : f32 to vector<16xf32>
        %mul3A_474 = arith.mulf %mul3A_473, %broadcast_in_dim3A_463 : vector<16xf32>
        %mul3A_475 = arith.mulf %mul3A_474, %bitcast_convert_type3A_471 : vector<16xf32>
        %mul3A_476 = arith.mulf %mul3A_475, %bitcast_convert_type3A_471 : vector<16xf32>
        %sub3A_477 = arith.constant 1.500000e+00 : f32
        %sub3A_478 = vector.broadcast %sub3A_477 : f32 to vector<16xf32>
        %sub3A_479 = arith.subf %sub3A_478, %mul3A_476 : vector<16xf32>
        %mul3A_480 = arith.mulf %bitcast_convert_type3A_471, %sub3A_479 : vector<16xf32>
        %mul3A_481 = arith.constant 5.000000e-01 : f32
        %mul3A_482 = vector.broadcast %mul3A_481 : f32 to vector<16xf32>
        %mul3A_483 = arith.mulf %mul3A_482, %broadcast_in_dim3A_463 : vector<16xf32>
        %mul3A_484 = arith.mulf %mul3A_483, %mul3A_480 : vector<16xf32>
        %mul3A_485 = arith.mulf %mul3A_484, %mul3A_480 : vector<16xf32>
        %sub3A_486 = arith.constant 1.500000e+00 : f32
        %sub3A_487 = vector.broadcast %sub3A_486 : f32 to vector<16xf32>
        %sub3A_488 = arith.subf %sub3A_487, %mul3A_485 : vector<16xf32>
        %mul3A_489 = arith.mulf %mul3A_480, %sub3A_488 : vector<16xf32>
        %mul3A_490 = arith.mulf %broadcast_in_dim3A_463, %mul3A_489 : vector<16xf32>
        %add3A_491 = arith.constant 1.000000e+00 : f32
        %add3A_492 = vector.broadcast %add3A_491 : f32 to vector<16xf32>
        %add3A_493 = arith.addf %add3A_492, %mul3A_490 : vector<16xf32>
        %div3A_494 = arith.constant 1.000000e+00 : f32
        %div3A_495 = vector.broadcast %div3A_494 : f32 to vector<16xf32>
        %div3A_496 = arith.divf %div3A_495, %add3A_493 : vector<16xf32>
        %mul3A_497 = arith.mulf %sub3A_379, %div3A_496 : vector<16xf32>
        %swap3A_498 = arith.index_cast %rem3A_85 : i32 to index
        %swap3A_499 = arith.index_cast %add3A_368 : i32 to index
        %swap3A_500 = arith.constant 0 : index
        %swap3A_501 = tpu.vector_load %arg9[%swap3A_498, %swap3A_499, %swap3A_500] {strides = array<i32>} : memref<2x80x128xf32, #tpu.memory_space<vmem>>, vector<16xf32>,
        tpu.vector_store %arg9[%swap3A_498, %swap3A_499, %swap3A_500], %mul3A_497 {strides = array<i32>} : memref<2x80x128xf32, #tpu.memory_space<vmem>>, vector<16xf32>,
        %mul3A_502 = arith.mulf %sub3A_390, %div3A_496 : vector<16xf32>
        %swap3A_503 = arith.index_cast %rem3A_85 : i32 to index
        %swap3A_504 = arith.index_cast %add3A_368 : i32 to index
        %swap3A_505 = arith.constant 16 : index
        %swap3A_506 = tpu.vector_load %arg9[%swap3A_503, %swap3A_504, %swap3A_505] {strides = array<i32>} : memref<2x80x128xf32, #tpu.memory_space<vmem>>, vector<16xf32>,
        tpu.vector_store %arg9[%swap3A_503, %swap3A_504, %swap3A_505], %mul3A_502 {strides = array<i32>} : memref<2x80x128xf32, #tpu.memory_space<vmem>>, vector<16xf32>,
        %mul3A_507 = arith.mulf %sub3A_401, %div3A_496 : vector<16xf32>
        %swap3A_508 = arith.index_cast %rem3A_85 : i32 to index
        %swap3A_509 = arith.index_cast %add3A_368 : i32 to index
        %swap3A_510 = arith.constant 32 : index
        %swap3A_511 = tpu.vector_load %arg9[%swap3A_508, %swap3A_509, %swap3A_510] {strides = array<i32>} : memref<2x80x128xf32, #tpu.memory_space<vmem>>, vector<16xf32>,
        tpu.vector_store %arg9[%swap3A_508, %swap3A_509, %swap3A_510], %mul3A_507 {strides = array<i32>} : memref<2x80x128xf32, #tpu.memory_space<vmem>>, vector<16xf32>,
        %mul3A_512 = arith.mulf %sub3A_412, %div3A_496 : vector<16xf32>
        %swap3A_513 = arith.index_cast %rem3A_85 : i32 to index
        %swap3A_514 = arith.index_cast %add3A_368 : i32 to index
        %swap3A_515 = arith.constant 48 : index
        %swap3A_516 = tpu.vector_load %arg9[%swap3A_513, %swap3A_514, %swap3A_515] {strides = array<i32>} : memref<2x80x128xf32, #tpu.memory_space<vmem>>, vector<16xf32>,
        tpu.vector_store %arg9[%swap3A_513, %swap3A_514, %swap3A_515], %mul3A_512 {strides = array<i32>} : memref<2x80x128xf32, #tpu.memory_space<vmem>>, vector<16xf32>,
        %mul3A_517 = arith.mulf %sub3A_423, %div3A_496 : vector<16xf32>
        %swap3A_518 = arith.index_cast %rem3A_85 : i32 to index
        %swap3A_519 = arith.index_cast %add3A_368 : i32 to index
        %swap3A_520 = arith.constant 64 : index
        %swap3A_521 = tpu.vector_load %arg9[%swap3A_518, %swap3A_519, %swap3A_520] {strides = array<i32>} : memref<2x80x128xf32, #tpu.memory_space<vmem>>, vector<16xf32>,
        tpu.vector_store %arg9[%swap3A_518, %swap3A_519, %swap3A_520], %mul3A_517 {strides = array<i32>} : memref<2x80x128xf32, #tpu.memory_space<vmem>>, vector<16xf32>,
        %mul3A_522 = arith.mulf %sub3A_434, %div3A_496 : vector<16xf32>
        %swap3A_523 = arith.index_cast %rem3A_85 : i32 to index
        %swap3A_524 = arith.index_cast %add3A_368 : i32 to index
        %swap3A_525 = arith.constant 80 : index
        %swap3A_526 = tpu.vector_load %arg9[%swap3A_523, %swap3A_524, %swap3A_525] {strides = array<i32>} : memref<2x80x128xf32, #tpu.memory_space<vmem>>, vector<16xf32>,
        tpu.vector_store %arg9[%swap3A_523, %swap3A_524, %swap3A_525], %mul3A_522 {strides = array<i32>} : memref<2x80x128xf32, #tpu.memory_space<vmem>>, vector<16xf32>,
        %mul3A_527 = arith.mulf %sub3A_445, %div3A_496 : vector<16xf32>
        %swap3A_528 = arith.index_cast %rem3A_85 : i32 to index
        %swap3A_529 = arith.index_cast %add3A_368 : i32 to index
        %swap3A_530 = arith.constant 96 : index
        %swap3A_531 = tpu.vector_load %arg9[%swap3A_528, %swap3A_529, %swap3A_530] {strides = array<i32>} : memref<2x80x128xf32, #tpu.memory_space<vmem>>, vector<16xf32>,
        tpu.vector_store %arg9[%swap3A_528, %swap3A_529, %swap3A_530], %mul3A_527 {strides = array<i32>} : memref<2x80x128xf32, #tpu.memory_space<vmem>>, vector<16xf32>,
        %mul3A_532 = arith.mulf %sub3A_456, %div3A_496 : vector<16xf32>
        %swap3A_533 = arith.index_cast %rem3A_85 : i32 to index
        %swap3A_534 = arith.index_cast %add3A_368 : i32 to index
        %swap3A_535 = arith.constant 112 : index
        %swap3A_536 = tpu.vector_load %arg9[%swap3A_533, %swap3A_534, %swap3A_535] {strides = array<i32>} : memref<2x80x128xf32, #tpu.memory_space<vmem>>, vector<16xf32>,
        tpu.vector_store %arg9[%swap3A_533, %swap3A_534, %swap3A_535], %mul3A_532 {strides = array<i32>} : memref<2x80x128xf32, #tpu.memory_space<vmem>>, vector<16xf32>,
        %eq3A_537 = vector.broadcast %scan3A_366 : i32 to vector<16xi32>
        %eq3A_538 = arith.cmpi eq, %iota3A, %eq3A_537 : vector<16xi32>
        %select_n3A_539 = arith.select %eq3A_538, %mul3A_490, %select_n3A : vector<16xi1>, vector<16xf32>
        scf.yield %select_n3A_539 : vector<16xf32>
      }
      %scan3A_127 = arith.constant 16 : i32
      %swap3A = arith.index_cast %rem3A_85 : i32 to index
      %swap3A_128 = arith.constant 0 : index
      %swap3A_129 = tpu.vector_load %arg11[%swap3A, %swap3A_128] {strides = array<i32>} : memref<2x80xf32, #tpu.memory_space<vmem>>, vector<16xf32>,
      tpu.vector_store %arg11[%swap3A, %swap3A_128], %scan3A_126 {strides = array<i32>} : memref<2x80xf32, #tpu.memory_space<vmem>>, vector<16xf32>,
      %broadcast_in_dim3A_130 = arith.constant 0.000000e+00 : f32
      %broadcast_in_dim3A_131 = vector.broadcast %broadcast_in_dim3A_130 : f32 to vector<16xf32>
      %scan3A_132 = arith.constant 0 : i32
      %scan3A_133 = arith.constant 16 : i32
      %scan3A_134 = arith.addi %scan3A_132, %scan3A_133 : i32
      %scan3A_135 = arith.constant 2 : i32
      %scan3A_136 = scf.for %scan3A_197 = %scan3A_132 to %scan3A_134 step %scan3A_135 iter_args(%scan3A_198 = %broadcast_in_dim3A_131) -> (vector<16xf32>)  : i32 {
        %add3A_199 = arith.constant 16 : i32
        %add3A_200 = arith.addi %add3A_199, %scan3A_197 : i32
        %broadcast_in_dim3A_201 = arith.constant 0.000000e+00 : f32
        %broadcast_in_dim3A_202 = vector.broadcast %broadcast_in_dim3A_201 : f32 to vector<16xf32>
        %get3A = arith.index_cast %rem3A_85 : i32 to index
        %get3A_203 = arith.index_cast %add3A_200 : i32 to index
        %get3A_204 = arith.constant 0 : index
        %get3A_205 = tpu.vector_load %arg9[%get3A, %get3A_203, %get3A_204] {strides = array<i32>} : memref<2x80x128xf32, #tpu.memory_space<vmem>>, vector<16xf32>,
        %get3A_206 = arith.index_cast %rem3A_85 : i32 to index
        %get3A_207 = arith.index_cast %add3A_200 : i32 to index
        %get3A_208 = arith.constant 0 : index
        %get3A_209 = tpu.vector_load %arg10[%get3A_206, %get3A_207, %get3A_208] {strides = array<i32>} : memref<2x80x128xf32, #tpu.memory_space<vmem>>, vector<16xf32>,
        %sub3A_210 = arith.subf %get3A_205, %get3A_209 : vector<16xf32>
        %mul3A_211 = arith.mulf %sub3A_210, %sub3A_210 : vector<16xf32>
        %add3A_212 = arith.addf %broadcast_in_dim3A_202, %mul3A_211 : vector<16xf32>
        %get3A_213 = arith.index_cast %rem3A_85 : i32 to index
        %get3A_214 = arith.index_cast %add3A_200 : i32 to index
        %get3A_215 = arith.constant 16 : index
        %get3A_216 = tpu.vector_load %arg9[%get3A_213, %get3A_214, %get3A_215] {strides = array<i32>} : memref<2x80x128xf32, #tpu.memory_space<vmem>>, vector<16xf32>,
        %get3A_217 = arith.index_cast %rem3A_85 : i32 to index
        %get3A_218 = arith.index_cast %add3A_200 : i32 to index
        %get3A_219 = arith.constant 16 : index
        %get3A_220 = tpu.vector_load %arg10[%get3A_217, %get3A_218, %get3A_219] {strides = array<i32>} : memref<2x80x128xf32, #tpu.memory_space<vmem>>, vector<16xf32>,
        %sub3A_221 = arith.subf %get3A_216, %get3A_220 : vector<16xf32>
        %mul3A_222 = arith.mulf %sub3A_221, %sub3A_221 : vector<16xf32>
        %add3A_223 = arith.addf %add3A_212, %mul3A_222 : vector<16xf32>
        %get3A_224 = arith.index_cast %rem3A_85 : i32 to index
        %get3A_225 = arith.index_cast %add3A_200 : i32 to index
        %get3A_226 = arith.constant 32 : index
        %get3A_227 = tpu.vector_load %arg9[%get3A_224, %get3A_225, %get3A_226] {strides = array<i32>} : memref<2x80x128xf32, #tpu.memory_space<vmem>>, vector<16xf32>,
        %get3A_228 = arith.index_cast %rem3A_85 : i32 to index
        %get3A_229 = arith.index_cast %add3A_200 : i32 to index
        %get3A_230 = arith.constant 32 : index
        %get3A_231 = tpu.vector_load %arg10[%get3A_228, %get3A_229, %get3A_230] {strides = array<i32>} : memref<2x80x128xf32, #tpu.memory_space<vmem>>, vector<16xf32>,
        %sub3A_232 = arith.subf %get3A_227, %get3A_231 : vector<16xf32>
        %mul3A_233 = arith.mulf %sub3A_232, %sub3A_232 : vector<16xf32>
        %add3A_234 = arith.addf %add3A_223, %mul3A_233 : vector<16xf32>
        %get3A_235 = arith.index_cast %rem3A_85 : i32 to index
        %get3A_236 = arith.index_cast %add3A_200 : i32 to index
        %get3A_237 = arith.constant 48 : index
        %get3A_238 = tpu.vector_load %arg9[%get3A_235, %get3A_236, %get3A_237] {strides = array<i32>} : memref<2x80x128xf32, #tpu.memory_space<vmem>>, vector<16xf32>,
        %get3A_239 = arith.index_cast %rem3A_85 : i32 to index
        %get3A_240 = arith.index_cast %add3A_200 : i32 to index
        %get3A_241 = arith.constant 48 : index
        %get3A_242 = tpu.vector_load %arg10[%get3A_239, %get3A_240, %get3A_241] {strides = array<i32>} : memref<2x80x128xf32, #tpu.memory_space<vmem>>, vector<16xf32>,
        %sub3A_243 = arith.subf %get3A_238, %get3A_242 : vector<16xf32>
        %mul3A_244 = arith.mulf %sub3A_243, %sub3A_243 : vector<16xf32>
        %add3A_245 = arith.addf %add3A_234, %mul3A_244 : vector<16xf32>
        %get3A_246 = arith.index_cast %rem3A_85 : i32 to index
        %get3A_247 = arith.index_cast %add3A_200 : i32 to index
        %get3A_248 = arith.constant 64 : index
        %get3A_249 = tpu.vector_load %arg9[%get3A_246, %get3A_247, %get3A_248] {strides = array<i32>} : memref<2x80x128xf32, #tpu.memory_space<vmem>>, vector<16xf32>,
        %get3A_250 = arith.index_cast %rem3A_85 : i32 to index
        %get3A_251 = arith.index_cast %add3A_200 : i32 to index
        %get3A_252 = arith.constant 64 : index
        %get3A_253 = tpu.vector_load %arg10[%get3A_250, %get3A_251, %get3A_252] {strides = array<i32>} : memref<2x80x128xf32, #tpu.memory_space<vmem>>, vector<16xf32>,
        %sub3A_254 = arith.subf %get3A_249, %get3A_253 : vector<16xf32>
        %mul3A_255 = arith.mulf %sub3A_254, %sub3A_254 : vector<16xf32>
        %add3A_256 = arith.addf %add3A_245, %mul3A_255 : vector<16xf32>
        %get3A_257 = arith.index_cast %rem3A_85 : i32 to index
        %get3A_258 = arith.index_cast %add3A_200 : i32 to index
        %get3A_259 = arith.constant 80 : index
        %get3A_260 = tpu.vector_load %arg9[%get3A_257, %get3A_258, %get3A_259] {strides = array<i32>} : memref<2x80x128xf32, #tpu.memory_space<vmem>>, vector<16xf32>,
        %get3A_261 = arith.index_cast %rem3A_85 : i32 to index
        %get3A_262 = arith.index_cast %add3A_200 : i32 to index
        %get3A_263 = arith.constant 80 : index
        %get3A_264 = tpu.vector_load %arg10[%get3A_261, %get3A_262, %get3A_263] {strides = array<i32>} : memref<2x80x128xf32, #tpu.memory_space<vmem>>, vector<16xf32>,
        %sub3A_265 = arith.subf %get3A_260, %get3A_264 : vector<16xf32>
        %mul3A_266 = arith.mulf %sub3A_265, %sub3A_265 : vector<16xf32>
        %add3A_267 = arith.addf %add3A_256, %mul3A_266 : vector<16xf32>
        %get3A_268 = arith.index_cast %rem3A_85 : i32 to index
        %get3A_269 = arith.index_cast %add3A_200 : i32 to index
        %get3A_270 = arith.constant 96 : index
        %get3A_271 = tpu.vector_load %arg9[%get3A_268, %get3A_269, %get3A_270] {strides = array<i32>} : memref<2x80x128xf32, #tpu.memory_space<vmem>>, vector<16xf32>,
        %get3A_272 = arith.index_cast %rem3A_85 : i32 to index
        %get3A_273 = arith.index_cast %add3A_200 : i32 to index
        %get3A_274 = arith.constant 96 : index
        %get3A_275 = tpu.vector_load %arg10[%get3A_272, %get3A_273, %get3A_274] {strides = array<i32>} : memref<2x80x128xf32, #tpu.memory_space<vmem>>, vector<16xf32>,
        %sub3A_276 = arith.subf %get3A_271, %get3A_275 : vector<16xf32>
        %mul3A_277 = arith.mulf %sub3A_276, %sub3A_276 : vector<16xf32>
        %add3A_278 = arith.addf %add3A_267, %mul3A_277 : vector<16xf32>
        %get3A_279 = arith.index_cast %rem3A_85 : i32 to index
        %get3A_280 = arith.index_cast %add3A_200 : i32 to index
        %get3A_281 = arith.constant 112 : index
        %get3A_282 = tpu.vector_load %arg9[%get3A_279, %get3A_280, %get3A_281] {strides = array<i32>} : memref<2x80x128xf32, #tpu.memory_space<vmem>>, vector<16xf32>,
        %get3A_283 = arith.index_cast %rem3A_85 : i32 to index
        %get3A_284 = arith.index_cast %add3A_200 : i32 to index
        %get3A_285 = arith.constant 112 : index
        %get3A_286 = tpu.vector_load %arg10[%get3A_283, %get3A_284, %get3A_285] {strides = array<i32>} : memref<2x80x128xf32, #tpu.memory_space<vmem>>, vector<16xf32>,
        %sub3A_287 = arith.subf %get3A_282, %get3A_286 : vector<16xf32>
        %mul3A_288 = arith.mulf %sub3A_287, %sub3A_287 : vector<16xf32>
        %add3A_289 = arith.addf %add3A_278, %mul3A_288 : vector<16xf32>
        %reduce_sum3A = arith.constant true
        %reduce_sum3A_290 = vector.broadcast %reduce_sum3A : i1 to vector<16xi1>
        %reduce_sum3A_291 = tpu.scan <sum>, %add3A_289 masked %reduce_sum3A_290 : vector<16xf32>, vector<16xi1> -> vector<16xf32>
        %reduce_sum3A_292 = vector.extract %reduce_sum3A_291[15] : f32 from vector<16xf32>
        %broadcast_in_dim3A_293 = vector.broadcast %reduce_sum3A_292 : f32 to vector<16xf32>
        %bitcast_convert_type3A = tpu.bitcast %broadcast_in_dim3A_293 : vector<16xf32> -> vector<16xi32>
        %shift_right_arithmetic3A = arith.constant 1 : i32
        %shift_right_arithmetic3A_294 = vector.broadcast %shift_right_arithmetic3A : i32 to vector<16xi32>
        %shift_right_arithmetic3A_295 = arith.shrsi %bitcast_convert_type3A, %shift_right_arithmetic3A_294 : vector<16xi32>
        %sub3A_296 = arith.constant 1597463007 : i32
        %sub3A_297 = vector.broadcast %sub3A_296 : i32 to vector<16xi32>
        %sub3A_298 = arith.subi %sub3A_297, %shift_right_arithmetic3A_295 : vector<16xi32>
        %bitcast_convert_type3A_299 = tpu.bitcast %sub3A_298 : vector<16xi32> -> vector<16xf32>
        %mul3A_300 = arith.constant 5.000000e-01 : f32
        %mul3A_301 = vector.broadcast %mul3A_300 : f32 to vector<16xf32>
        %mul3A_302 = arith.mulf %mul3A_301, %broadcast_in_dim3A_293 : vector<16xf32>
        %mul3A_303 = arith.mulf %mul3A_302, %bitcast_convert_type3A_299 : vector<16xf32>
        %mul3A_304 = arith.mulf %mul3A_303, %bitcast_convert_type3A_299 : vector<16xf32>
        %sub3A_305 = arith.constant 1.500000e+00 : f32
        %sub3A_306 = vector.broadcast %sub3A_305 : f32 to vector<16xf32>
        %sub3A_307 = arith.subf %sub3A_306, %mul3A_304 : vector<16xf32>
        %mul3A_308 = arith.mulf %bitcast_convert_type3A_299, %sub3A_307 : vector<16xf32>
        %mul3A_309 = arith.constant 5.000000e-01 : f32
        %mul3A_310 = vector.broadcast %mul3A_309 : f32 to vector<16xf32>
        %mul3A_311 = arith.mulf %mul3A_310, %broadcast_in_dim3A_293 : vector<16xf32>
        %mul3A_312 = arith.mulf %mul3A_311, %mul3A_308 : vector<16xf32>
        %mul3A_313 = arith.mulf %mul3A_312, %mul3A_308 : vector<16xf32>
        %sub3A_314 = arith.constant 1.500000e+00 : f32
        %sub3A_315 = vector.broadcast %sub3A_314 : f32 to vector<16xf32>
        %sub3A_316 = arith.subf %sub3A_315, %mul3A_313 : vector<16xf32>
        %mul3A_317 = arith.mulf %mul3A_308, %sub3A_316 : vector<16xf32>
        %mul3A_318 = arith.mulf %broadcast_in_dim3A_293, %mul3A_317 : vector<16xf32>
        %add3A_319 = arith.constant 1.000000e+00 : f32
        %add3A_320 = vector.broadcast %add3A_319 : f32 to vector<16xf32>
        %add3A_321 = arith.addf %add3A_320, %mul3A_318 : vector<16xf32>
        %div3A = arith.constant 1.000000e+00 : f32
        %div3A_322 = vector.broadcast %div3A : f32 to vector<16xf32>
        %div3A_323 = arith.divf %div3A_322, %add3A_321 : vector<16xf32>
        %mul3A_324 = arith.mulf %sub3A_210, %div3A_323 : vector<16xf32>
        %swap3A_325 = arith.index_cast %rem3A_85 : i32 to index
        %swap3A_326 = arith.index_cast %add3A_200 : i32 to index
        %swap3A_327 = arith.constant 0 : index
        %swap3A_328 = tpu.vector_load %arg9[%swap3A_325, %swap3A_326, %swap3A_327] {strides = array<i32>} : memref<2x80x128xf32, #tpu.memory_space<vmem>>, vector<16xf32>,
        tpu.vector_store %arg9[%swap3A_325, %swap3A_326, %swap3A_327], %mul3A_324 {strides = array<i32>} : memref<2x80x128xf32, #tpu.memory_space<vmem>>, vector<16xf32>,
        %mul3A_329 = arith.mulf %sub3A_221, %div3A_323 : vector<16xf32>
        %swap3A_330 = arith.index_cast %rem3A_85 : i32 to index
        %swap3A_331 = arith.index_cast %add3A_200 : i32 to index
        %swap3A_332 = arith.constant 16 : index
        %swap3A_333 = tpu.vector_load %arg9[%swap3A_330, %swap3A_331, %swap3A_332] {strides = array<i32>} : memref<2x80x128xf32, #tpu.memory_space<vmem>>, vector<16xf32>,
        tpu.vector_store %arg9[%swap3A_330, %swap3A_331, %swap3A_332], %mul3A_329 {strides = array<i32>} : memref<2x80x128xf32, #tpu.memory_space<vmem>>, vector<16xf32>,
        %mul3A_334 = arith.mulf %sub3A_232, %div3A_323 : vector<16xf32>
        %swap3A_335 = arith.index_cast %rem3A_85 : i32 to index
        %swap3A_336 = arith.index_cast %add3A_200 : i32 to index
        %swap3A_337 = arith.constant 32 : index
        %swap3A_338 = tpu.vector_load %arg9[%swap3A_335, %swap3A_336, %swap3A_337] {strides = array<i32>} : memref<2x80x128xf32, #tpu.memory_space<vmem>>, vector<16xf32>,
        tpu.vector_store %arg9[%swap3A_335, %swap3A_336, %swap3A_337], %mul3A_334 {strides = array<i32>} : memref<2x80x128xf32, #tpu.memory_space<vmem>>, vector<16xf32>,
        %mul3A_339 = arith.mulf %sub3A_243, %div3A_323 : vector<16xf32>
        %swap3A_340 = arith.index_cast %rem3A_85 : i32 to index
        %swap3A_341 = arith.index_cast %add3A_200 : i32 to index
        %swap3A_342 = arith.constant 48 : index
        %swap3A_343 = tpu.vector_load %arg9[%swap3A_340, %swap3A_341, %swap3A_342] {strides = array<i32>} : memref<2x80x128xf32, #tpu.memory_space<vmem>>, vector<16xf32>,
        tpu.vector_store %arg9[%swap3A_340, %swap3A_341, %swap3A_342], %mul3A_339 {strides = array<i32>} : memref<2x80x128xf32, #tpu.memory_space<vmem>>, vector<16xf32>,
        %mul3A_344 = arith.mulf %sub3A_254, %div3A_323 : vector<16xf32>
        %swap3A_345 = arith.index_cast %rem3A_85 : i32 to index
        %swap3A_346 = arith.index_cast %add3A_200 : i32 to index
        %swap3A_347 = arith.constant 64 : index
        %swap3A_348 = tpu.vector_load %arg9[%swap3A_345, %swap3A_346, %swap3A_347] {strides = array<i32>} : memref<2x80x128xf32, #tpu.memory_space<vmem>>, vector<16xf32>,
        tpu.vector_store %arg9[%swap3A_345, %swap3A_346, %swap3A_347], %mul3A_344 {strides = array<i32>} : memref<2x80x128xf32, #tpu.memory_space<vmem>>, vector<16xf32>,
        %mul3A_349 = arith.mulf %sub3A_265, %div3A_323 : vector<16xf32>
        %swap3A_350 = arith.index_cast %rem3A_85 : i32 to index
        %swap3A_351 = arith.index_cast %add3A_200 : i32 to index
        %swap3A_352 = arith.constant 80 : index
        %swap3A_353 = tpu.vector_load %arg9[%swap3A_350, %swap3A_351, %swap3A_352] {strides = array<i32>} : memref<2x80x128xf32, #tpu.memory_space<vmem>>, vector<16xf32>,
        tpu.vector_store %arg9[%swap3A_350, %swap3A_351, %swap3A_352], %mul3A_349 {strides = array<i32>} : memref<2x80x128xf32, #tpu.memory_space<vmem>>, vector<16xf32>,
        %mul3A_354 = arith.mulf %sub3A_276, %div3A_323 : vector<16xf32>
        %swap3A_355 = arith.index_cast %rem3A_85 : i32 to index
        %swap3A_356 = arith.index_cast %add3A_200 : i32 to index
        %swap3A_357 = arith.constant 96 : index
        %swap3A_358 = tpu.vector_load %arg9[%swap3A_355, %swap3A_356, %swap3A_357] {strides = array<i32>} : memref<2x80x128xf32, #tpu.memory_space<vmem>>, vector<16xf32>,
        tpu.vector_store %arg9[%swap3A_355, %swap3A_356, %swap3A_357], %mul3A_354 {strides = array<i32>} : memref<2x80x128xf32, #tpu.memory_space<vmem>>, vector<16xf32>,
        %mul3A_359 = arith.mulf %sub3A_287, %div3A_323 : vector<16xf32>
        %swap3A_360 = arith.index_cast %rem3A_85 : i32 to index
        %swap3A_361 = arith.index_cast %add3A_200 : i32 to index
        %swap3A_362 = arith.constant 112 : index
        %swap3A_363 = tpu.vector_load %arg9[%swap3A_360, %swap3A_361, %swap3A_362] {strides = array<i32>} : memref<2x80x128xf32, #tpu.memory_space<vmem>>, vector<16xf32>,
        tpu.vector_store %arg9[%swap3A_360, %swap3A_361, %swap3A_362], %mul3A_359 {strides = array<i32>} : memref<2x80x128xf32, #tpu.memory_space<vmem>>, vector<16xf32>,
        %eq3A = vector.broadcast %scan3A_197 : i32 to vector<16xi32>
        %eq3A_364 = arith.cmpi eq, %iota3A, %eq3A : vector<16xi32>
        %select_n3A = arith.select %eq3A_364, %mul3A_318, %scan3A_198 : vector<16xi1>, vector<16xf32>
        %scan3A_365 = arith.constant 1 : i32
        %scan3A_366 = arith.addi %scan3A_197, %scan3A_365 : i32
        %add3A_367 = arith.constant 16 : i32
        %add3A_368 = arith.addi %add3A_367, %scan3A_366 : i32
        %broadcast_in_dim3A_369 = arith.constant 0.000000e+00 : f32
        %broadcast_in_dim3A_370 = vector.broadcast %broadcast_in_dim3A_369 : f32 to vector<16xf32>
        %get3A_371 = arith.index_cast %rem3A_85 : i32 to index
        %get3A_372 = arith.index_cast %add3A_368 : i32 to index
        %get3A_373 = arith.constant 0 : index
        %get3A_374 = tpu.vector_load %arg9[%get3A_371, %get3A_372, %get3A_373] {strides = array<i32>} : memref<2x80x128xf32, #tpu.memory_space<vmem>>, vector<16xf32>,
        %get3A_375 = arith.index_cast %rem3A_85 : i32 to index
        %get3A_376 = arith.index_cast %add3A_368 : i32 to index
        %get3A_377 = arith.constant 0 : index
        %get3A_378 = tpu.vector_load %arg10[%get3A_375, %get3A_376, %get3A_377] {strides = array<i32>} : memref<2x80x128xf32, #tpu.memory_space<vmem>>, vector<16xf32>,
        %sub3A_379 = arith.subf %get3A_374, %get3A_378 : vector<16xf32>
        %mul3A_380 = arith.mulf %sub3A_379, %sub3A_379 : vector<16xf32>
        %add3A_381 = arith.addf %broadcast_in_dim3A_370, %mul3A_380 : vector<16xf32>
        %get3A_382 = arith.index_cast %rem3A_85 : i32 to index
        %get3A_383 = arith.index_cast %add3A_368 : i32 to index
        %get3A_384 = arith.constant 16 : index
        %get3A_385 = tpu.vector_load %arg9[%get3A_382, %get3A_383, %get3A_384] {strides = array<i32>} : memref<2x80x128xf32, #tpu.memory_space<vmem>>, vector<16xf32>,
        %get3A_386 = arith.index_cast %rem3A_85 : i32 to index
        %get3A_387 = arith.index_cast %add3A_368 : i32 to index
        %get3A_388 = arith.constant 16 : index
        %get3A_389 = tpu.vector_load %arg10[%get3A_386, %get3A_387, %get3A_388] {strides = array<i32>} : memref<2x80x128xf32, #tpu.memory_space<vmem>>, vector<16xf32>,
        %sub3A_390 = arith.subf %get3A_385, %get3A_389 : vector<16xf32>
        %mul3A_391 = arith.mulf %sub3A_390, %sub3A_390 : vector<16xf32>
        %add3A_392 = arith.addf %add3A_381, %mul3A_391 : vector<16xf32>
        %get3A_393 = arith.index_cast %rem3A_85 : i32 to index
        %get3A_394 = arith.index_cast %add3A_368 : i32 to index
        %get3A_395 = arith.constant 32 : index
        %get3A_396 = tpu.vector_load %arg9[%get3A_393, %get3A_394, %get3A_395] {strides = array<i32>} : memref<2x80x128xf32, #tpu.memory_space<vmem>>, vector<16xf32>,
        %get3A_397 = arith.index_cast %rem3A_85 : i32 to index
        %get3A_398 = arith.index_cast %add3A_368 : i32 to index
        %get3A_399 = arith.constant 32 : index
        %get3A_400 = tpu.vector_load %arg10[%get3A_397, %get3A_398, %get3A_399] {strides = array<i32>} : memref<2x80x128xf32, #tpu.memory_space<vmem>>, vector<16xf32>,
        %sub3A_401 = arith.subf %get3A_396, %get3A_400 : vector<16xf32>
        %mul3A_402 = arith.mulf %sub3A_401, %sub3A_401 : vector<16xf32>
        %add3A_403 = arith.addf %add3A_392, %mul3A_402 : vector<16xf32>
        %get3A_404 = arith.index_cast %rem3A_85 : i32 to index
        %get3A_405 = arith.index_cast %add3A_368 : i32 to index
        %get3A_406 = arith.constant 48 : index
        %get3A_407 = tpu.vector_load %arg9[%get3A_404, %get3A_405, %get3A_406] {strides = array<i32>} : memref<2x80x128xf32, #tpu.memory_space<vmem>>, vector<16xf32>,
        %get3A_408 = arith.index_cast %rem3A_85 : i32 to index
        %get3A_409 = arith.index_cast %add3A_368 : i32 to index
        %get3A_410 = arith.constant 48 : index
        %get3A_411 = tpu.vector_load %arg10[%get3A_408, %get3A_409, %get3A_410] {strides = array<i32>} : memref<2x80x128xf32, #tpu.memory_space<vmem>>, vector<16xf32>,
        %sub3A_412 = arith.subf %get3A_407, %get3A_411 : vector<16xf32>
        %mul3A_413 = arith.mulf %sub3A_412, %sub3A_412 : vector<16xf32>
        %add3A_414 = arith.addf %add3A_403, %mul3A_413 : vector<16xf32>
        %get3A_415 = arith.index_cast %rem3A_85 : i32 to index
        %get3A_416 = arith.index_cast %add3A_368 : i32 to index
        %get3A_417 = arith.constant 64 : index
        %get3A_418 = tpu.vector_load %arg9[%get3A_415, %get3A_416, %get3A_417] {strides = array<i32>} : memref<2x80x128xf32, #tpu.memory_space<vmem>>, vector<16xf32>,
        %get3A_419 = arith.index_cast %rem3A_85 : i32 to index
        %get3A_420 = arith.index_cast %add3A_368 : i32 to index
        %get3A_421 = arith.constant 64 : index
        %get3A_422 = tpu.vector_load %arg10[%get3A_419, %get3A_420, %get3A_421] {strides = array<i32>} : memref<2x80x128xf32, #tpu.memory_space<vmem>>, vector<16xf32>,
        %sub3A_423 = arith.subf %get3A_418, %get3A_422 : vector<16xf32>
        %mul3A_424 = arith.mulf %sub3A_423, %sub3A_423 : vector<16xf32>
        %add3A_425 = arith.addf %add3A_414, %mul3A_424 : vector<16xf32>
        %get3A_426 = arith.index_cast %rem3A_85 : i32 to index
        %get3A_427 = arith.index_cast %add3A_368 : i32 to index
        %get3A_428 = arith.constant 80 : index
        %get3A_429 = tpu.vector_load %arg9[%get3A_426, %get3A_427, %get3A_428] {strides = array<i32>} : memref<2x80x128xf32, #tpu.memory_space<vmem>>, vector<16xf32>,
        %get3A_430 = arith.index_cast %rem3A_85 : i32 to index
        %get3A_431 = arith.index_cast %add3A_368 : i32 to index
        %get3A_432 = arith.constant 80 : index
        %get3A_433 = tpu.vector_load %arg10[%get3A_430, %get3A_431, %get3A_432] {strides = array<i32>} : memref<2x80x128xf32, #tpu.memory_space<vmem>>, vector<16xf32>,
        %sub3A_434 = arith.subf %get3A_429, %get3A_433 : vector<16xf32>
        %mul3A_435 = arith.mulf %sub3A_434, %sub3A_434 : vector<16xf32>
        %add3A_436 = arith.addf %add3A_425, %mul3A_435 : vector<16xf32>
        %get3A_437 = arith.index_cast %rem3A_85 : i32 to index
        %get3A_438 = arith.index_cast %add3A_368 : i32 to index
        %get3A_439 = arith.constant 96 : index
        %get3A_440 = tpu.vector_load %arg9[%get3A_437, %get3A_438, %get3A_439] {strides = array<i32>} : memref<2x80x128xf32, #tpu.memory_space<vmem>>, vector<16xf32>,
        %get3A_441 = arith.index_cast %rem3A_85 : i32 to index
        %get3A_442 = arith.index_cast %add3A_368 : i32 to index
        %get3A_443 = arith.constant 96 : index
        %get3A_444 = tpu.vector_load %arg10[%get3A_441, %get3A_442, %get3A_443] {strides = array<i32>} : memref<2x80x128xf32, #tpu.memory_space<vmem>>, vector<16xf32>,
        %sub3A_445 = arith.subf %get3A_440, %get3A_444 : vector<16xf32>
        %mul3A_446 = arith.mulf %sub3A_445, %sub3A_445 : vector<16xf32>
        %add3A_447 = arith.addf %add3A_436, %mul3A_446 : vector<16xf32>
        %get3A_448 = arith.index_cast %rem3A_85 : i32 to index
        %get3A_449 = arith.index_cast %add3A_368 : i32 to index
        %get3A_450 = arith.constant 112 : index
        %get3A_451 = tpu.vector_load %arg9[%get3A_448, %get3A_449, %get3A_450] {strides = array<i32>} : memref<2x80x128xf32, #tpu.memory_space<vmem>>, vector<16xf32>,
        %get3A_452 = arith.index_cast %rem3A_85 : i32 to index
        %get3A_453 = arith.index_cast %add3A_368 : i32 to index
        %get3A_454 = arith.constant 112 : index
        %get3A_455 = tpu.vector_load %arg10[%get3A_452, %get3A_453, %get3A_454] {strides = array<i32>} : memref<2x80x128xf32, #tpu.memory_space<vmem>>, vector<16xf32>,
        %sub3A_456 = arith.subf %get3A_451, %get3A_455 : vector<16xf32>
        %mul3A_457 = arith.mulf %sub3A_456, %sub3A_456 : vector<16xf32>
        %add3A_458 = arith.addf %add3A_447, %mul3A_457 : vector<16xf32>
        %reduce_sum3A_459 = arith.constant true
        %reduce_sum3A_460 = vector.broadcast %reduce_sum3A_459 : i1 to vector<16xi1>
        %reduce_sum3A_461 = tpu.scan <sum>, %add3A_458 masked %reduce_sum3A_460 : vector<16xf32>, vector<16xi1> -> vector<16xf32>
        %reduce_sum3A_462 = vector.extract %reduce_sum3A_461[15] : f32 from vector<16xf32>
        %broadcast_in_dim3A_463 = vector.broadcast %reduce_sum3A_462 : f32 to vector<16xf32>
        %bitcast_convert_type3A_464 = tpu.bitcast %broadcast_in_dim3A_463 : vector<16xf32> -> vector<16xi32>
        %shift_right_arithmetic3A_465 = arith.constant 1 : i32
        %shift_right_arithmetic3A_466 = vector.broadcast %shift_right_arithmetic3A_465 : i32 to vector<16xi32>
        %shift_right_arithmetic3A_467 = arith.shrsi %bitcast_convert_type3A_464, %shift_right_arithmetic3A_466 : vector<16xi32>
        %sub3A_468 = arith.constant 1597463007 : i32
        %sub3A_469 = vector.broadcast %sub3A_468 : i32 to vector<16xi32>
        %sub3A_470 = arith.subi %sub3A_469, %shift_right_arithmetic3A_467 : vector<16xi32>
        %bitcast_convert_type3A_471 = tpu.bitcast %sub3A_470 : vector<16xi32> -> vector<16xf32>
        %mul3A_472 = arith.constant 5.000000e-01 : f32
        %mul3A_473 = vector.broadcast %mul3A_472 : f32 to vector<16xf32>
        %mul3A_474 = arith.mulf %mul3A_473, %broadcast_in_dim3A_463 : vector<16xf32>
        %mul3A_475 = arith.mulf %mul3A_474, %bitcast_convert_type3A_471 : vector<16xf32>
        %mul3A_476 = arith.mulf %mul3A_475, %bitcast_convert_type3A_471 : vector<16xf32>
        %sub3A_477 = arith.constant 1.500000e+00 : f32
        %sub3A_478 = vector.broadcast %sub3A_477 : f32 to vector<16xf32>
        %sub3A_479 = arith.subf %sub3A_478, %mul3A_476 : vector<16xf32>
        %mul3A_480 = arith.mulf %bitcast_convert_type3A_471, %sub3A_479 : vector<16xf32>
        %mul3A_481 = arith.constant 5.000000e-01 : f32
        %mul3A_482 = vector.broadcast %mul3A_481 : f32 to vector<16xf32>
        %mul3A_483 = arith.mulf %mul3A_482, %broadcast_in_dim3A_463 : vector<16xf32>
        %mul3A_484 = arith.mulf %mul3A_483, %mul3A_480 : vector<16xf32>
        %mul3A_485 = arith.mulf %mul3A_484, %mul3A_480 : vector<16xf32>
        %sub3A_486 = arith.constant 1.500000e+00 : f32
        %sub3A_487 = vector.broadcast %sub3A_486 : f32 to vector<16xf32>
        %sub3A_488 = arith.subf %sub3A_487, %mul3A_485 : vector<16xf32>
        %mul3A_489 = arith.mulf %mul3A_480, %sub3A_488 : vector<16xf32>
        %mul3A_490 = arith.mulf %broadcast_in_dim3A_463, %mul3A_489 : vector<16xf32>
        %add3A_491 = arith.constant 1.000000e+00 : f32
        %add3A_492 = vector.broadcast %add3A_491 : f32 to vector<16xf32>
        %add3A_493 = arith.addf %add3A_492, %mul3A_490 : vector<16xf32>
        %div3A_494 = arith.constant 1.000000e+00 : f32
        %div3A_495 = vector.broadcast %div3A_494 : f32 to vector<16xf32>
        %div3A_496 = arith.divf %div3A_495, %add3A_493 : vector<16xf32>
        %mul3A_497 = arith.mulf %sub3A_379, %div3A_496 : vector<16xf32>
        %swap3A_498 = arith.index_cast %rem3A_85 : i32 to index
        %swap3A_499 = arith.index_cast %add3A_368 : i32 to index
        %swap3A_500 = arith.constant 0 : index
        %swap3A_501 = tpu.vector_load %arg9[%swap3A_498, %swap3A_499, %swap3A_500] {strides = array<i32>} : memref<2x80x128xf32, #tpu.memory_space<vmem>>, vector<16xf32>,
        tpu.vector_store %arg9[%swap3A_498, %swap3A_499, %swap3A_500], %mul3A_497 {strides = array<i32>} : memref<2x80x128xf32, #tpu.memory_space<vmem>>, vector<16xf32>,
        %mul3A_502 = arith.mulf %sub3A_390, %div3A_496 : vector<16xf32>
        %swap3A_503 = arith.index_cast %rem3A_85 : i32 to index
        %swap3A_504 = arith.index_cast %add3A_368 : i32 to index
        %swap3A_505 = arith.constant 16 : index
        %swap3A_506 = tpu.vector_load %arg9[%swap3A_503, %swap3A_504, %swap3A_505] {strides = array<i32>} : memref<2x80x128xf32, #tpu.memory_space<vmem>>, vector<16xf32>,
        tpu.vector_store %arg9[%swap3A_503, %swap3A_504, %swap3A_505], %mul3A_502 {strides = array<i32>} : memref<2x80x128xf32, #tpu.memory_space<vmem>>, vector<16xf32>,
        %mul3A_507 = arith.mulf %sub3A_401, %div3A_496 : vector<16xf32>
        %swap3A_508 = arith.index_cast %rem3A_85 : i32 to index
        %swap3A_509 = arith.index_cast %add3A_368 : i32 to index
        %swap3A_510 = arith.constant 32 : index
        %swap3A_511 = tpu.vector_load %arg9[%swap3A_508, %swap3A_509, %swap3A_510] {strides = array<i32>} : memref<2x80x128xf32, #tpu.memory_space<vmem>>, vector<16xf32>,
        tpu.vector_store %arg9[%swap3A_508, %swap3A_509, %swap3A_510], %mul3A_507 {strides = array<i32>} : memref<2x80x128xf32, #tpu.memory_space<vmem>>, vector<16xf32>,
        %mul3A_512 = arith.mulf %sub3A_412, %div3A_496 : vector<16xf32>
        %swap3A_513 = arith.index_cast %rem3A_85 : i32 to index
        %swap3A_514 = arith.index_cast %add3A_368 : i32 to index
        %swap3A_515 = arith.constant 48 : index
        %swap3A_516 = tpu.vector_load %arg9[%swap3A_513, %swap3A_514, %swap3A_515] {strides = array<i32>} : memref<2x80x128xf32, #tpu.memory_space<vmem>>, vector<16xf32>,
        tpu.vector_store %arg9[%swap3A_513, %swap3A_514, %swap3A_515], %mul3A_512 {strides = array<i32>} : memref<2x80x128xf32, #tpu.memory_space<vmem>>, vector<16xf32>,
        %mul3A_517 = arith.mulf %sub3A_423, %div3A_496 : vector<16xf32>
        %swap3A_518 = arith.index_cast %rem3A_85 : i32 to index
        %swap3A_519 = arith.index_cast %add3A_368 : i32 to index
        %swap3A_520 = arith.constant 64 : index
        %swap3A_521 = tpu.vector_load %arg9[%swap3A_518, %swap3A_519, %swap3A_520] {strides = array<i32>} : memref<2x80x128xf32, #tpu.memory_space<vmem>>, vector<16xf32>,
        tpu.vector_store %arg9[%swap3A_518, %swap3A_519, %swap3A_520], %mul3A_517 {strides = array<i32>} : memref<2x80x128xf32, #tpu.memory_space<vmem>>, vector<16xf32>,
        %mul3A_522 = arith.mulf %sub3A_434, %div3A_496 : vector<16xf32>
        %swap3A_523 = arith.index_cast %rem3A_85 : i32 to index
        %swap3A_524 = arith.index_cast %add3A_368 : i32 to index
        %swap3A_525 = arith.constant 80 : index
        %swap3A_526 = tpu.vector_load %arg9[%swap3A_523, %swap3A_524, %swap3A_525] {strides = array<i32>} : memref<2x80x128xf32, #tpu.memory_space<vmem>>, vector<16xf32>,
        tpu.vector_store %arg9[%swap3A_523, %swap3A_524, %swap3A_525], %mul3A_522 {strides = array<i32>} : memref<2x80x128xf32, #tpu.memory_space<vmem>>, vector<16xf32>,
        %mul3A_527 = arith.mulf %sub3A_445, %div3A_496 : vector<16xf32>
        %swap3A_528 = arith.index_cast %rem3A_85 : i32 to index
        %swap3A_529 = arith.index_cast %add3A_368 : i32 to index
        %swap3A_530 = arith.constant 96 : index
        %swap3A_531 = tpu.vector_load %arg9[%swap3A_528, %swap3A_529, %swap3A_530] {strides = array<i32>} : memref<2x80x128xf32, #tpu.memory_space<vmem>>, vector<16xf32>,
        tpu.vector_store %arg9[%swap3A_528, %swap3A_529, %swap3A_530], %mul3A_527 {strides = array<i32>} : memref<2x80x128xf32, #tpu.memory_space<vmem>>, vector<16xf32>,
        %mul3A_532 = arith.mulf %sub3A_456, %div3A_496 : vector<16xf32>
        %swap3A_533 = arith.index_cast %rem3A_85 : i32 to index
        %swap3A_534 = arith.index_cast %add3A_368 : i32 to index
        %swap3A_535 = arith.constant 112 : index
        %swap3A_536 = tpu.vector_load %arg9[%swap3A_533, %swap3A_534, %swap3A_535] {strides = array<i32>} : memref<2x80x128xf32, #tpu.memory_space<vmem>>, vector<16xf32>,
        tpu.vector_store %arg9[%swap3A_533, %swap3A_534, %swap3A_535], %mul3A_532 {strides = array<i32>} : memref<2x80x128xf32, #tpu.memory_space<vmem>>, vector<16xf32>,
        %eq3A_537 = vector.broadcast %scan3A_366 : i32 to vector<16xi32>
        %eq3A_538 = arith.cmpi eq, %iota3A, %eq3A_537 : vector<16xi32>
        %select_n3A_539 = arith.select %eq3A_538, %mul3A_490, %select_n3A : vector<16xi1>, vector<16xf32>
        scf.yield %select_n3A_539 : vector<16xf32>
      }
      %scan3A_137 = arith.constant 16 : i32
      %swap3A_138 = arith.index_cast %rem3A_85 : i32 to index
      %swap3A_139 = arith.constant 16 : index
      %swap3A_140 = tpu.vector_load %arg11[%swap3A_138, %swap3A_139] {strides = array<i32>} : memref<2x80xf32, #tpu.memory_space<vmem>>, vector<16xf32>,
      tpu.vector_store %arg11[%swap3A_138, %swap3A_139], %scan3A_136 {strides = array<i32>} : memref<2x80xf32, #tpu.memory_space<vmem>>, vector<16xf32>,
      %broadcast_in_dim3A_141 = arith.constant 0.000000e+00 : f32
      %broadcast_in_dim3A_142 = vector.broadcast %broadcast_in_dim3A_141 : f32 to vector<16xf32>
      %scan3A_143 = arith.constant 0 : i32
      %scan3A_144 = arith.constant 16 : i32
      %scan3A_145 = arith.addi %scan3A_143, %scan3A_144 : i32
      %scan3A_146 = arith.constant 2 : i32
      %scan3A_147 = scf.for %scan3A_197 = %scan3A_143 to %scan3A_145 step %scan3A_146 iter_args(%scan3A_198 = %broadcast_in_dim3A_142) -> (vector<16xf32>)  : i32 {
        %add3A_199 = arith.constant 32 : i32
        %add3A_200 = arith.addi %add3A_199, %scan3A_197 : i32
        %broadcast_in_dim3A_201 = arith.constant 0.000000e+00 : f32
        %broadcast_in_dim3A_202 = vector.broadcast %broadcast_in_dim3A_201 : f32 to vector<16xf32>
        %get3A = arith.index_cast %rem3A_85 : i32 to index
        %get3A_203 = arith.index_cast %add3A_200 : i32 to index
        %get3A_204 = arith.constant 0 : index
        %get3A_205 = tpu.vector_load %arg9[%get3A, %get3A_203, %get3A_204] {strides = array<i32>} : memref<2x80x128xf32, #tpu.memory_space<vmem>>, vector<16xf32>,
        %get3A_206 = arith.index_cast %rem3A_85 : i32 to index
        %get3A_207 = arith.index_cast %add3A_200 : i32 to index
        %get3A_208 = arith.constant 0 : index
        %get3A_209 = tpu.vector_load %arg10[%get3A_206, %get3A_207, %get3A_208] {strides = array<i32>} : memref<2x80x128xf32, #tpu.memory_space<vmem>>, vector<16xf32>,
        %sub3A_210 = arith.subf %get3A_205, %get3A_209 : vector<16xf32>
        %mul3A_211 = arith.mulf %sub3A_210, %sub3A_210 : vector<16xf32>
        %add3A_212 = arith.addf %broadcast_in_dim3A_202, %mul3A_211 : vector<16xf32>
        %get3A_213 = arith.index_cast %rem3A_85 : i32 to index
        %get3A_214 = arith.index_cast %add3A_200 : i32 to index
        %get3A_215 = arith.constant 16 : index
        %get3A_216 = tpu.vector_load %arg9[%get3A_213, %get3A_214, %get3A_215] {strides = array<i32>} : memref<2x80x128xf32, #tpu.memory_space<vmem>>, vector<16xf32>,
        %get3A_217 = arith.index_cast %rem3A_85 : i32 to index
        %get3A_218 = arith.index_cast %add3A_200 : i32 to index
        %get3A_219 = arith.constant 16 : index
        %get3A_220 = tpu.vector_load %arg10[%get3A_217, %get3A_218, %get3A_219] {strides = array<i32>} : memref<2x80x128xf32, #tpu.memory_space<vmem>>, vector<16xf32>,
        %sub3A_221 = arith.subf %get3A_216, %get3A_220 : vector<16xf32>
        %mul3A_222 = arith.mulf %sub3A_221, %sub3A_221 : vector<16xf32>
        %add3A_223 = arith.addf %add3A_212, %mul3A_222 : vector<16xf32>
        %get3A_224 = arith.index_cast %rem3A_85 : i32 to index
        %get3A_225 = arith.index_cast %add3A_200 : i32 to index
        %get3A_226 = arith.constant 32 : index
        %get3A_227 = tpu.vector_load %arg9[%get3A_224, %get3A_225, %get3A_226] {strides = array<i32>} : memref<2x80x128xf32, #tpu.memory_space<vmem>>, vector<16xf32>,
        %get3A_228 = arith.index_cast %rem3A_85 : i32 to index
        %get3A_229 = arith.index_cast %add3A_200 : i32 to index
        %get3A_230 = arith.constant 32 : index
        %get3A_231 = tpu.vector_load %arg10[%get3A_228, %get3A_229, %get3A_230] {strides = array<i32>} : memref<2x80x128xf32, #tpu.memory_space<vmem>>, vector<16xf32>,
        %sub3A_232 = arith.subf %get3A_227, %get3A_231 : vector<16xf32>
        %mul3A_233 = arith.mulf %sub3A_232, %sub3A_232 : vector<16xf32>
        %add3A_234 = arith.addf %add3A_223, %mul3A_233 : vector<16xf32>
        %get3A_235 = arith.index_cast %rem3A_85 : i32 to index
        %get3A_236 = arith.index_cast %add3A_200 : i32 to index
        %get3A_237 = arith.constant 48 : index
        %get3A_238 = tpu.vector_load %arg9[%get3A_235, %get3A_236, %get3A_237] {strides = array<i32>} : memref<2x80x128xf32, #tpu.memory_space<vmem>>, vector<16xf32>,
        %get3A_239 = arith.index_cast %rem3A_85 : i32 to index
        %get3A_240 = arith.index_cast %add3A_200 : i32 to index
        %get3A_241 = arith.constant 48 : index
        %get3A_242 = tpu.vector_load %arg10[%get3A_239, %get3A_240, %get3A_241] {strides = array<i32>} : memref<2x80x128xf32, #tpu.memory_space<vmem>>, vector<16xf32>,
        %sub3A_243 = arith.subf %get3A_238, %get3A_242 : vector<16xf32>
        %mul3A_244 = arith.mulf %sub3A_243, %sub3A_243 : vector<16xf32>
        %add3A_245 = arith.addf %add3A_234, %mul3A_244 : vector<16xf32>
        %get3A_246 = arith.index_cast %rem3A_85 : i32 to index
        %get3A_247 = arith.index_cast %add3A_200 : i32 to index
        %get3A_248 = arith.constant 64 : index
        %get3A_249 = tpu.vector_load %arg9[%get3A_246, %get3A_247, %get3A_248] {strides = array<i32>} : memref<2x80x128xf32, #tpu.memory_space<vmem>>, vector<16xf32>,
        %get3A_250 = arith.index_cast %rem3A_85 : i32 to index
        %get3A_251 = arith.index_cast %add3A_200 : i32 to index
        %get3A_252 = arith.constant 64 : index
        %get3A_253 = tpu.vector_load %arg10[%get3A_250, %get3A_251, %get3A_252] {strides = array<i32>} : memref<2x80x128xf32, #tpu.memory_space<vmem>>, vector<16xf32>,
        %sub3A_254 = arith.subf %get3A_249, %get3A_253 : vector<16xf32>
        %mul3A_255 = arith.mulf %sub3A_254, %sub3A_254 : vector<16xf32>
        %add3A_256 = arith.addf %add3A_245, %mul3A_255 : vector<16xf32>
        %get3A_257 = arith.index_cast %rem3A_85 : i32 to index
        %get3A_258 = arith.index_cast %add3A_200 : i32 to index
        %get3A_259 = arith.constant 80 : index
        %get3A_260 = tpu.vector_load %arg9[%get3A_257, %get3A_258, %get3A_259] {strides = array<i32>} : memref<2x80x128xf32, #tpu.memory_space<vmem>>, vector<16xf32>,
        %get3A_261 = arith.index_cast %rem3A_85 : i32 to index
        %get3A_262 = arith.index_cast %add3A_200 : i32 to index
        %get3A_263 = arith.constant 80 : index
        %get3A_264 = tpu.vector_load %arg10[%get3A_261, %get3A_262, %get3A_263] {strides = array<i32>} : memref<2x80x128xf32, #tpu.memory_space<vmem>>, vector<16xf32>,
        %sub3A_265 = arith.subf %get3A_260, %get3A_264 : vector<16xf32>
        %mul3A_266 = arith.mulf %sub3A_265, %sub3A_265 : vector<16xf32>
        %add3A_267 = arith.addf %add3A_256, %mul3A_266 : vector<16xf32>
        %get3A_268 = arith.index_cast %rem3A_85 : i32 to index
        %get3A_269 = arith.index_cast %add3A_200 : i32 to index
        %get3A_270 = arith.constant 96 : index
        %get3A_271 = tpu.vector_load %arg9[%get3A_268, %get3A_269, %get3A_270] {strides = array<i32>} : memref<2x80x128xf32, #tpu.memory_space<vmem>>, vector<16xf32>,
        %get3A_272 = arith.index_cast %rem3A_85 : i32 to index
        %get3A_273 = arith.index_cast %add3A_200 : i32 to index
        %get3A_274 = arith.constant 96 : index
        %get3A_275 = tpu.vector_load %arg10[%get3A_272, %get3A_273, %get3A_274] {strides = array<i32>} : memref<2x80x128xf32, #tpu.memory_space<vmem>>, vector<16xf32>,
        %sub3A_276 = arith.subf %get3A_271, %get3A_275 : vector<16xf32>
        %mul3A_277 = arith.mulf %sub3A_276, %sub3A_276 : vector<16xf32>
        %add3A_278 = arith.addf %add3A_267, %mul3A_277 : vector<16xf32>
        %get3A_279 = arith.index_cast %rem3A_85 : i32 to index
        %get3A_280 = arith.index_cast %add3A_200 : i32 to index
        %get3A_281 = arith.constant 112 : index
        %get3A_282 = tpu.vector_load %arg9[%get3A_279, %get3A_280, %get3A_281] {strides = array<i32>} : memref<2x80x128xf32, #tpu.memory_space<vmem>>, vector<16xf32>,
        %get3A_283 = arith.index_cast %rem3A_85 : i32 to index
        %get3A_284 = arith.index_cast %add3A_200 : i32 to index
        %get3A_285 = arith.constant 112 : index
        %get3A_286 = tpu.vector_load %arg10[%get3A_283, %get3A_284, %get3A_285] {strides = array<i32>} : memref<2x80x128xf32, #tpu.memory_space<vmem>>, vector<16xf32>,
        %sub3A_287 = arith.subf %get3A_282, %get3A_286 : vector<16xf32>
        %mul3A_288 = arith.mulf %sub3A_287, %sub3A_287 : vector<16xf32>
        %add3A_289 = arith.addf %add3A_278, %mul3A_288 : vector<16xf32>
        %reduce_sum3A = arith.constant true
        %reduce_sum3A_290 = vector.broadcast %reduce_sum3A : i1 to vector<16xi1>
        %reduce_sum3A_291 = tpu.scan <sum>, %add3A_289 masked %reduce_sum3A_290 : vector<16xf32>, vector<16xi1> -> vector<16xf32>
        %reduce_sum3A_292 = vector.extract %reduce_sum3A_291[15] : f32 from vector<16xf32>
        %broadcast_in_dim3A_293 = vector.broadcast %reduce_sum3A_292 : f32 to vector<16xf32>
        %bitcast_convert_type3A = tpu.bitcast %broadcast_in_dim3A_293 : vector<16xf32> -> vector<16xi32>
        %shift_right_arithmetic3A = arith.constant 1 : i32
        %shift_right_arithmetic3A_294 = vector.broadcast %shift_right_arithmetic3A : i32 to vector<16xi32>
        %shift_right_arithmetic3A_295 = arith.shrsi %bitcast_convert_type3A, %shift_right_arithmetic3A_294 : vector<16xi32>
        %sub3A_296 = arith.constant 1597463007 : i32
        %sub3A_297 = vector.broadcast %sub3A_296 : i32 to vector<16xi32>
        %sub3A_298 = arith.subi %sub3A_297, %shift_right_arithmetic3A_295 : vector<16xi32>
        %bitcast_convert_type3A_299 = tpu.bitcast %sub3A_298 : vector<16xi32> -> vector<16xf32>
        %mul3A_300 = arith.constant 5.000000e-01 : f32
        %mul3A_301 = vector.broadcast %mul3A_300 : f32 to vector<16xf32>
        %mul3A_302 = arith.mulf %mul3A_301, %broadcast_in_dim3A_293 : vector<16xf32>
        %mul3A_303 = arith.mulf %mul3A_302, %bitcast_convert_type3A_299 : vector<16xf32>
        %mul3A_304 = arith.mulf %mul3A_303, %bitcast_convert_type3A_299 : vector<16xf32>
        %sub3A_305 = arith.constant 1.500000e+00 : f32
        %sub3A_306 = vector.broadcast %sub3A_305 : f32 to vector<16xf32>
        %sub3A_307 = arith.subf %sub3A_306, %mul3A_304 : vector<16xf32>
        %mul3A_308 = arith.mulf %bitcast_convert_type3A_299, %sub3A_307 : vector<16xf32>
        %mul3A_309 = arith.constant 5.000000e-01 : f32
        %mul3A_310 = vector.broadcast %mul3A_309 : f32 to vector<16xf32>
        %mul3A_311 = arith.mulf %mul3A_310, %broadcast_in_dim3A_293 : vector<16xf32>
        %mul3A_312 = arith.mulf %mul3A_311, %mul3A_308 : vector<16xf32>
        %mul3A_313 = arith.mulf %mul3A_312, %mul3A_308 : vector<16xf32>
        %sub3A_314 = arith.constant 1.500000e+00 : f32
        %sub3A_315 = vector.broadcast %sub3A_314 : f32 to vector<16xf32>
        %sub3A_316 = arith.subf %sub3A_315, %mul3A_313 : vector<16xf32>
        %mul3A_317 = arith.mulf %mul3A_308, %sub3A_316 : vector<16xf32>
        %mul3A_318 = arith.mulf %broadcast_in_dim3A_293, %mul3A_317 : vector<16xf32>
        %add3A_319 = arith.constant 1.000000e+00 : f32
        %add3A_320 = vector.broadcast %add3A_319 : f32 to vector<16xf32>
        %add3A_321 = arith.addf %add3A_320, %mul3A_318 : vector<16xf32>
        %div3A = arith.constant 1.000000e+00 : f32
        %div3A_322 = vector.broadcast %div3A : f32 to vector<16xf32>
        %div3A_323 = arith.divf %div3A_322, %add3A_321 : vector<16xf32>
        %mul3A_324 = arith.mulf %sub3A_210, %div3A_323 : vector<16xf32>
        %swap3A_325 = arith.index_cast %rem3A_85 : i32 to index
        %swap3A_326 = arith.index_cast %add3A_200 : i32 to index
        %swap3A_327 = arith.constant 0 : index
        %swap3A_328 = tpu.vector_load %arg9[%swap3A_325, %swap3A_326, %swap3A_327] {strides = array<i32>} : memref<2x80x128xf32, #tpu.memory_space<vmem>>, vector<16xf32>,
        tpu.vector_store %arg9[%swap3A_325, %swap3A_326, %swap3A_327], %mul3A_324 {strides = array<i32>} : memref<2x80x128xf32, #tpu.memory_space<vmem>>, vector<16xf32>,
        %mul3A_329 = arith.mulf %sub3A_221, %div3A_323 : vector<16xf32>
        %swap3A_330 = arith.index_cast %rem3A_85 : i32 to index
        %swap3A_331 = arith.index_cast %add3A_200 : i32 to index
        %swap3A_332 = arith.constant 16 : index
        %swap3A_333 = tpu.vector_load %arg9[%swap3A_330, %swap3A_331, %swap3A_332] {strides = array<i32>} : memref<2x80x128xf32, #tpu.memory_space<vmem>>, vector<16xf32>,
        tpu.vector_store %arg9[%swap3A_330, %swap3A_331, %swap3A_332], %mul3A_329 {strides = array<i32>} : memref<2x80x128xf32, #tpu.memory_space<vmem>>, vector<16xf32>,
        %mul3A_334 = arith.mulf %sub3A_232, %div3A_323 : vector<16xf32>
        %swap3A_335 = arith.index_cast %rem3A_85 : i32 to index
        %swap3A_336 = arith.index_cast %add3A_200 : i32 to index
        %swap3A_337 = arith.constant 32 : index
        %swap3A_338 = tpu.vector_load %arg9[%swap3A_335, %swap3A_336, %swap3A_337] {strides = array<i32>} : memref<2x80x128xf32, #tpu.memory_space<vmem>>, vector<16xf32>,
        tpu.vector_store %arg9[%swap3A_335, %swap3A_336, %swap3A_337], %mul3A_334 {strides = array<i32>} : memref<2x80x128xf32, #tpu.memory_space<vmem>>, vector<16xf32>,
        %mul3A_339 = arith.mulf %sub3A_243, %div3A_323 : vector<16xf32>
        %swap3A_340 = arith.index_cast %rem3A_85 : i32 to index
        %swap3A_341 = arith.index_cast %add3A_200 : i32 to index
        %swap3A_342 = arith.constant 48 : index
        %swap3A_343 = tpu.vector_load %arg9[%swap3A_340, %swap3A_341, %swap3A_342] {strides = array<i32>} : memref<2x80x128xf32, #tpu.memory_space<vmem>>, vector<16xf32>,
        tpu.vector_store %arg9[%swap3A_340, %swap3A_341, %swap3A_342], %mul3A_339 {strides = array<i32>} : memref<2x80x128xf32, #tpu.memory_space<vmem>>, vector<16xf32>,
        %mul3A_344 = arith.mulf %sub3A_254, %div3A_323 : vector<16xf32>
        %swap3A_345 = arith.index_cast %rem3A_85 : i32 to index
        %swap3A_346 = arith.index_cast %add3A_200 : i32 to index
        %swap3A_347 = arith.constant 64 : index
        %swap3A_348 = tpu.vector_load %arg9[%swap3A_345, %swap3A_346, %swap3A_347] {strides = array<i32>} : memref<2x80x128xf32, #tpu.memory_space<vmem>>, vector<16xf32>,
        tpu.vector_store %arg9[%swap3A_345, %swap3A_346, %swap3A_347], %mul3A_344 {strides = array<i32>} : memref<2x80x128xf32, #tpu.memory_space<vmem>>, vector<16xf32>,
        %mul3A_349 = arith.mulf %sub3A_265, %div3A_323 : vector<16xf32>
        %swap3A_350 = arith.index_cast %rem3A_85 : i32 to index
        %swap3A_351 = arith.index_cast %add3A_200 : i32 to index
        %swap3A_352 = arith.constant 80 : index
        %swap3A_353 = tpu.vector_load %arg9[%swap3A_350, %swap3A_351, %swap3A_352] {strides = array<i32>} : memref<2x80x128xf32, #tpu.memory_space<vmem>>, vector<16xf32>,
        tpu.vector_store %arg9[%swap3A_350, %swap3A_351, %swap3A_352], %mul3A_349 {strides = array<i32>} : memref<2x80x128xf32, #tpu.memory_space<vmem>>, vector<16xf32>,
        %mul3A_354 = arith.mulf %sub3A_276, %div3A_323 : vector<16xf32>
        %swap3A_355 = arith.index_cast %rem3A_85 : i32 to index
        %swap3A_356 = arith.index_cast %add3A_200 : i32 to index
        %swap3A_357 = arith.constant 96 : index
        %swap3A_358 = tpu.vector_load %arg9[%swap3A_355, %swap3A_356, %swap3A_357] {strides = array<i32>} : memref<2x80x128xf32, #tpu.memory_space<vmem>>, vector<16xf32>,
        tpu.vector_store %arg9[%swap3A_355, %swap3A_356, %swap3A_357], %mul3A_354 {strides = array<i32>} : memref<2x80x128xf32, #tpu.memory_space<vmem>>, vector<16xf32>,
        %mul3A_359 = arith.mulf %sub3A_287, %div3A_323 : vector<16xf32>
        %swap3A_360 = arith.index_cast %rem3A_85 : i32 to index
        %swap3A_361 = arith.index_cast %add3A_200 : i32 to index
        %swap3A_362 = arith.constant 112 : index
        %swap3A_363 = tpu.vector_load %arg9[%swap3A_360, %swap3A_361, %swap3A_362] {strides = array<i32>} : memref<2x80x128xf32, #tpu.memory_space<vmem>>, vector<16xf32>,
        tpu.vector_store %arg9[%swap3A_360, %swap3A_361, %swap3A_362], %mul3A_359 {strides = array<i32>} : memref<2x80x128xf32, #tpu.memory_space<vmem>>, vector<16xf32>,
        %eq3A = vector.broadcast %scan3A_197 : i32 to vector<16xi32>
        %eq3A_364 = arith.cmpi eq, %iota3A, %eq3A : vector<16xi32>
        %select_n3A = arith.select %eq3A_364, %mul3A_318, %scan3A_198 : vector<16xi1>, vector<16xf32>
        %scan3A_365 = arith.constant 1 : i32
        %scan3A_366 = arith.addi %scan3A_197, %scan3A_365 : i32
        %add3A_367 = arith.constant 32 : i32
        %add3A_368 = arith.addi %add3A_367, %scan3A_366 : i32
        %broadcast_in_dim3A_369 = arith.constant 0.000000e+00 : f32
        %broadcast_in_dim3A_370 = vector.broadcast %broadcast_in_dim3A_369 : f32 to vector<16xf32>
        %get3A_371 = arith.index_cast %rem3A_85 : i32 to index
        %get3A_372 = arith.index_cast %add3A_368 : i32 to index
        %get3A_373 = arith.constant 0 : index
        %get3A_374 = tpu.vector_load %arg9[%get3A_371, %get3A_372, %get3A_373] {strides = array<i32>} : memref<2x80x128xf32, #tpu.memory_space<vmem>>, vector<16xf32>,
        %get3A_375 = arith.index_cast %rem3A_85 : i32 to index
        %get3A_376 = arith.index_cast %add3A_368 : i32 to index
        %get3A_377 = arith.constant 0 : index
        %get3A_378 = tpu.vector_load %arg10[%get3A_375, %get3A_376, %get3A_377] {strides = array<i32>} : memref<2x80x128xf32, #tpu.memory_space<vmem>>, vector<16xf32>,
        %sub3A_379 = arith.subf %get3A_374, %get3A_378 : vector<16xf32>
        %mul3A_380 = arith.mulf %sub3A_379, %sub3A_379 : vector<16xf32>
        %add3A_381 = arith.addf %broadcast_in_dim3A_370, %mul3A_380 : vector<16xf32>
        %get3A_382 = arith.index_cast %rem3A_85 : i32 to index
        %get3A_383 = arith.index_cast %add3A_368 : i32 to index
        %get3A_384 = arith.constant 16 : index
        %get3A_385 = tpu.vector_load %arg9[%get3A_382, %get3A_383, %get3A_384] {strides = array<i32>} : memref<2x80x128xf32, #tpu.memory_space<vmem>>, vector<16xf32>,
        %get3A_386 = arith.index_cast %rem3A_85 : i32 to index
        %get3A_387 = arith.index_cast %add3A_368 : i32 to index
        %get3A_388 = arith.constant 16 : index
        %get3A_389 = tpu.vector_load %arg10[%get3A_386, %get3A_387, %get3A_388] {strides = array<i32>} : memref<2x80x128xf32, #tpu.memory_space<vmem>>, vector<16xf32>,
        %sub3A_390 = arith.subf %get3A_385, %get3A_389 : vector<16xf32>
        %mul3A_391 = arith.mulf %sub3A_390, %sub3A_390 : vector<16xf32>
        %add3A_392 = arith.addf %add3A_381, %mul3A_391 : vector<16xf32>
        %get3A_393 = arith.index_cast %rem3A_85 : i32 to index
        %get3A_394 = arith.index_cast %add3A_368 : i32 to index
        %get3A_395 = arith.constant 32 : index
        %get3A_396 = tpu.vector_load %arg9[%get3A_393, %get3A_394, %get3A_395] {strides = array<i32>} : memref<2x80x128xf32, #tpu.memory_space<vmem>>, vector<16xf32>,
        %get3A_397 = arith.index_cast %rem3A_85 : i32 to index
        %get3A_398 = arith.index_cast %add3A_368 : i32 to index
        %get3A_399 = arith.constant 32 : index
        %get3A_400 = tpu.vector_load %arg10[%get3A_397, %get3A_398, %get3A_399] {strides = array<i32>} : memref<2x80x128xf32, #tpu.memory_space<vmem>>, vector<16xf32>,
        %sub3A_401 = arith.subf %get3A_396, %get3A_400 : vector<16xf32>
        %mul3A_402 = arith.mulf %sub3A_401, %sub3A_401 : vector<16xf32>
        %add3A_403 = arith.addf %add3A_392, %mul3A_402 : vector<16xf32>
        %get3A_404 = arith.index_cast %rem3A_85 : i32 to index
        %get3A_405 = arith.index_cast %add3A_368 : i32 to index
        %get3A_406 = arith.constant 48 : index
        %get3A_407 = tpu.vector_load %arg9[%get3A_404, %get3A_405, %get3A_406] {strides = array<i32>} : memref<2x80x128xf32, #tpu.memory_space<vmem>>, vector<16xf32>,
        %get3A_408 = arith.index_cast %rem3A_85 : i32 to index
        %get3A_409 = arith.index_cast %add3A_368 : i32 to index
        %get3A_410 = arith.constant 48 : index
        %get3A_411 = tpu.vector_load %arg10[%get3A_408, %get3A_409, %get3A_410] {strides = array<i32>} : memref<2x80x128xf32, #tpu.memory_space<vmem>>, vector<16xf32>,
        %sub3A_412 = arith.subf %get3A_407, %get3A_411 : vector<16xf32>
        %mul3A_413 = arith.mulf %sub3A_412, %sub3A_412 : vector<16xf32>
        %add3A_414 = arith.addf %add3A_403, %mul3A_413 : vector<16xf32>
        %get3A_415 = arith.index_cast %rem3A_85 : i32 to index
        %get3A_416 = arith.index_cast %add3A_368 : i32 to index
        %get3A_417 = arith.constant 64 : index
        %get3A_418 = tpu.vector_load %arg9[%get3A_415, %get3A_416, %get3A_417] {strides = array<i32>} : memref<2x80x128xf32, #tpu.memory_space<vmem>>, vector<16xf32>,
        %get3A_419 = arith.index_cast %rem3A_85 : i32 to index
        %get3A_420 = arith.index_cast %add3A_368 : i32 to index
        %get3A_421 = arith.constant 64 : index
        %get3A_422 = tpu.vector_load %arg10[%get3A_419, %get3A_420, %get3A_421] {strides = array<i32>} : memref<2x80x128xf32, #tpu.memory_space<vmem>>, vector<16xf32>,
        %sub3A_423 = arith.subf %get3A_418, %get3A_422 : vector<16xf32>
        %mul3A_424 = arith.mulf %sub3A_423, %sub3A_423 : vector<16xf32>
        %add3A_425 = arith.addf %add3A_414, %mul3A_424 : vector<16xf32>
        %get3A_426 = arith.index_cast %rem3A_85 : i32 to index
        %get3A_427 = arith.index_cast %add3A_368 : i32 to index
        %get3A_428 = arith.constant 80 : index
        %get3A_429 = tpu.vector_load %arg9[%get3A_426, %get3A_427, %get3A_428] {strides = array<i32>} : memref<2x80x128xf32, #tpu.memory_space<vmem>>, vector<16xf32>,
        %get3A_430 = arith.index_cast %rem3A_85 : i32 to index
        %get3A_431 = arith.index_cast %add3A_368 : i32 to index
        %get3A_432 = arith.constant 80 : index
        %get3A_433 = tpu.vector_load %arg10[%get3A_430, %get3A_431, %get3A_432] {strides = array<i32>} : memref<2x80x128xf32, #tpu.memory_space<vmem>>, vector<16xf32>,
        %sub3A_434 = arith.subf %get3A_429, %get3A_433 : vector<16xf32>
        %mul3A_435 = arith.mulf %sub3A_434, %sub3A_434 : vector<16xf32>
        %add3A_436 = arith.addf %add3A_425, %mul3A_435 : vector<16xf32>
        %get3A_437 = arith.index_cast %rem3A_85 : i32 to index
        %get3A_438 = arith.index_cast %add3A_368 : i32 to index
        %get3A_439 = arith.constant 96 : index
        %get3A_440 = tpu.vector_load %arg9[%get3A_437, %get3A_438, %get3A_439] {strides = array<i32>} : memref<2x80x128xf32, #tpu.memory_space<vmem>>, vector<16xf32>,
        %get3A_441 = arith.index_cast %rem3A_85 : i32 to index
        %get3A_442 = arith.index_cast %add3A_368 : i32 to index
        %get3A_443 = arith.constant 96 : index
        %get3A_444 = tpu.vector_load %arg10[%get3A_441, %get3A_442, %get3A_443] {strides = array<i32>} : memref<2x80x128xf32, #tpu.memory_space<vmem>>, vector<16xf32>,
        %sub3A_445 = arith.subf %get3A_440, %get3A_444 : vector<16xf32>
        %mul3A_446 = arith.mulf %sub3A_445, %sub3A_445 : vector<16xf32>
        %add3A_447 = arith.addf %add3A_436, %mul3A_446 : vector<16xf32>
        %get3A_448 = arith.index_cast %rem3A_85 : i32 to index
        %get3A_449 = arith.index_cast %add3A_368 : i32 to index
        %get3A_450 = arith.constant 112 : index
        %get3A_451 = tpu.vector_load %arg9[%get3A_448, %get3A_449, %get3A_450] {strides = array<i32>} : memref<2x80x128xf32, #tpu.memory_space<vmem>>, vector<16xf32>,
        %get3A_452 = arith.index_cast %rem3A_85 : i32 to index
        %get3A_453 = arith.index_cast %add3A_368 : i32 to index
        %get3A_454 = arith.constant 112 : index
        %get3A_455 = tpu.vector_load %arg10[%get3A_452, %get3A_453, %get3A_454] {strides = array<i32>} : memref<2x80x128xf32, #tpu.memory_space<vmem>>, vector<16xf32>,
        %sub3A_456 = arith.subf %get3A_451, %get3A_455 : vector<16xf32>
        %mul3A_457 = arith.mulf %sub3A_456, %sub3A_456 : vector<16xf32>
        %add3A_458 = arith.addf %add3A_447, %mul3A_457 : vector<16xf32>
        %reduce_sum3A_459 = arith.constant true
        %reduce_sum3A_460 = vector.broadcast %reduce_sum3A_459 : i1 to vector<16xi1>
        %reduce_sum3A_461 = tpu.scan <sum>, %add3A_458 masked %reduce_sum3A_460 : vector<16xf32>, vector<16xi1> -> vector<16xf32>
        %reduce_sum3A_462 = vector.extract %reduce_sum3A_461[15] : f32 from vector<16xf32>
        %broadcast_in_dim3A_463 = vector.broadcast %reduce_sum3A_462 : f32 to vector<16xf32>
        %bitcast_convert_type3A_464 = tpu.bitcast %broadcast_in_dim3A_463 : vector<16xf32> -> vector<16xi32>
        %shift_right_arithmetic3A_465 = arith.constant 1 : i32
        %shift_right_arithmetic3A_466 = vector.broadcast %shift_right_arithmetic3A_465 : i32 to vector<16xi32>
        %shift_right_arithmetic3A_467 = arith.shrsi %bitcast_convert_type3A_464, %shift_right_arithmetic3A_466 : vector<16xi32>
        %sub3A_468 = arith.constant 1597463007 : i32
        %sub3A_469 = vector.broadcast %sub3A_468 : i32 to vector<16xi32>
        %sub3A_470 = arith.subi %sub3A_469, %shift_right_arithmetic3A_467 : vector<16xi32>
        %bitcast_convert_type3A_471 = tpu.bitcast %sub3A_470 : vector<16xi32> -> vector<16xf32>
        %mul3A_472 = arith.constant 5.000000e-01 : f32
        %mul3A_473 = vector.broadcast %mul3A_472 : f32 to vector<16xf32>
        %mul3A_474 = arith.mulf %mul3A_473, %broadcast_in_dim3A_463 : vector<16xf32>
        %mul3A_475 = arith.mulf %mul3A_474, %bitcast_convert_type3A_471 : vector<16xf32>
        %mul3A_476 = arith.mulf %mul3A_475, %bitcast_convert_type3A_471 : vector<16xf32>
        %sub3A_477 = arith.constant 1.500000e+00 : f32
        %sub3A_478 = vector.broadcast %sub3A_477 : f32 to vector<16xf32>
        %sub3A_479 = arith.subf %sub3A_478, %mul3A_476 : vector<16xf32>
        %mul3A_480 = arith.mulf %bitcast_convert_type3A_471, %sub3A_479 : vector<16xf32>
        %mul3A_481 = arith.constant 5.000000e-01 : f32
        %mul3A_482 = vector.broadcast %mul3A_481 : f32 to vector<16xf32>
        %mul3A_483 = arith.mulf %mul3A_482, %broadcast_in_dim3A_463 : vector<16xf32>
        %mul3A_484 = arith.mulf %mul3A_483, %mul3A_480 : vector<16xf32>
        %mul3A_485 = arith.mulf %mul3A_484, %mul3A_480 : vector<16xf32>
        %sub3A_486 = arith.constant 1.500000e+00 : f32
        %sub3A_487 = vector.broadcast %sub3A_486 : f32 to vector<16xf32>
        %sub3A_488 = arith.subf %sub3A_487, %mul3A_485 : vector<16xf32>
        %mul3A_489 = arith.mulf %mul3A_480, %sub3A_488 : vector<16xf32>
        %mul3A_490 = arith.mulf %broadcast_in_dim3A_463, %mul3A_489 : vector<16xf32>
        %add3A_491 = arith.constant 1.000000e+00 : f32
        %add3A_492 = vector.broadcast %add3A_491 : f32 to vector<16xf32>
        %add3A_493 = arith.addf %add3A_492, %mul3A_490 : vector<16xf32>
        %div3A_494 = arith.constant 1.000000e+00 : f32
        %div3A_495 = vector.broadcast %div3A_494 : f32 to vector<16xf32>
        %div3A_496 = arith.divf %div3A_495, %add3A_493 : vector<16xf32>
        %mul3A_497 = arith.mulf %sub3A_379, %div3A_496 : vector<16xf32>
        %swap3A_498 = arith.index_cast %rem3A_85 : i32 to index
        %swap3A_499 = arith.index_cast %add3A_368 : i32 to index
        %swap3A_500 = arith.constant 0 : index
        %swap3A_501 = tpu.vector_load %arg9[%swap3A_498, %swap3A_499, %swap3A_500] {strides = array<i32>} : memref<2x80x128xf32, #tpu.memory_space<vmem>>, vector<16xf32>,
        tpu.vector_store %arg9[%swap3A_498, %swap3A_499, %swap3A_500], %mul3A_497 {strides = array<i32>} : memref<2x80x128xf32, #tpu.memory_space<vmem>>, vector<16xf32>,
        %mul3A_502 = arith.mulf %sub3A_390, %div3A_496 : vector<16xf32>
        %swap3A_503 = arith.index_cast %rem3A_85 : i32 to index
        %swap3A_504 = arith.index_cast %add3A_368 : i32 to index
        %swap3A_505 = arith.constant 16 : index
        %swap3A_506 = tpu.vector_load %arg9[%swap3A_503, %swap3A_504, %swap3A_505] {strides = array<i32>} : memref<2x80x128xf32, #tpu.memory_space<vmem>>, vector<16xf32>,
        tpu.vector_store %arg9[%swap3A_503, %swap3A_504, %swap3A_505], %mul3A_502 {strides = array<i32>} : memref<2x80x128xf32, #tpu.memory_space<vmem>>, vector<16xf32>,
        %mul3A_507 = arith.mulf %sub3A_401, %div3A_496 : vector<16xf32>
        %swap3A_508 = arith.index_cast %rem3A_85 : i32 to index
        %swap3A_509 = arith.index_cast %add3A_368 : i32 to index
        %swap3A_510 = arith.constant 32 : index
        %swap3A_511 = tpu.vector_load %arg9[%swap3A_508, %swap3A_509, %swap3A_510] {strides = array<i32>} : memref<2x80x128xf32, #tpu.memory_space<vmem>>, vector<16xf32>,
        tpu.vector_store %arg9[%swap3A_508, %swap3A_509, %swap3A_510], %mul3A_507 {strides = array<i32>} : memref<2x80x128xf32, #tpu.memory_space<vmem>>, vector<16xf32>,
        %mul3A_512 = arith.mulf %sub3A_412, %div3A_496 : vector<16xf32>
        %swap3A_513 = arith.index_cast %rem3A_85 : i32 to index
        %swap3A_514 = arith.index_cast %add3A_368 : i32 to index
        %swap3A_515 = arith.constant 48 : index
        %swap3A_516 = tpu.vector_load %arg9[%swap3A_513, %swap3A_514, %swap3A_515] {strides = array<i32>} : memref<2x80x128xf32, #tpu.memory_space<vmem>>, vector<16xf32>,
        tpu.vector_store %arg9[%swap3A_513, %swap3A_514, %swap3A_515], %mul3A_512 {strides = array<i32>} : memref<2x80x128xf32, #tpu.memory_space<vmem>>, vector<16xf32>,
        %mul3A_517 = arith.mulf %sub3A_423, %div3A_496 : vector<16xf32>
        %swap3A_518 = arith.index_cast %rem3A_85 : i32 to index
        %swap3A_519 = arith.index_cast %add3A_368 : i32 to index
        %swap3A_520 = arith.constant 64 : index
        %swap3A_521 = tpu.vector_load %arg9[%swap3A_518, %swap3A_519, %swap3A_520] {strides = array<i32>} : memref<2x80x128xf32, #tpu.memory_space<vmem>>, vector<16xf32>,
        tpu.vector_store %arg9[%swap3A_518, %swap3A_519, %swap3A_520], %mul3A_517 {strides = array<i32>} : memref<2x80x128xf32, #tpu.memory_space<vmem>>, vector<16xf32>,
        %mul3A_522 = arith.mulf %sub3A_434, %div3A_496 : vector<16xf32>
        %swap3A_523 = arith.index_cast %rem3A_85 : i32 to index
        %swap3A_524 = arith.index_cast %add3A_368 : i32 to index
        %swap3A_525 = arith.constant 80 : index
        %swap3A_526 = tpu.vector_load %arg9[%swap3A_523, %swap3A_524, %swap3A_525] {strides = array<i32>} : memref<2x80x128xf32, #tpu.memory_space<vmem>>, vector<16xf32>,
        tpu.vector_store %arg9[%swap3A_523, %swap3A_524, %swap3A_525], %mul3A_522 {strides = array<i32>} : memref<2x80x128xf32, #tpu.memory_space<vmem>>, vector<16xf32>,
        %mul3A_527 = arith.mulf %sub3A_445, %div3A_496 : vector<16xf32>
        %swap3A_528 = arith.index_cast %rem3A_85 : i32 to index
        %swap3A_529 = arith.index_cast %add3A_368 : i32 to index
        %swap3A_530 = arith.constant 96 : index
        %swap3A_531 = tpu.vector_load %arg9[%swap3A_528, %swap3A_529, %swap3A_530] {strides = array<i32>} : memref<2x80x128xf32, #tpu.memory_space<vmem>>, vector<16xf32>,
        tpu.vector_store %arg9[%swap3A_528, %swap3A_529, %swap3A_530], %mul3A_527 {strides = array<i32>} : memref<2x80x128xf32, #tpu.memory_space<vmem>>, vector<16xf32>,
        %mul3A_532 = arith.mulf %sub3A_456, %div3A_496 : vector<16xf32>
        %swap3A_533 = arith.index_cast %rem3A_85 : i32 to index
        %swap3A_534 = arith.index_cast %add3A_368 : i32 to index
        %swap3A_535 = arith.constant 112 : index
        %swap3A_536 = tpu.vector_load %arg9[%swap3A_533, %swap3A_534, %swap3A_535] {strides = array<i32>} : memref<2x80x128xf32, #tpu.memory_space<vmem>>, vector<16xf32>,
        tpu.vector_store %arg9[%swap3A_533, %swap3A_534, %swap3A_535], %mul3A_532 {strides = array<i32>} : memref<2x80x128xf32, #tpu.memory_space<vmem>>, vector<16xf32>,
        %eq3A_537 = vector.broadcast %scan3A_366 : i32 to vector<16xi32>
        %eq3A_538 = arith.cmpi eq, %iota3A, %eq3A_537 : vector<16xi32>
        %select_n3A_539 = arith.select %eq3A_538, %mul3A_490, %select_n3A : vector<16xi1>, vector<16xf32>
        scf.yield %select_n3A_539 : vector<16xf32>
      }
      %scan3A_148 = arith.constant 16 : i32
      %swap3A_149 = arith.index_cast %rem3A_85 : i32 to index
      %swap3A_150 = arith.constant 32 : index
      %swap3A_151 = tpu.vector_load %arg11[%swap3A_149, %swap3A_150] {strides = array<i32>} : memref<2x80xf32, #tpu.memory_space<vmem>>, vector<16xf32>,
      tpu.vector_store %arg11[%swap3A_149, %swap3A_150], %scan3A_147 {strides = array<i32>} : memref<2x80xf32, #tpu.memory_space<vmem>>, vector<16xf32>,
      %broadcast_in_dim3A_152 = arith.constant 0.000000e+00 : f32
      %broadcast_in_dim3A_153 = vector.broadcast %broadcast_in_dim3A_152 : f32 to vector<16xf32>
      %scan3A_154 = arith.constant 0 : i32
      %scan3A_155 = arith.constant 16 : i32
      %scan3A_156 = arith.addi %scan3A_154, %scan3A_155 : i32
      %scan3A_157 = arith.constant 2 : i32
      %scan3A_158 = scf.for %scan3A_197 = %scan3A_154 to %scan3A_156 step %scan3A_157 iter_args(%scan3A_198 = %broadcast_in_dim3A_153) -> (vector<16xf32>)  : i32 {
        %add3A_199 = arith.constant 48 : i32
        %add3A_200 = arith.addi %add3A_199, %scan3A_197 : i32
        %broadcast_in_dim3A_201 = arith.constant 0.000000e+00 : f32
        %broadcast_in_dim3A_202 = vector.broadcast %broadcast_in_dim3A_201 : f32 to vector<16xf32>
        %get3A = arith.index_cast %rem3A_85 : i32 to index
        %get3A_203 = arith.index_cast %add3A_200 : i32 to index
        %get3A_204 = arith.constant 0 : index
        %get3A_205 = tpu.vector_load %arg9[%get3A, %get3A_203, %get3A_204] {strides = array<i32>} : memref<2x80x128xf32, #tpu.memory_space<vmem>>, vector<16xf32>,
        %get3A_206 = arith.index_cast %rem3A_85 : i32 to index
        %get3A_207 = arith.index_cast %add3A_200 : i32 to index
        %get3A_208 = arith.constant 0 : index
        %get3A_209 = tpu.vector_load %arg10[%get3A_206, %get3A_207, %get3A_208] {strides = array<i32>} : memref<2x80x128xf32, #tpu.memory_space<vmem>>, vector<16xf32>,
        %sub3A_210 = arith.subf %get3A_205, %get3A_209 : vector<16xf32>
        %mul3A_211 = arith.mulf %sub3A_210, %sub3A_210 : vector<16xf32>
        %add3A_212 = arith.addf %broadcast_in_dim3A_202, %mul3A_211 : vector<16xf32>
        %get3A_213 = arith.index_cast %rem3A_85 : i32 to index
        %get3A_214 = arith.index_cast %add3A_200 : i32 to index
        %get3A_215 = arith.constant 16 : index
        %get3A_216 = tpu.vector_load %arg9[%get3A_213, %get3A_214, %get3A_215] {strides = array<i32>} : memref<2x80x128xf32, #tpu.memory_space<vmem>>, vector<16xf32>,
        %get3A_217 = arith.index_cast %rem3A_85 : i32 to index
        %get3A_218 = arith.index_cast %add3A_200 : i32 to index
        %get3A_219 = arith.constant 16 : index
        %get3A_220 = tpu.vector_load %arg10[%get3A_217, %get3A_218, %get3A_219] {strides = array<i32>} : memref<2x80x128xf32, #tpu.memory_space<vmem>>, vector<16xf32>,
        %sub3A_221 = arith.subf %get3A_216, %get3A_220 : vector<16xf32>
        %mul3A_222 = arith.mulf %sub3A_221, %sub3A_221 : vector<16xf32>
        %add3A_223 = arith.addf %add3A_212, %mul3A_222 : vector<16xf32>
        %get3A_224 = arith.index_cast %rem3A_85 : i32 to index
        %get3A_225 = arith.index_cast %add3A_200 : i32 to index
        %get3A_226 = arith.constant 32 : index
        %get3A_227 = tpu.vector_load %arg9[%get3A_224, %get3A_225, %get3A_226] {strides = array<i32>} : memref<2x80x128xf32, #tpu.memory_space<vmem>>, vector<16xf32>,
        %get3A_228 = arith.index_cast %rem3A_85 : i32 to index
        %get3A_229 = arith.index_cast %add3A_200 : i32 to index
        %get3A_230 = arith.constant 32 : index
        %get3A_231 = tpu.vector_load %arg10[%get3A_228, %get3A_229, %get3A_230] {strides = array<i32>} : memref<2x80x128xf32, #tpu.memory_space<vmem>>, vector<16xf32>,
        %sub3A_232 = arith.subf %get3A_227, %get3A_231 : vector<16xf32>
        %mul3A_233 = arith.mulf %sub3A_232, %sub3A_232 : vector<16xf32>
        %add3A_234 = arith.addf %add3A_223, %mul3A_233 : vector<16xf32>
        %get3A_235 = arith.index_cast %rem3A_85 : i32 to index
        %get3A_236 = arith.index_cast %add3A_200 : i32 to index
        %get3A_237 = arith.constant 48 : index
        %get3A_238 = tpu.vector_load %arg9[%get3A_235, %get3A_236, %get3A_237] {strides = array<i32>} : memref<2x80x128xf32, #tpu.memory_space<vmem>>, vector<16xf32>,
        %get3A_239 = arith.index_cast %rem3A_85 : i32 to index
        %get3A_240 = arith.index_cast %add3A_200 : i32 to index
        %get3A_241 = arith.constant 48 : index
        %get3A_242 = tpu.vector_load %arg10[%get3A_239, %get3A_240, %get3A_241] {strides = array<i32>} : memref<2x80x128xf32, #tpu.memory_space<vmem>>, vector<16xf32>,
        %sub3A_243 = arith.subf %get3A_238, %get3A_242 : vector<16xf32>
        %mul3A_244 = arith.mulf %sub3A_243, %sub3A_243 : vector<16xf32>
        %add3A_245 = arith.addf %add3A_234, %mul3A_244 : vector<16xf32>
        %get3A_246 = arith.index_cast %rem3A_85 : i32 to index
        %get3A_247 = arith.index_cast %add3A_200 : i32 to index
        %get3A_248 = arith.constant 64 : index
        %get3A_249 = tpu.vector_load %arg9[%get3A_246, %get3A_247, %get3A_248] {strides = array<i32>} : memref<2x80x128xf32, #tpu.memory_space<vmem>>, vector<16xf32>,
        %get3A_250 = arith.index_cast %rem3A_85 : i32 to index
        %get3A_251 = arith.index_cast %add3A_200 : i32 to index
        %get3A_252 = arith.constant 64 : index
        %get3A_253 = tpu.vector_load %arg10[%get3A_250, %get3A_251, %get3A_252] {strides = array<i32>} : memref<2x80x128xf32, #tpu.memory_space<vmem>>, vector<16xf32>,
        %sub3A_254 = arith.subf %get3A_249, %get3A_253 : vector<16xf32>
        %mul3A_255 = arith.mulf %sub3A_254, %sub3A_254 : vector<16xf32>
        %add3A_256 = arith.addf %add3A_245, %mul3A_255 : vector<16xf32>
        %get3A_257 = arith.index_cast %rem3A_85 : i32 to index
        %get3A_258 = arith.index_cast %add3A_200 : i32 to index
        %get3A_259 = arith.constant 80 : index
        %get3A_260 = tpu.vector_load %arg9[%get3A_257, %get3A_258, %get3A_259] {strides = array<i32>} : memref<2x80x128xf32, #tpu.memory_space<vmem>>, vector<16xf32>,
        %get3A_261 = arith.index_cast %rem3A_85 : i32 to index
        %get3A_262 = arith.index_cast %add3A_200 : i32 to index
        %get3A_263 = arith.constant 80 : index
        %get3A_264 = tpu.vector_load %arg10[%get3A_261, %get3A_262, %get3A_263] {strides = array<i32>} : memref<2x80x128xf32, #tpu.memory_space<vmem>>, vector<16xf32>,
        %sub3A_265 = arith.subf %get3A_260, %get3A_264 : vector<16xf32>
        %mul3A_266 = arith.mulf %sub3A_265, %sub3A_265 : vector<16xf32>
        %add3A_267 = arith.addf %add3A_256, %mul3A_266 : vector<16xf32>
        %get3A_268 = arith.index_cast %rem3A_85 : i32 to index
        %get3A_269 = arith.index_cast %add3A_200 : i32 to index
        %get3A_270 = arith.constant 96 : index
        %get3A_271 = tpu.vector_load %arg9[%get3A_268, %get3A_269, %get3A_270] {strides = array<i32>} : memref<2x80x128xf32, #tpu.memory_space<vmem>>, vector<16xf32>,
        %get3A_272 = arith.index_cast %rem3A_85 : i32 to index
        %get3A_273 = arith.index_cast %add3A_200 : i32 to index
        %get3A_274 = arith.constant 96 : index
        %get3A_275 = tpu.vector_load %arg10[%get3A_272, %get3A_273, %get3A_274] {strides = array<i32>} : memref<2x80x128xf32, #tpu.memory_space<vmem>>, vector<16xf32>,
        %sub3A_276 = arith.subf %get3A_271, %get3A_275 : vector<16xf32>
        %mul3A_277 = arith.mulf %sub3A_276, %sub3A_276 : vector<16xf32>
        %add3A_278 = arith.addf %add3A_267, %mul3A_277 : vector<16xf32>
        %get3A_279 = arith.index_cast %rem3A_85 : i32 to index
        %get3A_280 = arith.index_cast %add3A_200 : i32 to index
        %get3A_281 = arith.constant 112 : index
        %get3A_282 = tpu.vector_load %arg9[%get3A_279, %get3A_280, %get3A_281] {strides = array<i32>} : memref<2x80x128xf32, #tpu.memory_space<vmem>>, vector<16xf32>,
        %get3A_283 = arith.index_cast %rem3A_85 : i32 to index
        %get3A_284 = arith.index_cast %add3A_200 : i32 to index
        %get3A_285 = arith.constant 112 : index
        %get3A_286 = tpu.vector_load %arg10[%get3A_283, %get3A_284, %get3A_285] {strides = array<i32>} : memref<2x80x128xf32, #tpu.memory_space<vmem>>, vector<16xf32>,
        %sub3A_287 = arith.subf %get3A_282, %get3A_286 : vector<16xf32>
        %mul3A_288 = arith.mulf %sub3A_287, %sub3A_287 : vector<16xf32>
        %add3A_289 = arith.addf %add3A_278, %mul3A_288 : vector<16xf32>
        %reduce_sum3A = arith.constant true
        %reduce_sum3A_290 = vector.broadcast %reduce_sum3A : i1 to vector<16xi1>
        %reduce_sum3A_291 = tpu.scan <sum>, %add3A_289 masked %reduce_sum3A_290 : vector<16xf32>, vector<16xi1> -> vector<16xf32>
        %reduce_sum3A_292 = vector.extract %reduce_sum3A_291[15] : f32 from vector<16xf32>
        %broadcast_in_dim3A_293 = vector.broadcast %reduce_sum3A_292 : f32 to vector<16xf32>
        %bitcast_convert_type3A = tpu.bitcast %broadcast_in_dim3A_293 : vector<16xf32> -> vector<16xi32>
        %shift_right_arithmetic3A = arith.constant 1 : i32
        %shift_right_arithmetic3A_294 = vector.broadcast %shift_right_arithmetic3A : i32 to vector<16xi32>
        %shift_right_arithmetic3A_295 = arith.shrsi %bitcast_convert_type3A, %shift_right_arithmetic3A_294 : vector<16xi32>
        %sub3A_296 = arith.constant 1597463007 : i32
        %sub3A_297 = vector.broadcast %sub3A_296 : i32 to vector<16xi32>
        %sub3A_298 = arith.subi %sub3A_297, %shift_right_arithmetic3A_295 : vector<16xi32>
        %bitcast_convert_type3A_299 = tpu.bitcast %sub3A_298 : vector<16xi32> -> vector<16xf32>
        %mul3A_300 = arith.constant 5.000000e-01 : f32
        %mul3A_301 = vector.broadcast %mul3A_300 : f32 to vector<16xf32>
        %mul3A_302 = arith.mulf %mul3A_301, %broadcast_in_dim3A_293 : vector<16xf32>
        %mul3A_303 = arith.mulf %mul3A_302, %bitcast_convert_type3A_299 : vector<16xf32>
        %mul3A_304 = arith.mulf %mul3A_303, %bitcast_convert_type3A_299 : vector<16xf32>
        %sub3A_305 = arith.constant 1.500000e+00 : f32
        %sub3A_306 = vector.broadcast %sub3A_305 : f32 to vector<16xf32>
        %sub3A_307 = arith.subf %sub3A_306, %mul3A_304 : vector<16xf32>
        %mul3A_308 = arith.mulf %bitcast_convert_type3A_299, %sub3A_307 : vector<16xf32>
        %mul3A_309 = arith.constant 5.000000e-01 : f32
        %mul3A_310 = vector.broadcast %mul3A_309 : f32 to vector<16xf32>
        %mul3A_311 = arith.mulf %mul3A_310, %broadcast_in_dim3A_293 : vector<16xf32>
        %mul3A_312 = arith.mulf %mul3A_311, %mul3A_308 : vector<16xf32>
        %mul3A_313 = arith.mulf %mul3A_312, %mul3A_308 : vector<16xf32>
        %sub3A_314 = arith.constant 1.500000e+00 : f32
        %sub3A_315 = vector.broadcast %sub3A_314 : f32 to vector<16xf32>
        %sub3A_316 = arith.subf %sub3A_315, %mul3A_313 : vector<16xf32>
        %mul3A_317 = arith.mulf %mul3A_308, %sub3A_316 : vector<16xf32>
        %mul3A_318 = arith.mulf %broadcast_in_dim3A_293, %mul3A_317 : vector<16xf32>
        %add3A_319 = arith.constant 1.000000e+00 : f32
        %add3A_320 = vector.broadcast %add3A_319 : f32 to vector<16xf32>
        %add3A_321 = arith.addf %add3A_320, %mul3A_318 : vector<16xf32>
        %div3A = arith.constant 1.000000e+00 : f32
        %div3A_322 = vector.broadcast %div3A : f32 to vector<16xf32>
        %div3A_323 = arith.divf %div3A_322, %add3A_321 : vector<16xf32>
        %mul3A_324 = arith.mulf %sub3A_210, %div3A_323 : vector<16xf32>
        %swap3A_325 = arith.index_cast %rem3A_85 : i32 to index
        %swap3A_326 = arith.index_cast %add3A_200 : i32 to index
        %swap3A_327 = arith.constant 0 : index
        %swap3A_328 = tpu.vector_load %arg9[%swap3A_325, %swap3A_326, %swap3A_327] {strides = array<i32>} : memref<2x80x128xf32, #tpu.memory_space<vmem>>, vector<16xf32>,
        tpu.vector_store %arg9[%swap3A_325, %swap3A_326, %swap3A_327], %mul3A_324 {strides = array<i32>} : memref<2x80x128xf32, #tpu.memory_space<vmem>>, vector<16xf32>,
        %mul3A_329 = arith.mulf %sub3A_221, %div3A_323 : vector<16xf32>
        %swap3A_330 = arith.index_cast %rem3A_85 : i32 to index
        %swap3A_331 = arith.index_cast %add3A_200 : i32 to index
        %swap3A_332 = arith.constant 16 : index
        %swap3A_333 = tpu.vector_load %arg9[%swap3A_330, %swap3A_331, %swap3A_332] {strides = array<i32>} : memref<2x80x128xf32, #tpu.memory_space<vmem>>, vector<16xf32>,
        tpu.vector_store %arg9[%swap3A_330, %swap3A_331, %swap3A_332], %mul3A_329 {strides = array<i32>} : memref<2x80x128xf32, #tpu.memory_space<vmem>>, vector<16xf32>,
        %mul3A_334 = arith.mulf %sub3A_232, %div3A_323 : vector<16xf32>
        %swap3A_335 = arith.index_cast %rem3A_85 : i32 to index
        %swap3A_336 = arith.index_cast %add3A_200 : i32 to index
        %swap3A_337 = arith.constant 32 : index
        %swap3A_338 = tpu.vector_load %arg9[%swap3A_335, %swap3A_336, %swap3A_337] {strides = array<i32>} : memref<2x80x128xf32, #tpu.memory_space<vmem>>, vector<16xf32>,
        tpu.vector_store %arg9[%swap3A_335, %swap3A_336, %swap3A_337], %mul3A_334 {strides = array<i32>} : memref<2x80x128xf32, #tpu.memory_space<vmem>>, vector<16xf32>,
        %mul3A_339 = arith.mulf %sub3A_243, %div3A_323 : vector<16xf32>
        %swap3A_340 = arith.index_cast %rem3A_85 : i32 to index
        %swap3A_341 = arith.index_cast %add3A_200 : i32 to index
        %swap3A_342 = arith.constant 48 : index
        %swap3A_343 = tpu.vector_load %arg9[%swap3A_340, %swap3A_341, %swap3A_342] {strides = array<i32>} : memref<2x80x128xf32, #tpu.memory_space<vmem>>, vector<16xf32>,
        tpu.vector_store %arg9[%swap3A_340, %swap3A_341, %swap3A_342], %mul3A_339 {strides = array<i32>} : memref<2x80x128xf32, #tpu.memory_space<vmem>>, vector<16xf32>,
        %mul3A_344 = arith.mulf %sub3A_254, %div3A_323 : vector<16xf32>
        %swap3A_345 = arith.index_cast %rem3A_85 : i32 to index
        %swap3A_346 = arith.index_cast %add3A_200 : i32 to index
        %swap3A_347 = arith.constant 64 : index
        %swap3A_348 = tpu.vector_load %arg9[%swap3A_345, %swap3A_346, %swap3A_347] {strides = array<i32>} : memref<2x80x128xf32, #tpu.memory_space<vmem>>, vector<16xf32>,
        tpu.vector_store %arg9[%swap3A_345, %swap3A_346, %swap3A_347], %mul3A_344 {strides = array<i32>} : memref<2x80x128xf32, #tpu.memory_space<vmem>>, vector<16xf32>,
        %mul3A_349 = arith.mulf %sub3A_265, %div3A_323 : vector<16xf32>
        %swap3A_350 = arith.index_cast %rem3A_85 : i32 to index
        %swap3A_351 = arith.index_cast %add3A_200 : i32 to index
        %swap3A_352 = arith.constant 80 : index
        %swap3A_353 = tpu.vector_load %arg9[%swap3A_350, %swap3A_351, %swap3A_352] {strides = array<i32>} : memref<2x80x128xf32, #tpu.memory_space<vmem>>, vector<16xf32>,
        tpu.vector_store %arg9[%swap3A_350, %swap3A_351, %swap3A_352], %mul3A_349 {strides = array<i32>} : memref<2x80x128xf32, #tpu.memory_space<vmem>>, vector<16xf32>,
        %mul3A_354 = arith.mulf %sub3A_276, %div3A_323 : vector<16xf32>
        %swap3A_355 = arith.index_cast %rem3A_85 : i32 to index
        %swap3A_356 = arith.index_cast %add3A_200 : i32 to index
        %swap3A_357 = arith.constant 96 : index
        %swap3A_358 = tpu.vector_load %arg9[%swap3A_355, %swap3A_356, %swap3A_357] {strides = array<i32>} : memref<2x80x128xf32, #tpu.memory_space<vmem>>, vector<16xf32>,
        tpu.vector_store %arg9[%swap3A_355, %swap3A_356, %swap3A_357], %mul3A_354 {strides = array<i32>} : memref<2x80x128xf32, #tpu.memory_space<vmem>>, vector<16xf32>,
        %mul3A_359 = arith.mulf %sub3A_287, %div3A_323 : vector<16xf32>
        %swap3A_360 = arith.index_cast %rem3A_85 : i32 to index
        %swap3A_361 = arith.index_cast %add3A_200 : i32 to index
        %swap3A_362 = arith.constant 112 : index
        %swap3A_363 = tpu.vector_load %arg9[%swap3A_360, %swap3A_361, %swap3A_362] {strides = array<i32>} : memref<2x80x128xf32, #tpu.memory_space<vmem>>, vector<16xf32>,
        tpu.vector_store %arg9[%swap3A_360, %swap3A_361, %swap3A_362], %mul3A_359 {strides = array<i32>} : memref<2x80x128xf32, #tpu.memory_space<vmem>>, vector<16xf32>,
        %eq3A = vector.broadcast %scan3A_197 : i32 to vector<16xi32>
        %eq3A_364 = arith.cmpi eq, %iota3A, %eq3A : vector<16xi32>
        %select_n3A = arith.select %eq3A_364, %mul3A_318, %scan3A_198 : vector<16xi1>, vector<16xf32>
        %scan3A_365 = arith.constant 1 : i32
        %scan3A_366 = arith.addi %scan3A_197, %scan3A_365 : i32
        %add3A_367 = arith.constant 48 : i32
        %add3A_368 = arith.addi %add3A_367, %scan3A_366 : i32
        %broadcast_in_dim3A_369 = arith.constant 0.000000e+00 : f32
        %broadcast_in_dim3A_370 = vector.broadcast %broadcast_in_dim3A_369 : f32 to vector<16xf32>
        %get3A_371 = arith.index_cast %rem3A_85 : i32 to index
        %get3A_372 = arith.index_cast %add3A_368 : i32 to index
        %get3A_373 = arith.constant 0 : index
        %get3A_374 = tpu.vector_load %arg9[%get3A_371, %get3A_372, %get3A_373] {strides = array<i32>} : memref<2x80x128xf32, #tpu.memory_space<vmem>>, vector<16xf32>,
        %get3A_375 = arith.index_cast %rem3A_85 : i32 to index
        %get3A_376 = arith.index_cast %add3A_368 : i32 to index
        %get3A_377 = arith.constant 0 : index
        %get3A_378 = tpu.vector_load %arg10[%get3A_375, %get3A_376, %get3A_377] {strides = array<i32>} : memref<2x80x128xf32, #tpu.memory_space<vmem>>, vector<16xf32>,
        %sub3A_379 = arith.subf %get3A_374, %get3A_378 : vector<16xf32>
        %mul3A_380 = arith.mulf %sub3A_379, %sub3A_379 : vector<16xf32>
        %add3A_381 = arith.addf %broadcast_in_dim3A_370, %mul3A_380 : vector<16xf32>
        %get3A_382 = arith.index_cast %rem3A_85 : i32 to index
        %get3A_383 = arith.index_cast %add3A_368 : i32 to index
        %get3A_384 = arith.constant 16 : index
        %get3A_385 = tpu.vector_load %arg9[%get3A_382, %get3A_383, %get3A_384] {strides = array<i32>} : memref<2x80x128xf32, #tpu.memory_space<vmem>>, vector<16xf32>,
        %get3A_386 = arith.index_cast %rem3A_85 : i32 to index
        %get3A_387 = arith.index_cast %add3A_368 : i32 to index
        %get3A_388 = arith.constant 16 : index
        %get3A_389 = tpu.vector_load %arg10[%get3A_386, %get3A_387, %get3A_388] {strides = array<i32>} : memref<2x80x128xf32, #tpu.memory_space<vmem>>, vector<16xf32>,
        %sub3A_390 = arith.subf %get3A_385, %get3A_389 : vector<16xf32>
        %mul3A_391 = arith.mulf %sub3A_390, %sub3A_390 : vector<16xf32>
        %add3A_392 = arith.addf %add3A_381, %mul3A_391 : vector<16xf32>
        %get3A_393 = arith.index_cast %rem3A_85 : i32 to index
        %get3A_394 = arith.index_cast %add3A_368 : i32 to index
        %get3A_395 = arith.constant 32 : index
        %get3A_396 = tpu.vector_load %arg9[%get3A_393, %get3A_394, %get3A_395] {strides = array<i32>} : memref<2x80x128xf32, #tpu.memory_space<vmem>>, vector<16xf32>,
        %get3A_397 = arith.index_cast %rem3A_85 : i32 to index
        %get3A_398 = arith.index_cast %add3A_368 : i32 to index
        %get3A_399 = arith.constant 32 : index
        %get3A_400 = tpu.vector_load %arg10[%get3A_397, %get3A_398, %get3A_399] {strides = array<i32>} : memref<2x80x128xf32, #tpu.memory_space<vmem>>, vector<16xf32>,
        %sub3A_401 = arith.subf %get3A_396, %get3A_400 : vector<16xf32>
        %mul3A_402 = arith.mulf %sub3A_401, %sub3A_401 : vector<16xf32>
        %add3A_403 = arith.addf %add3A_392, %mul3A_402 : vector<16xf32>
        %get3A_404 = arith.index_cast %rem3A_85 : i32 to index
        %get3A_405 = arith.index_cast %add3A_368 : i32 to index
        %get3A_406 = arith.constant 48 : index
        %get3A_407 = tpu.vector_load %arg9[%get3A_404, %get3A_405, %get3A_406] {strides = array<i32>} : memref<2x80x128xf32, #tpu.memory_space<vmem>>, vector<16xf32>,
        %get3A_408 = arith.index_cast %rem3A_85 : i32 to index
        %get3A_409 = arith.index_cast %add3A_368 : i32 to index
        %get3A_410 = arith.constant 48 : index
        %get3A_411 = tpu.vector_load %arg10[%get3A_408, %get3A_409, %get3A_410] {strides = array<i32>} : memref<2x80x128xf32, #tpu.memory_space<vmem>>, vector<16xf32>,
        %sub3A_412 = arith.subf %get3A_407, %get3A_411 : vector<16xf32>
        %mul3A_413 = arith.mulf %sub3A_412, %sub3A_412 : vector<16xf32>
        %add3A_414 = arith.addf %add3A_403, %mul3A_413 : vector<16xf32>
        %get3A_415 = arith.index_cast %rem3A_85 : i32 to index
        %get3A_416 = arith.index_cast %add3A_368 : i32 to index
        %get3A_417 = arith.constant 64 : index
        %get3A_418 = tpu.vector_load %arg9[%get3A_415, %get3A_416, %get3A_417] {strides = array<i32>} : memref<2x80x128xf32, #tpu.memory_space<vmem>>, vector<16xf32>,
        %get3A_419 = arith.index_cast %rem3A_85 : i32 to index
        %get3A_420 = arith.index_cast %add3A_368 : i32 to index
        %get3A_421 = arith.constant 64 : index
        %get3A_422 = tpu.vector_load %arg10[%get3A_419, %get3A_420, %get3A_421] {strides = array<i32>} : memref<2x80x128xf32, #tpu.memory_space<vmem>>, vector<16xf32>,
        %sub3A_423 = arith.subf %get3A_418, %get3A_422 : vector<16xf32>
        %mul3A_424 = arith.mulf %sub3A_423, %sub3A_423 : vector<16xf32>
        %add3A_425 = arith.addf %add3A_414, %mul3A_424 : vector<16xf32>
        %get3A_426 = arith.index_cast %rem3A_85 : i32 to index
        %get3A_427 = arith.index_cast %add3A_368 : i32 to index
        %get3A_428 = arith.constant 80 : index
        %get3A_429 = tpu.vector_load %arg9[%get3A_426, %get3A_427, %get3A_428] {strides = array<i32>} : memref<2x80x128xf32, #tpu.memory_space<vmem>>, vector<16xf32>,
        %get3A_430 = arith.index_cast %rem3A_85 : i32 to index
        %get3A_431 = arith.index_cast %add3A_368 : i32 to index
        %get3A_432 = arith.constant 80 : index
        %get3A_433 = tpu.vector_load %arg10[%get3A_430, %get3A_431, %get3A_432] {strides = array<i32>} : memref<2x80x128xf32, #tpu.memory_space<vmem>>, vector<16xf32>,
        %sub3A_434 = arith.subf %get3A_429, %get3A_433 : vector<16xf32>
        %mul3A_435 = arith.mulf %sub3A_434, %sub3A_434 : vector<16xf32>
        %add3A_436 = arith.addf %add3A_425, %mul3A_435 : vector<16xf32>
        %get3A_437 = arith.index_cast %rem3A_85 : i32 to index
        %get3A_438 = arith.index_cast %add3A_368 : i32 to index
        %get3A_439 = arith.constant 96 : index
        %get3A_440 = tpu.vector_load %arg9[%get3A_437, %get3A_438, %get3A_439] {strides = array<i32>} : memref<2x80x128xf32, #tpu.memory_space<vmem>>, vector<16xf32>,
        %get3A_441 = arith.index_cast %rem3A_85 : i32 to index
        %get3A_442 = arith.index_cast %add3A_368 : i32 to index
        %get3A_443 = arith.constant 96 : index
        %get3A_444 = tpu.vector_load %arg10[%get3A_441, %get3A_442, %get3A_443] {strides = array<i32>} : memref<2x80x128xf32, #tpu.memory_space<vmem>>, vector<16xf32>,
        %sub3A_445 = arith.subf %get3A_440, %get3A_444 : vector<16xf32>
        %mul3A_446 = arith.mulf %sub3A_445, %sub3A_445 : vector<16xf32>
        %add3A_447 = arith.addf %add3A_436, %mul3A_446 : vector<16xf32>
        %get3A_448 = arith.index_cast %rem3A_85 : i32 to index
        %get3A_449 = arith.index_cast %add3A_368 : i32 to index
        %get3A_450 = arith.constant 112 : index
        %get3A_451 = tpu.vector_load %arg9[%get3A_448, %get3A_449, %get3A_450] {strides = array<i32>} : memref<2x80x128xf32, #tpu.memory_space<vmem>>, vector<16xf32>,
        %get3A_452 = arith.index_cast %rem3A_85 : i32 to index
        %get3A_453 = arith.index_cast %add3A_368 : i32 to index
        %get3A_454 = arith.constant 112 : index
        %get3A_455 = tpu.vector_load %arg10[%get3A_452, %get3A_453, %get3A_454] {strides = array<i32>} : memref<2x80x128xf32, #tpu.memory_space<vmem>>, vector<16xf32>,
        %sub3A_456 = arith.subf %get3A_451, %get3A_455 : vector<16xf32>
        %mul3A_457 = arith.mulf %sub3A_456, %sub3A_456 : vector<16xf32>
        %add3A_458 = arith.addf %add3A_447, %mul3A_457 : vector<16xf32>
        %reduce_sum3A_459 = arith.constant true
        %reduce_sum3A_460 = vector.broadcast %reduce_sum3A_459 : i1 to vector<16xi1>
        %reduce_sum3A_461 = tpu.scan <sum>, %add3A_458 masked %reduce_sum3A_460 : vector<16xf32>, vector<16xi1> -> vector<16xf32>
        %reduce_sum3A_462 = vector.extract %reduce_sum3A_461[15] : f32 from vector<16xf32>
        %broadcast_in_dim3A_463 = vector.broadcast %reduce_sum3A_462 : f32 to vector<16xf32>
        %bitcast_convert_type3A_464 = tpu.bitcast %broadcast_in_dim3A_463 : vector<16xf32> -> vector<16xi32>
        %shift_right_arithmetic3A_465 = arith.constant 1 : i32
        %shift_right_arithmetic3A_466 = vector.broadcast %shift_right_arithmetic3A_465 : i32 to vector<16xi32>
        %shift_right_arithmetic3A_467 = arith.shrsi %bitcast_convert_type3A_464, %shift_right_arithmetic3A_466 : vector<16xi32>
        %sub3A_468 = arith.constant 1597463007 : i32
        %sub3A_469 = vector.broadcast %sub3A_468 : i32 to vector<16xi32>
        %sub3A_470 = arith.subi %sub3A_469, %shift_right_arithmetic3A_467 : vector<16xi32>
        %bitcast_convert_type3A_471 = tpu.bitcast %sub3A_470 : vector<16xi32> -> vector<16xf32>
        %mul3A_472 = arith.constant 5.000000e-01 : f32
        %mul3A_473 = vector.broadcast %mul3A_472 : f32 to vector<16xf32>
        %mul3A_474 = arith.mulf %mul3A_473, %broadcast_in_dim3A_463 : vector<16xf32>
        %mul3A_475 = arith.mulf %mul3A_474, %bitcast_convert_type3A_471 : vector<16xf32>
        %mul3A_476 = arith.mulf %mul3A_475, %bitcast_convert_type3A_471 : vector<16xf32>
        %sub3A_477 = arith.constant 1.500000e+00 : f32
        %sub3A_478 = vector.broadcast %sub3A_477 : f32 to vector<16xf32>
        %sub3A_479 = arith.subf %sub3A_478, %mul3A_476 : vector<16xf32>
        %mul3A_480 = arith.mulf %bitcast_convert_type3A_471, %sub3A_479 : vector<16xf32>
        %mul3A_481 = arith.constant 5.000000e-01 : f32
        %mul3A_482 = vector.broadcast %mul3A_481 : f32 to vector<16xf32>
        %mul3A_483 = arith.mulf %mul3A_482, %broadcast_in_dim3A_463 : vector<16xf32>
        %mul3A_484 = arith.mulf %mul3A_483, %mul3A_480 : vector<16xf32>
        %mul3A_485 = arith.mulf %mul3A_484, %mul3A_480 : vector<16xf32>
        %sub3A_486 = arith.constant 1.500000e+00 : f32
        %sub3A_487 = vector.broadcast %sub3A_486 : f32 to vector<16xf32>
        %sub3A_488 = arith.subf %sub3A_487, %mul3A_485 : vector<16xf32>
        %mul3A_489 = arith.mulf %mul3A_480, %sub3A_488 : vector<16xf32>
        %mul3A_490 = arith.mulf %broadcast_in_dim3A_463, %mul3A_489 : vector<16xf32>
        %add3A_491 = arith.constant 1.000000e+00 : f32
        %add3A_492 = vector.broadcast %add3A_491 : f32 to vector<16xf32>
        %add3A_493 = arith.addf %add3A_492, %mul3A_490 : vector<16xf32>
        %div3A_494 = arith.constant 1.000000e+00 : f32
        %div3A_495 = vector.broadcast %div3A_494 : f32 to vector<16xf32>
        %div3A_496 = arith.divf %div3A_495, %add3A_493 : vector<16xf32>
        %mul3A_497 = arith.mulf %sub3A_379, %div3A_496 : vector<16xf32>
        %swap3A_498 = arith.index_cast %rem3A_85 : i32 to index
        %swap3A_499 = arith.index_cast %add3A_368 : i32 to index
        %swap3A_500 = arith.constant 0 : index
        %swap3A_501 = tpu.vector_load %arg9[%swap3A_498, %swap3A_499, %swap3A_500] {strides = array<i32>} : memref<2x80x128xf32, #tpu.memory_space<vmem>>, vector<16xf32>,
        tpu.vector_store %arg9[%swap3A_498, %swap3A_499, %swap3A_500], %mul3A_497 {strides = array<i32>} : memref<2x80x128xf32, #tpu.memory_space<vmem>>, vector<16xf32>,
        %mul3A_502 = arith.mulf %sub3A_390, %div3A_496 : vector<16xf32>
        %swap3A_503 = arith.index_cast %rem3A_85 : i32 to index
        %swap3A_504 = arith.index_cast %add3A_368 : i32 to index
        %swap3A_505 = arith.constant 16 : index
        %swap3A_506 = tpu.vector_load %arg9[%swap3A_503, %swap3A_504, %swap3A_505] {strides = array<i32>} : memref<2x80x128xf32, #tpu.memory_space<vmem>>, vector<16xf32>,
        tpu.vector_store %arg9[%swap3A_503, %swap3A_504, %swap3A_505], %mul3A_502 {strides = array<i32>} : memref<2x80x128xf32, #tpu.memory_space<vmem>>, vector<16xf32>,
        %mul3A_507 = arith.mulf %sub3A_401, %div3A_496 : vector<16xf32>
        %swap3A_508 = arith.index_cast %rem3A_85 : i32 to index
        %swap3A_509 = arith.index_cast %add3A_368 : i32 to index
        %swap3A_510 = arith.constant 32 : index
        %swap3A_511 = tpu.vector_load %arg9[%swap3A_508, %swap3A_509, %swap3A_510] {strides = array<i32>} : memref<2x80x128xf32, #tpu.memory_space<vmem>>, vector<16xf32>,
        tpu.vector_store %arg9[%swap3A_508, %swap3A_509, %swap3A_510], %mul3A_507 {strides = array<i32>} : memref<2x80x128xf32, #tpu.memory_space<vmem>>, vector<16xf32>,
        %mul3A_512 = arith.mulf %sub3A_412, %div3A_496 : vector<16xf32>
        %swap3A_513 = arith.index_cast %rem3A_85 : i32 to index
        %swap3A_514 = arith.index_cast %add3A_368 : i32 to index
        %swap3A_515 = arith.constant 48 : index
        %swap3A_516 = tpu.vector_load %arg9[%swap3A_513, %swap3A_514, %swap3A_515] {strides = array<i32>} : memref<2x80x128xf32, #tpu.memory_space<vmem>>, vector<16xf32>,
        tpu.vector_store %arg9[%swap3A_513, %swap3A_514, %swap3A_515], %mul3A_512 {strides = array<i32>} : memref<2x80x128xf32, #tpu.memory_space<vmem>>, vector<16xf32>,
        %mul3A_517 = arith.mulf %sub3A_423, %div3A_496 : vector<16xf32>
        %swap3A_518 = arith.index_cast %rem3A_85 : i32 to index
        %swap3A_519 = arith.index_cast %add3A_368 : i32 to index
        %swap3A_520 = arith.constant 64 : index
        %swap3A_521 = tpu.vector_load %arg9[%swap3A_518, %swap3A_519, %swap3A_520] {strides = array<i32>} : memref<2x80x128xf32, #tpu.memory_space<vmem>>, vector<16xf32>,
        tpu.vector_store %arg9[%swap3A_518, %swap3A_519, %swap3A_520], %mul3A_517 {strides = array<i32>} : memref<2x80x128xf32, #tpu.memory_space<vmem>>, vector<16xf32>,
        %mul3A_522 = arith.mulf %sub3A_434, %div3A_496 : vector<16xf32>
        %swap3A_523 = arith.index_cast %rem3A_85 : i32 to index
        %swap3A_524 = arith.index_cast %add3A_368 : i32 to index
        %swap3A_525 = arith.constant 80 : index
        %swap3A_526 = tpu.vector_load %arg9[%swap3A_523, %swap3A_524, %swap3A_525] {strides = array<i32>} : memref<2x80x128xf32, #tpu.memory_space<vmem>>, vector<16xf32>,
        tpu.vector_store %arg9[%swap3A_523, %swap3A_524, %swap3A_525], %mul3A_522 {strides = array<i32>} : memref<2x80x128xf32, #tpu.memory_space<vmem>>, vector<16xf32>,
        %mul3A_527 = arith.mulf %sub3A_445, %div3A_496 : vector<16xf32>
        %swap3A_528 = arith.index_cast %rem3A_85 : i32 to index
        %swap3A_529 = arith.index_cast %add3A_368 : i32 to index
        %swap3A_530 = arith.constant 96 : index
        %swap3A_531 = tpu.vector_load %arg9[%swap3A_528, %swap3A_529, %swap3A_530] {strides = array<i32>} : memref<2x80x128xf32, #tpu.memory_space<vmem>>, vector<16xf32>,
        tpu.vector_store %arg9[%swap3A_528, %swap3A_529, %swap3A_530], %mul3A_527 {strides = array<i32>} : memref<2x80x128xf32, #tpu.memory_space<vmem>>, vector<16xf32>,
        %mul3A_532 = arith.mulf %sub3A_456, %div3A_496 : vector<16xf32>
        %swap3A_533 = arith.index_cast %rem3A_85 : i32 to index
        %swap3A_534 = arith.index_cast %add3A_368 : i32 to index
        %swap3A_535 = arith.constant 112 : index
        %swap3A_536 = tpu.vector_load %arg9[%swap3A_533, %swap3A_534, %swap3A_535] {strides = array<i32>} : memref<2x80x128xf32, #tpu.memory_space<vmem>>, vector<16xf32>,
        tpu.vector_store %arg9[%swap3A_533, %swap3A_534, %swap3A_535], %mul3A_532 {strides = array<i32>} : memref<2x80x128xf32, #tpu.memory_space<vmem>>, vector<16xf32>,
        %eq3A_537 = vector.broadcast %scan3A_366 : i32 to vector<16xi32>
        %eq3A_538 = arith.cmpi eq, %iota3A, %eq3A_537 : vector<16xi32>
        %select_n3A_539 = arith.select %eq3A_538, %mul3A_490, %select_n3A : vector<16xi1>, vector<16xf32>
        scf.yield %select_n3A_539 : vector<16xf32>
      }
      %scan3A_159 = arith.constant 16 : i32
      %swap3A_160 = arith.index_cast %rem3A_85 : i32 to index
      %swap3A_161 = arith.constant 48 : index
      %swap3A_162 = tpu.vector_load %arg11[%swap3A_160, %swap3A_161] {strides = array<i32>} : memref<2x80xf32, #tpu.memory_space<vmem>>, vector<16xf32>,
      tpu.vector_store %arg11[%swap3A_160, %swap3A_161], %scan3A_158 {strides = array<i32>} : memref<2x80xf32, #tpu.memory_space<vmem>>, vector<16xf32>,
      %broadcast_in_dim3A_163 = arith.constant 0.000000e+00 : f32
      %broadcast_in_dim3A_164 = vector.broadcast %broadcast_in_dim3A_163 : f32 to vector<16xf32>
      %scan3A_165 = arith.constant 0 : i32
      %scan3A_166 = arith.constant 16 : i32
      %scan3A_167 = arith.addi %scan3A_165, %scan3A_166 : i32
      %scan3A_168 = arith.constant 2 : i32
      %scan3A_169 = scf.for %scan3A_197 = %scan3A_165 to %scan3A_167 step %scan3A_168 iter_args(%scan3A_198 = %broadcast_in_dim3A_164) -> (vector<16xf32>)  : i32 {
        %add3A_199 = arith.constant 64 : i32
        %add3A_200 = arith.addi %add3A_199, %scan3A_197 : i32
        %broadcast_in_dim3A_201 = arith.constant 0.000000e+00 : f32
        %broadcast_in_dim3A_202 = vector.broadcast %broadcast_in_dim3A_201 : f32 to vector<16xf32>
        %get3A = arith.index_cast %rem3A_85 : i32 to index
        %get3A_203 = arith.index_cast %add3A_200 : i32 to index
        %get3A_204 = arith.constant 0 : index
        %get3A_205 = tpu.vector_load %arg9[%get3A, %get3A_203, %get3A_204] {strides = array<i32>} : memref<2x80x128xf32, #tpu.memory_space<vmem>>, vector<16xf32>,
        %get3A_206 = arith.index_cast %rem3A_85 : i32 to index
        %get3A_207 = arith.index_cast %add3A_200 : i32 to index
        %get3A_208 = arith.constant 0 : index
        %get3A_209 = tpu.vector_load %arg10[%get3A_206, %get3A_207, %get3A_208] {strides = array<i32>} : memref<2x80x128xf32, #tpu.memory_space<vmem>>, vector<16xf32>,
        %sub3A_210 = arith.subf %get3A_205, %get3A_209 : vector<16xf32>
        %mul3A_211 = arith.mulf %sub3A_210, %sub3A_210 : vector<16xf32>
        %add3A_212 = arith.addf %broadcast_in_dim3A_202, %mul3A_211 : vector<16xf32>
        %get3A_213 = arith.index_cast %rem3A_85 : i32 to index
        %get3A_214 = arith.index_cast %add3A_200 : i32 to index
        %get3A_215 = arith.constant 16 : index
        %get3A_216 = tpu.vector_load %arg9[%get3A_213, %get3A_214, %get3A_215] {strides = array<i32>} : memref<2x80x128xf32, #tpu.memory_space<vmem>>, vector<16xf32>,
        %get3A_217 = arith.index_cast %rem3A_85 : i32 to index
        %get3A_218 = arith.index_cast %add3A_200 : i32 to index
        %get3A_219 = arith.constant 16 : index
        %get3A_220 = tpu.vector_load %arg10[%get3A_217, %get3A_218, %get3A_219] {strides = array<i32>} : memref<2x80x128xf32, #tpu.memory_space<vmem>>, vector<16xf32>,
        %sub3A_221 = arith.subf %get3A_216, %get3A_220 : vector<16xf32>
        %mul3A_222 = arith.mulf %sub3A_221, %sub3A_221 : vector<16xf32>
        %add3A_223 = arith.addf %add3A_212, %mul3A_222 : vector<16xf32>
        %get3A_224 = arith.index_cast %rem3A_85 : i32 to index
        %get3A_225 = arith.index_cast %add3A_200 : i32 to index
        %get3A_226 = arith.constant 32 : index
        %get3A_227 = tpu.vector_load %arg9[%get3A_224, %get3A_225, %get3A_226] {strides = array<i32>} : memref<2x80x128xf32, #tpu.memory_space<vmem>>, vector<16xf32>,
        %get3A_228 = arith.index_cast %rem3A_85 : i32 to index
        %get3A_229 = arith.index_cast %add3A_200 : i32 to index
        %get3A_230 = arith.constant 32 : index
        %get3A_231 = tpu.vector_load %arg10[%get3A_228, %get3A_229, %get3A_230] {strides = array<i32>} : memref<2x80x128xf32, #tpu.memory_space<vmem>>, vector<16xf32>,
        %sub3A_232 = arith.subf %get3A_227, %get3A_231 : vector<16xf32>
        %mul3A_233 = arith.mulf %sub3A_232, %sub3A_232 : vector<16xf32>
        %add3A_234 = arith.addf %add3A_223, %mul3A_233 : vector<16xf32>
        %get3A_235 = arith.index_cast %rem3A_85 : i32 to index
        %get3A_236 = arith.index_cast %add3A_200 : i32 to index
        %get3A_237 = arith.constant 48 : index
        %get3A_238 = tpu.vector_load %arg9[%get3A_235, %get3A_236, %get3A_237] {strides = array<i32>} : memref<2x80x128xf32, #tpu.memory_space<vmem>>, vector<16xf32>,
        %get3A_239 = arith.index_cast %rem3A_85 : i32 to index
        %get3A_240 = arith.index_cast %add3A_200 : i32 to index
        %get3A_241 = arith.constant 48 : index
        %get3A_242 = tpu.vector_load %arg10[%get3A_239, %get3A_240, %get3A_241] {strides = array<i32>} : memref<2x80x128xf32, #tpu.memory_space<vmem>>, vector<16xf32>,
        %sub3A_243 = arith.subf %get3A_238, %get3A_242 : vector<16xf32>
        %mul3A_244 = arith.mulf %sub3A_243, %sub3A_243 : vector<16xf32>
        %add3A_245 = arith.addf %add3A_234, %mul3A_244 : vector<16xf32>
        %get3A_246 = arith.index_cast %rem3A_85 : i32 to index
        %get3A_247 = arith.index_cast %add3A_200 : i32 to index
        %get3A_248 = arith.constant 64 : index
        %get3A_249 = tpu.vector_load %arg9[%get3A_246, %get3A_247, %get3A_248] {strides = array<i32>} : memref<2x80x128xf32, #tpu.memory_space<vmem>>, vector<16xf32>,
        %get3A_250 = arith.index_cast %rem3A_85 : i32 to index
        %get3A_251 = arith.index_cast %add3A_200 : i32 to index
        %get3A_252 = arith.constant 64 : index
        %get3A_253 = tpu.vector_load %arg10[%get3A_250, %get3A_251, %get3A_252] {strides = array<i32>} : memref<2x80x128xf32, #tpu.memory_space<vmem>>, vector<16xf32>,
        %sub3A_254 = arith.subf %get3A_249, %get3A_253 : vector<16xf32>
        %mul3A_255 = arith.mulf %sub3A_254, %sub3A_254 : vector<16xf32>
        %add3A_256 = arith.addf %add3A_245, %mul3A_255 : vector<16xf32>
        %get3A_257 = arith.index_cast %rem3A_85 : i32 to index
        %get3A_258 = arith.index_cast %add3A_200 : i32 to index
        %get3A_259 = arith.constant 80 : index
        %get3A_260 = tpu.vector_load %arg9[%get3A_257, %get3A_258, %get3A_259] {strides = array<i32>} : memref<2x80x128xf32, #tpu.memory_space<vmem>>, vector<16xf32>,
        %get3A_261 = arith.index_cast %rem3A_85 : i32 to index
        %get3A_262 = arith.index_cast %add3A_200 : i32 to index
        %get3A_263 = arith.constant 80 : index
        %get3A_264 = tpu.vector_load %arg10[%get3A_261, %get3A_262, %get3A_263] {strides = array<i32>} : memref<2x80x128xf32, #tpu.memory_space<vmem>>, vector<16xf32>,
        %sub3A_265 = arith.subf %get3A_260, %get3A_264 : vector<16xf32>
        %mul3A_266 = arith.mulf %sub3A_265, %sub3A_265 : vector<16xf32>
        %add3A_267 = arith.addf %add3A_256, %mul3A_266 : vector<16xf32>
        %get3A_268 = arith.index_cast %rem3A_85 : i32 to index
        %get3A_269 = arith.index_cast %add3A_200 : i32 to index
        %get3A_270 = arith.constant 96 : index
        %get3A_271 = tpu.vector_load %arg9[%get3A_268, %get3A_269, %get3A_270] {strides = array<i32>} : memref<2x80x128xf32, #tpu.memory_space<vmem>>, vector<16xf32>,
        %get3A_272 = arith.index_cast %rem3A_85 : i32 to index
        %get3A_273 = arith.index_cast %add3A_200 : i32 to index
        %get3A_274 = arith.constant 96 : index
        %get3A_275 = tpu.vector_load %arg10[%get3A_272, %get3A_273, %get3A_274] {strides = array<i32>} : memref<2x80x128xf32, #tpu.memory_space<vmem>>, vector<16xf32>,
        %sub3A_276 = arith.subf %get3A_271, %get3A_275 : vector<16xf32>
        %mul3A_277 = arith.mulf %sub3A_276, %sub3A_276 : vector<16xf32>
        %add3A_278 = arith.addf %add3A_267, %mul3A_277 : vector<16xf32>
        %get3A_279 = arith.index_cast %rem3A_85 : i32 to index
        %get3A_280 = arith.index_cast %add3A_200 : i32 to index
        %get3A_281 = arith.constant 112 : index
        %get3A_282 = tpu.vector_load %arg9[%get3A_279, %get3A_280, %get3A_281] {strides = array<i32>} : memref<2x80x128xf32, #tpu.memory_space<vmem>>, vector<16xf32>,
        %get3A_283 = arith.index_cast %rem3A_85 : i32 to index
        %get3A_284 = arith.index_cast %add3A_200 : i32 to index
        %get3A_285 = arith.constant 112 : index
        %get3A_286 = tpu.vector_load %arg10[%get3A_283, %get3A_284, %get3A_285] {strides = array<i32>} : memref<2x80x128xf32, #tpu.memory_space<vmem>>, vector<16xf32>,
        %sub3A_287 = arith.subf %get3A_282, %get3A_286 : vector<16xf32>
        %mul3A_288 = arith.mulf %sub3A_287, %sub3A_287 : vector<16xf32>
        %add3A_289 = arith.addf %add3A_278, %mul3A_288 : vector<16xf32>
        %reduce_sum3A = arith.constant true
        %reduce_sum3A_290 = vector.broadcast %reduce_sum3A : i1 to vector<16xi1>
        %reduce_sum3A_291 = tpu.scan <sum>, %add3A_289 masked %reduce_sum3A_290 : vector<16xf32>, vector<16xi1> -> vector<16xf32>
        %reduce_sum3A_292 = vector.extract %reduce_sum3A_291[15] : f32 from vector<16xf32>
        %broadcast_in_dim3A_293 = vector.broadcast %reduce_sum3A_292 : f32 to vector<16xf32>
        %bitcast_convert_type3A = tpu.bitcast %broadcast_in_dim3A_293 : vector<16xf32> -> vector<16xi32>
        %shift_right_arithmetic3A = arith.constant 1 : i32
        %shift_right_arithmetic3A_294 = vector.broadcast %shift_right_arithmetic3A : i32 to vector<16xi32>
        %shift_right_arithmetic3A_295 = arith.shrsi %bitcast_convert_type3A, %shift_right_arithmetic3A_294 : vector<16xi32>
        %sub3A_296 = arith.constant 1597463007 : i32
        %sub3A_297 = vector.broadcast %sub3A_296 : i32 to vector<16xi32>
        %sub3A_298 = arith.subi %sub3A_297, %shift_right_arithmetic3A_295 : vector<16xi32>
        %bitcast_convert_type3A_299 = tpu.bitcast %sub3A_298 : vector<16xi32> -> vector<16xf32>
        %mul3A_300 = arith.constant 5.000000e-01 : f32
        %mul3A_301 = vector.broadcast %mul3A_300 : f32 to vector<16xf32>
        %mul3A_302 = arith.mulf %mul3A_301, %broadcast_in_dim3A_293 : vector<16xf32>
        %mul3A_303 = arith.mulf %mul3A_302, %bitcast_convert_type3A_299 : vector<16xf32>
        %mul3A_304 = arith.mulf %mul3A_303, %bitcast_convert_type3A_299 : vector<16xf32>
        %sub3A_305 = arith.constant 1.500000e+00 : f32
        %sub3A_306 = vector.broadcast %sub3A_305 : f32 to vector<16xf32>
        %sub3A_307 = arith.subf %sub3A_306, %mul3A_304 : vector<16xf32>
        %mul3A_308 = arith.mulf %bitcast_convert_type3A_299, %sub3A_307 : vector<16xf32>
        %mul3A_309 = arith.constant 5.000000e-01 : f32
        %mul3A_310 = vector.broadcast %mul3A_309 : f32 to vector<16xf32>
        %mul3A_311 = arith.mulf %mul3A_310, %broadcast_in_dim3A_293 : vector<16xf32>
        %mul3A_312 = arith.mulf %mul3A_311, %mul3A_308 : vector<16xf32>
        %mul3A_313 = arith.mulf %mul3A_312, %mul3A_308 : vector<16xf32>
        %sub3A_314 = arith.constant 1.500000e+00 : f32
        %sub3A_315 = vector.broadcast %sub3A_314 : f32 to vector<16xf32>
        %sub3A_316 = arith.subf %sub3A_315, %mul3A_313 : vector<16xf32>
        %mul3A_317 = arith.mulf %mul3A_308, %sub3A_316 : vector<16xf32>
        %mul3A_318 = arith.mulf %broadcast_in_dim3A_293, %mul3A_317 : vector<16xf32>
        %add3A_319 = arith.constant 1.000000e+00 : f32
        %add3A_320 = vector.broadcast %add3A_319 : f32 to vector<16xf32>
        %add3A_321 = arith.addf %add3A_320, %mul3A_318 : vector<16xf32>
        %div3A = arith.constant 1.000000e+00 : f32
        %div3A_322 = vector.broadcast %div3A : f32 to vector<16xf32>
        %div3A_323 = arith.divf %div3A_322, %add3A_321 : vector<16xf32>
        %mul3A_324 = arith.mulf %sub3A_210, %div3A_323 : vector<16xf32>
        %swap3A_325 = arith.index_cast %rem3A_85 : i32 to index
        %swap3A_326 = arith.index_cast %add3A_200 : i32 to index
        %swap3A_327 = arith.constant 0 : index
        %swap3A_328 = tpu.vector_load %arg9[%swap3A_325, %swap3A_326, %swap3A_327] {strides = array<i32>} : memref<2x80x128xf32, #tpu.memory_space<vmem>>, vector<16xf32>,
        tpu.vector_store %arg9[%swap3A_325, %swap3A_326, %swap3A_327], %mul3A_324 {strides = array<i32>} : memref<2x80x128xf32, #tpu.memory_space<vmem>>, vector<16xf32>,
        %mul3A_329 = arith.mulf %sub3A_221, %div3A_323 : vector<16xf32>
        %swap3A_330 = arith.index_cast %rem3A_85 : i32 to index
        %swap3A_331 = arith.index_cast %add3A_200 : i32 to index
        %swap3A_332 = arith.constant 16 : index
        %swap3A_333 = tpu.vector_load %arg9[%swap3A_330, %swap3A_331, %swap3A_332] {strides = array<i32>} : memref<2x80x128xf32, #tpu.memory_space<vmem>>, vector<16xf32>,
        tpu.vector_store %arg9[%swap3A_330, %swap3A_331, %swap3A_332], %mul3A_329 {strides = array<i32>} : memref<2x80x128xf32, #tpu.memory_space<vmem>>, vector<16xf32>,
        %mul3A_334 = arith.mulf %sub3A_232, %div3A_323 : vector<16xf32>
        %swap3A_335 = arith.index_cast %rem3A_85 : i32 to index
        %swap3A_336 = arith.index_cast %add3A_200 : i32 to index
        %swap3A_337 = arith.constant 32 : index
        %swap3A_338 = tpu.vector_load %arg9[%swap3A_335, %swap3A_336, %swap3A_337] {strides = array<i32>} : memref<2x80x128xf32, #tpu.memory_space<vmem>>, vector<16xf32>,
        tpu.vector_store %arg9[%swap3A_335, %swap3A_336, %swap3A_337], %mul3A_334 {strides = array<i32>} : memref<2x80x128xf32, #tpu.memory_space<vmem>>, vector<16xf32>,
        %mul3A_339 = arith.mulf %sub3A_243, %div3A_323 : vector<16xf32>
        %swap3A_340 = arith.index_cast %rem3A_85 : i32 to index
        %swap3A_341 = arith.index_cast %add3A_200 : i32 to index
        %swap3A_342 = arith.constant 48 : index
        %swap3A_343 = tpu.vector_load %arg9[%swap3A_340, %swap3A_341, %swap3A_342] {strides = array<i32>} : memref<2x80x128xf32, #tpu.memory_space<vmem>>, vector<16xf32>,
        tpu.vector_store %arg9[%swap3A_340, %swap3A_341, %swap3A_342], %mul3A_339 {strides = array<i32>} : memref<2x80x128xf32, #tpu.memory_space<vmem>>, vector<16xf32>,
        %mul3A_344 = arith.mulf %sub3A_254, %div3A_323 : vector<16xf32>
        %swap3A_345 = arith.index_cast %rem3A_85 : i32 to index
        %swap3A_346 = arith.index_cast %add3A_200 : i32 to index
        %swap3A_347 = arith.constant 64 : index
        %swap3A_348 = tpu.vector_load %arg9[%swap3A_345, %swap3A_346, %swap3A_347] {strides = array<i32>} : memref<2x80x128xf32, #tpu.memory_space<vmem>>, vector<16xf32>,
        tpu.vector_store %arg9[%swap3A_345, %swap3A_346, %swap3A_347], %mul3A_344 {strides = array<i32>} : memref<2x80x128xf32, #tpu.memory_space<vmem>>, vector<16xf32>,
        %mul3A_349 = arith.mulf %sub3A_265, %div3A_323 : vector<16xf32>
        %swap3A_350 = arith.index_cast %rem3A_85 : i32 to index
        %swap3A_351 = arith.index_cast %add3A_200 : i32 to index
        %swap3A_352 = arith.constant 80 : index
        %swap3A_353 = tpu.vector_load %arg9[%swap3A_350, %swap3A_351, %swap3A_352] {strides = array<i32>} : memref<2x80x128xf32, #tpu.memory_space<vmem>>, vector<16xf32>,
        tpu.vector_store %arg9[%swap3A_350, %swap3A_351, %swap3A_352], %mul3A_349 {strides = array<i32>} : memref<2x80x128xf32, #tpu.memory_space<vmem>>, vector<16xf32>,
        %mul3A_354 = arith.mulf %sub3A_276, %div3A_323 : vector<16xf32>
        %swap3A_355 = arith.index_cast %rem3A_85 : i32 to index
        %swap3A_356 = arith.index_cast %add3A_200 : i32 to index
        %swap3A_357 = arith.constant 96 : index
        %swap3A_358 = tpu.vector_load %arg9[%swap3A_355, %swap3A_356, %swap3A_357] {strides = array<i32>} : memref<2x80x128xf32, #tpu.memory_space<vmem>>, vector<16xf32>,
        tpu.vector_store %arg9[%swap3A_355, %swap3A_356, %swap3A_357], %mul3A_354 {strides = array<i32>} : memref<2x80x128xf32, #tpu.memory_space<vmem>>, vector<16xf32>,
        %mul3A_359 = arith.mulf %sub3A_287, %div3A_323 : vector<16xf32>
        %swap3A_360 = arith.index_cast %rem3A_85 : i32 to index
        %swap3A_361 = arith.index_cast %add3A_200 : i32 to index
        %swap3A_362 = arith.constant 112 : index
        %swap3A_363 = tpu.vector_load %arg9[%swap3A_360, %swap3A_361, %swap3A_362] {strides = array<i32>} : memref<2x80x128xf32, #tpu.memory_space<vmem>>, vector<16xf32>,
        tpu.vector_store %arg9[%swap3A_360, %swap3A_361, %swap3A_362], %mul3A_359 {strides = array<i32>} : memref<2x80x128xf32, #tpu.memory_space<vmem>>, vector<16xf32>,
        %eq3A = vector.broadcast %scan3A_197 : i32 to vector<16xi32>
        %eq3A_364 = arith.cmpi eq, %iota3A, %eq3A : vector<16xi32>
        %select_n3A = arith.select %eq3A_364, %mul3A_318, %scan3A_198 : vector<16xi1>, vector<16xf32>
        %scan3A_365 = arith.constant 1 : i32
        %scan3A_366 = arith.addi %scan3A_197, %scan3A_365 : i32
        %add3A_367 = arith.constant 64 : i32
        %add3A_368 = arith.addi %add3A_367, %scan3A_366 : i32
        %broadcast_in_dim3A_369 = arith.constant 0.000000e+00 : f32
        %broadcast_in_dim3A_370 = vector.broadcast %broadcast_in_dim3A_369 : f32 to vector<16xf32>
        %get3A_371 = arith.index_cast %rem3A_85 : i32 to index
        %get3A_372 = arith.index_cast %add3A_368 : i32 to index
        %get3A_373 = arith.constant 0 : index
        %get3A_374 = tpu.vector_load %arg9[%get3A_371, %get3A_372, %get3A_373] {strides = array<i32>} : memref<2x80x128xf32, #tpu.memory_space<vmem>>, vector<16xf32>,
        %get3A_375 = arith.index_cast %rem3A_85 : i32 to index
        %get3A_376 = arith.index_cast %add3A_368 : i32 to index
        %get3A_377 = arith.constant 0 : index
        %get3A_378 = tpu.vector_load %arg10[%get3A_375, %get3A_376, %get3A_377] {strides = array<i32>} : memref<2x80x128xf32, #tpu.memory_space<vmem>>, vector<16xf32>,
        %sub3A_379 = arith.subf %get3A_374, %get3A_378 : vector<16xf32>
        %mul3A_380 = arith.mulf %sub3A_379, %sub3A_379 : vector<16xf32>
        %add3A_381 = arith.addf %broadcast_in_dim3A_370, %mul3A_380 : vector<16xf32>
        %get3A_382 = arith.index_cast %rem3A_85 : i32 to index
        %get3A_383 = arith.index_cast %add3A_368 : i32 to index
        %get3A_384 = arith.constant 16 : index
        %get3A_385 = tpu.vector_load %arg9[%get3A_382, %get3A_383, %get3A_384] {strides = array<i32>} : memref<2x80x128xf32, #tpu.memory_space<vmem>>, vector<16xf32>,
        %get3A_386 = arith.index_cast %rem3A_85 : i32 to index
        %get3A_387 = arith.index_cast %add3A_368 : i32 to index
        %get3A_388 = arith.constant 16 : index
        %get3A_389 = tpu.vector_load %arg10[%get3A_386, %get3A_387, %get3A_388] {strides = array<i32>} : memref<2x80x128xf32, #tpu.memory_space<vmem>>, vector<16xf32>,
        %sub3A_390 = arith.subf %get3A_385, %get3A_389 : vector<16xf32>
        %mul3A_391 = arith.mulf %sub3A_390, %sub3A_390 : vector<16xf32>
        %add3A_392 = arith.addf %add3A_381, %mul3A_391 : vector<16xf32>
        %get3A_393 = arith.index_cast %rem3A_85 : i32 to index
        %get3A_394 = arith.index_cast %add3A_368 : i32 to index
        %get3A_395 = arith.constant 32 : index
        %get3A_396 = tpu.vector_load %arg9[%get3A_393, %get3A_394, %get3A_395] {strides = array<i32>} : memref<2x80x128xf32, #tpu.memory_space<vmem>>, vector<16xf32>,
        %get3A_397 = arith.index_cast %rem3A_85 : i32 to index
        %get3A_398 = arith.index_cast %add3A_368 : i32 to index
        %get3A_399 = arith.constant 32 : index
        %get3A_400 = tpu.vector_load %arg10[%get3A_397, %get3A_398, %get3A_399] {strides = array<i32>} : memref<2x80x128xf32, #tpu.memory_space<vmem>>, vector<16xf32>,
        %sub3A_401 = arith.subf %get3A_396, %get3A_400 : vector<16xf32>
        %mul3A_402 = arith.mulf %sub3A_401, %sub3A_401 : vector<16xf32>
        %add3A_403 = arith.addf %add3A_392, %mul3A_402 : vector<16xf32>
        %get3A_404 = arith.index_cast %rem3A_85 : i32 to index
        %get3A_405 = arith.index_cast %add3A_368 : i32 to index
        %get3A_406 = arith.constant 48 : index
        %get3A_407 = tpu.vector_load %arg9[%get3A_404, %get3A_405, %get3A_406] {strides = array<i32>} : memref<2x80x128xf32, #tpu.memory_space<vmem>>, vector<16xf32>,
        %get3A_408 = arith.index_cast %rem3A_85 : i32 to index
        %get3A_409 = arith.index_cast %add3A_368 : i32 to index
        %get3A_410 = arith.constant 48 : index
        %get3A_411 = tpu.vector_load %arg10[%get3A_408, %get3A_409, %get3A_410] {strides = array<i32>} : memref<2x80x128xf32, #tpu.memory_space<vmem>>, vector<16xf32>,
        %sub3A_412 = arith.subf %get3A_407, %get3A_411 : vector<16xf32>
        %mul3A_413 = arith.mulf %sub3A_412, %sub3A_412 : vector<16xf32>
        %add3A_414 = arith.addf %add3A_403, %mul3A_413 : vector<16xf32>
        %get3A_415 = arith.index_cast %rem3A_85 : i32 to index
        %get3A_416 = arith.index_cast %add3A_368 : i32 to index
        %get3A_417 = arith.constant 64 : index
        %get3A_418 = tpu.vector_load %arg9[%get3A_415, %get3A_416, %get3A_417] {strides = array<i32>} : memref<2x80x128xf32, #tpu.memory_space<vmem>>, vector<16xf32>,
        %get3A_419 = arith.index_cast %rem3A_85 : i32 to index
        %get3A_420 = arith.index_cast %add3A_368 : i32 to index
        %get3A_421 = arith.constant 64 : index
        %get3A_422 = tpu.vector_load %arg10[%get3A_419, %get3A_420, %get3A_421] {strides = array<i32>} : memref<2x80x128xf32, #tpu.memory_space<vmem>>, vector<16xf32>,
        %sub3A_423 = arith.subf %get3A_418, %get3A_422 : vector<16xf32>
        %mul3A_424 = arith.mulf %sub3A_423, %sub3A_423 : vector<16xf32>
        %add3A_425 = arith.addf %add3A_414, %mul3A_424 : vector<16xf32>
        %get3A_426 = arith.index_cast %rem3A_85 : i32 to index
        %get3A_427 = arith.index_cast %add3A_368 : i32 to index
        %get3A_428 = arith.constant 80 : index
        %get3A_429 = tpu.vector_load %arg9[%get3A_426, %get3A_427, %get3A_428] {strides = array<i32>} : memref<2x80x128xf32, #tpu.memory_space<vmem>>, vector<16xf32>,
        %get3A_430 = arith.index_cast %rem3A_85 : i32 to index
        %get3A_431 = arith.index_cast %add3A_368 : i32 to index
        %get3A_432 = arith.constant 80 : index
        %get3A_433 = tpu.vector_load %arg10[%get3A_430, %get3A_431, %get3A_432] {strides = array<i32>} : memref<2x80x128xf32, #tpu.memory_space<vmem>>, vector<16xf32>,
        %sub3A_434 = arith.subf %get3A_429, %get3A_433 : vector<16xf32>
        %mul3A_435 = arith.mulf %sub3A_434, %sub3A_434 : vector<16xf32>
        %add3A_436 = arith.addf %add3A_425, %mul3A_435 : vector<16xf32>
        %get3A_437 = arith.index_cast %rem3A_85 : i32 to index
        %get3A_438 = arith.index_cast %add3A_368 : i32 to index
        %get3A_439 = arith.constant 96 : index
        %get3A_440 = tpu.vector_load %arg9[%get3A_437, %get3A_438, %get3A_439] {strides = array<i32>} : memref<2x80x128xf32, #tpu.memory_space<vmem>>, vector<16xf32>,
        %get3A_441 = arith.index_cast %rem3A_85 : i32 to index
        %get3A_442 = arith.index_cast %add3A_368 : i32 to index
        %get3A_443 = arith.constant 96 : index
        %get3A_444 = tpu.vector_load %arg10[%get3A_441, %get3A_442, %get3A_443] {strides = array<i32>} : memref<2x80x128xf32, #tpu.memory_space<vmem>>, vector<16xf32>,
        %sub3A_445 = arith.subf %get3A_440, %get3A_444 : vector<16xf32>
        %mul3A_446 = arith.mulf %sub3A_445, %sub3A_445 : vector<16xf32>
        %add3A_447 = arith.addf %add3A_436, %mul3A_446 : vector<16xf32>
        %get3A_448 = arith.index_cast %rem3A_85 : i32 to index
        %get3A_449 = arith.index_cast %add3A_368 : i32 to index
        %get3A_450 = arith.constant 112 : index
        %get3A_451 = tpu.vector_load %arg9[%get3A_448, %get3A_449, %get3A_450] {strides = array<i32>} : memref<2x80x128xf32, #tpu.memory_space<vmem>>, vector<16xf32>,
        %get3A_452 = arith.index_cast %rem3A_85 : i32 to index
        %get3A_453 = arith.index_cast %add3A_368 : i32 to index
        %get3A_454 = arith.constant 112 : index
        %get3A_455 = tpu.vector_load %arg10[%get3A_452, %get3A_453, %get3A_454] {strides = array<i32>} : memref<2x80x128xf32, #tpu.memory_space<vmem>>, vector<16xf32>,
        %sub3A_456 = arith.subf %get3A_451, %get3A_455 : vector<16xf32>
        %mul3A_457 = arith.mulf %sub3A_456, %sub3A_456 : vector<16xf32>
        %add3A_458 = arith.addf %add3A_447, %mul3A_457 : vector<16xf32>
        %reduce_sum3A_459 = arith.constant true
        %reduce_sum3A_460 = vector.broadcast %reduce_sum3A_459 : i1 to vector<16xi1>
        %reduce_sum3A_461 = tpu.scan <sum>, %add3A_458 masked %reduce_sum3A_460 : vector<16xf32>, vector<16xi1> -> vector<16xf32>
        %reduce_sum3A_462 = vector.extract %reduce_sum3A_461[15] : f32 from vector<16xf32>
        %broadcast_in_dim3A_463 = vector.broadcast %reduce_sum3A_462 : f32 to vector<16xf32>
        %bitcast_convert_type3A_464 = tpu.bitcast %broadcast_in_dim3A_463 : vector<16xf32> -> vector<16xi32>
        %shift_right_arithmetic3A_465 = arith.constant 1 : i32
        %shift_right_arithmetic3A_466 = vector.broadcast %shift_right_arithmetic3A_465 : i32 to vector<16xi32>
        %shift_right_arithmetic3A_467 = arith.shrsi %bitcast_convert_type3A_464, %shift_right_arithmetic3A_466 : vector<16xi32>
        %sub3A_468 = arith.constant 1597463007 : i32
        %sub3A_469 = vector.broadcast %sub3A_468 : i32 to vector<16xi32>
        %sub3A_470 = arith.subi %sub3A_469, %shift_right_arithmetic3A_467 : vector<16xi32>
        %bitcast_convert_type3A_471 = tpu.bitcast %sub3A_470 : vector<16xi32> -> vector<16xf32>
        %mul3A_472 = arith.constant 5.000000e-01 : f32
        %mul3A_473 = vector.broadcast %mul3A_472 : f32 to vector<16xf32>
        %mul3A_474 = arith.mulf %mul3A_473, %broadcast_in_dim3A_463 : vector<16xf32>
        %mul3A_475 = arith.mulf %mul3A_474, %bitcast_convert_type3A_471 : vector<16xf32>
        %mul3A_476 = arith.mulf %mul3A_475, %bitcast_convert_type3A_471 : vector<16xf32>
        %sub3A_477 = arith.constant 1.500000e+00 : f32
        %sub3A_478 = vector.broadcast %sub3A_477 : f32 to vector<16xf32>
        %sub3A_479 = arith.subf %sub3A_478, %mul3A_476 : vector<16xf32>
        %mul3A_480 = arith.mulf %bitcast_convert_type3A_471, %sub3A_479 : vector<16xf32>
        %mul3A_481 = arith.constant 5.000000e-01 : f32
        %mul3A_482 = vector.broadcast %mul3A_481 : f32 to vector<16xf32>
        %mul3A_483 = arith.mulf %mul3A_482, %broadcast_in_dim3A_463 : vector<16xf32>
        %mul3A_484 = arith.mulf %mul3A_483, %mul3A_480 : vector<16xf32>
        %mul3A_485 = arith.mulf %mul3A_484, %mul3A_480 : vector<16xf32>
        %sub3A_486 = arith.constant 1.500000e+00 : f32
        %sub3A_487 = vector.broadcast %sub3A_486 : f32 to vector<16xf32>
        %sub3A_488 = arith.subf %sub3A_487, %mul3A_485 : vector<16xf32>
        %mul3A_489 = arith.mulf %mul3A_480, %sub3A_488 : vector<16xf32>
        %mul3A_490 = arith.mulf %broadcast_in_dim3A_463, %mul3A_489 : vector<16xf32>
        %add3A_491 = arith.constant 1.000000e+00 : f32
        %add3A_492 = vector.broadcast %add3A_491 : f32 to vector<16xf32>
        %add3A_493 = arith.addf %add3A_492, %mul3A_490 : vector<16xf32>
        %div3A_494 = arith.constant 1.000000e+00 : f32
        %div3A_495 = vector.broadcast %div3A_494 : f32 to vector<16xf32>
        %div3A_496 = arith.divf %div3A_495, %add3A_493 : vector<16xf32>
        %mul3A_497 = arith.mulf %sub3A_379, %div3A_496 : vector<16xf32>
        %swap3A_498 = arith.index_cast %rem3A_85 : i32 to index
        %swap3A_499 = arith.index_cast %add3A_368 : i32 to index
        %swap3A_500 = arith.constant 0 : index
        %swap3A_501 = tpu.vector_load %arg9[%swap3A_498, %swap3A_499, %swap3A_500] {strides = array<i32>} : memref<2x80x128xf32, #tpu.memory_space<vmem>>, vector<16xf32>,
        tpu.vector_store %arg9[%swap3A_498, %swap3A_499, %swap3A_500], %mul3A_497 {strides = array<i32>} : memref<2x80x128xf32, #tpu.memory_space<vmem>>, vector<16xf32>,
        %mul3A_502 = arith.mulf %sub3A_390, %div3A_496 : vector<16xf32>
        %swap3A_503 = arith.index_cast %rem3A_85 : i32 to index
        %swap3A_504 = arith.index_cast %add3A_368 : i32 to index
        %swap3A_505 = arith.constant 16 : index
        %swap3A_506 = tpu.vector_load %arg9[%swap3A_503, %swap3A_504, %swap3A_505] {strides = array<i32>} : memref<2x80x128xf32, #tpu.memory_space<vmem>>, vector<16xf32>,
        tpu.vector_store %arg9[%swap3A_503, %swap3A_504, %swap3A_505], %mul3A_502 {strides = array<i32>} : memref<2x80x128xf32, #tpu.memory_space<vmem>>, vector<16xf32>,
        %mul3A_507 = arith.mulf %sub3A_401, %div3A_496 : vector<16xf32>
        %swap3A_508 = arith.index_cast %rem3A_85 : i32 to index
        %swap3A_509 = arith.index_cast %add3A_368 : i32 to index
        %swap3A_510 = arith.constant 32 : index
        %swap3A_511 = tpu.vector_load %arg9[%swap3A_508, %swap3A_509, %swap3A_510] {strides = array<i32>} : memref<2x80x128xf32, #tpu.memory_space<vmem>>, vector<16xf32>,
        tpu.vector_store %arg9[%swap3A_508, %swap3A_509, %swap3A_510], %mul3A_507 {strides = array<i32>} : memref<2x80x128xf32, #tpu.memory_space<vmem>>, vector<16xf32>,
        %mul3A_512 = arith.mulf %sub3A_412, %div3A_496 : vector<16xf32>
        %swap3A_513 = arith.index_cast %rem3A_85 : i32 to index
        %swap3A_514 = arith.index_cast %add3A_368 : i32 to index
        %swap3A_515 = arith.constant 48 : index
        %swap3A_516 = tpu.vector_load %arg9[%swap3A_513, %swap3A_514, %swap3A_515] {strides = array<i32>} : memref<2x80x128xf32, #tpu.memory_space<vmem>>, vector<16xf32>,
        tpu.vector_store %arg9[%swap3A_513, %swap3A_514, %swap3A_515], %mul3A_512 {strides = array<i32>} : memref<2x80x128xf32, #tpu.memory_space<vmem>>, vector<16xf32>,
        %mul3A_517 = arith.mulf %sub3A_423, %div3A_496 : vector<16xf32>
        %swap3A_518 = arith.index_cast %rem3A_85 : i32 to index
        %swap3A_519 = arith.index_cast %add3A_368 : i32 to index
        %swap3A_520 = arith.constant 64 : index
        %swap3A_521 = tpu.vector_load %arg9[%swap3A_518, %swap3A_519, %swap3A_520] {strides = array<i32>} : memref<2x80x128xf32, #tpu.memory_space<vmem>>, vector<16xf32>,
        tpu.vector_store %arg9[%swap3A_518, %swap3A_519, %swap3A_520], %mul3A_517 {strides = array<i32>} : memref<2x80x128xf32, #tpu.memory_space<vmem>>, vector<16xf32>,
        %mul3A_522 = arith.mulf %sub3A_434, %div3A_496 : vector<16xf32>
        %swap3A_523 = arith.index_cast %rem3A_85 : i32 to index
        %swap3A_524 = arith.index_cast %add3A_368 : i32 to index
        %swap3A_525 = arith.constant 80 : index
        %swap3A_526 = tpu.vector_load %arg9[%swap3A_523, %swap3A_524, %swap3A_525] {strides = array<i32>} : memref<2x80x128xf32, #tpu.memory_space<vmem>>, vector<16xf32>,
        tpu.vector_store %arg9[%swap3A_523, %swap3A_524, %swap3A_525], %mul3A_522 {strides = array<i32>} : memref<2x80x128xf32, #tpu.memory_space<vmem>>, vector<16xf32>,
        %mul3A_527 = arith.mulf %sub3A_445, %div3A_496 : vector<16xf32>
        %swap3A_528 = arith.index_cast %rem3A_85 : i32 to index
        %swap3A_529 = arith.index_cast %add3A_368 : i32 to index
        %swap3A_530 = arith.constant 96 : index
        %swap3A_531 = tpu.vector_load %arg9[%swap3A_528, %swap3A_529, %swap3A_530] {strides = array<i32>} : memref<2x80x128xf32, #tpu.memory_space<vmem>>, vector<16xf32>,
        tpu.vector_store %arg9[%swap3A_528, %swap3A_529, %swap3A_530], %mul3A_527 {strides = array<i32>} : memref<2x80x128xf32, #tpu.memory_space<vmem>>, vector<16xf32>,
        %mul3A_532 = arith.mulf %sub3A_456, %div3A_496 : vector<16xf32>
        %swap3A_533 = arith.index_cast %rem3A_85 : i32 to index
        %swap3A_534 = arith.index_cast %add3A_368 : i32 to index
        %swap3A_535 = arith.constant 112 : index
        %swap3A_536 = tpu.vector_load %arg9[%swap3A_533, %swap3A_534, %swap3A_535] {strides = array<i32>} : memref<2x80x128xf32, #tpu.memory_space<vmem>>, vector<16xf32>,
        tpu.vector_store %arg9[%swap3A_533, %swap3A_534, %swap3A_535], %mul3A_532 {strides = array<i32>} : memref<2x80x128xf32, #tpu.memory_space<vmem>>, vector<16xf32>,
        %eq3A_537 = vector.broadcast %scan3A_366 : i32 to vector<16xi32>
        %eq3A_538 = arith.cmpi eq, %iota3A, %eq3A_537 : vector<16xi32>
        %select_n3A_539 = arith.select %eq3A_538, %mul3A_490, %select_n3A : vector<16xi1>, vector<16xf32>
        scf.yield %select_n3A_539 : vector<16xf32>
      }
      %scan3A_170 = arith.constant 16 : i32
      %swap3A_171 = arith.index_cast %rem3A_85 : i32 to index
      %swap3A_172 = arith.constant 64 : index
      %swap3A_173 = tpu.vector_load %arg11[%swap3A_171, %swap3A_172] {strides = array<i32>} : memref<2x80xf32, #tpu.memory_space<vmem>>, vector<16xf32>,
      tpu.vector_store %arg11[%swap3A_171, %swap3A_172], %scan3A_169 {strides = array<i32>} : memref<2x80xf32, #tpu.memory_space<vmem>>, vector<16xf32>,
      %mul3A_174 = arith.constant 80 : i32
      %mul3A_175 = arith.muli %scan3A_83, %mul3A_174 : i32
      %add3A_176 = arith.addi %mul3A_4, %mul3A_175 : i32
      %dma_start3A_177 = arith.constant 0 : i32
      %dma_start3A_178 = arith.constant 0 : i32
      %dma_start3A_179 = tpu.memref_slice %arg9[%rem3A_85, %dma_start3A_177, %dma_start3A_178] : memref<2x80x128xf32, #tpu.memory_space<vmem>> -> memref<1x80x128xf32, #tpu.memory_space<vmem>>
      %dma_start3A_180 = tpu.memref_squeeze %dma_start3A_179 : memref<1x80x128xf32, #tpu.memory_space<vmem>> -> memref<80x128xf32, #tpu.memory_space<vmem>>
      %dma_start3A_181 = arith.constant 0 : i32
      %dma_start3A_182 = tpu.memref_slice %arg6[%add3A_176, %dma_start3A_181] : memref<320000x128xf32, #tpu.memory_space<hbm>> -> memref<80x128xf32, #tpu.memory_space<hbm>>
      %dma_start3A_183 = arith.constant 0 : i32
      %dma_start3A_184 = tpu.memref_slice %arg6[%add3A_176, %dma_start3A_183] : memref<320000x128xf32, #tpu.memory_space<hbm>> -> memref<80x128xf32, #tpu.memory_space<hbm>>
      %dma_start3A_185 = arith.constant 0 : i32
      %dma_start3A_186 = arith.constant 0 : i32
      %dma_start3A_187 = tpu.memref_slice %arg9[%rem3A_85, %dma_start3A_185, %dma_start3A_186] : memref<2x80x128xf32, #tpu.memory_space<vmem>> -> memref<1x80x128xf32, #tpu.memory_space<vmem>>
      %dma_start3A_188 = tpu.memref_squeeze %dma_start3A_187 : memref<1x80x128xf32, #tpu.memory_space<vmem>> -> memref<80x128xf32, #tpu.memory_space<vmem>>
      tpu.enqueue_dma source(%dma_start3A_188 : memref<80x128xf32, #tpu.memory_space<vmem>>) target(%dma_start3A_184 : memref<80x128xf32, #tpu.memory_space<hbm>>) target_semaphore(%arg14 : memref<!tpu.dma_semaphore, #tpu.memory_space<semaphore_mem>>)
      %dma_start3A_189 = arith.constant 0 : i32
      %dma_start3A_190 = tpu.memref_slice %arg11[%rem3A_85, %dma_start3A_189] : memref<2x80xf32, #tpu.memory_space<vmem>> -> memref<1x80xf32, #tpu.memory_space<vmem>>
      %dma_start3A_191 = tpu.memref_squeeze %dma_start3A_190 : memref<1x80xf32, #tpu.memory_space<vmem>> -> memref<80xf32, #tpu.memory_space<vmem>>
      %dma_start3A_192 = tpu.memref_slice %arg5[%add3A_176] : memref<320000xf32, #tpu.memory_space<hbm>> -> memref<80xf32, #tpu.memory_space<hbm>>
      %dma_start3A_193 = tpu.memref_slice %arg5[%add3A_176] : memref<320000xf32, #tpu.memory_space<hbm>> -> memref<80xf32, #tpu.memory_space<hbm>>
      %dma_start3A_194 = arith.constant 0 : i32
      %dma_start3A_195 = tpu.memref_slice %arg11[%rem3A_85, %dma_start3A_194] : memref<2x80xf32, #tpu.memory_space<vmem>> -> memref<1x80xf32, #tpu.memory_space<vmem>>
      %dma_start3A_196 = tpu.memref_squeeze %dma_start3A_195 : memref<1x80xf32, #tpu.memory_space<vmem>> -> memref<80xf32, #tpu.memory_space<vmem>>
      tpu.enqueue_dma source(%dma_start3A_196 : memref<80xf32, #tpu.memory_space<vmem>>) target(%dma_start3A_193 : memref<80xf32, #tpu.memory_space<hbm>>) target_semaphore(%arg14 : memref<!tpu.dma_semaphore, #tpu.memory_space<semaphore_mem>>)
    }
    %scan3A_34 = arith.constant 125 : i32
    %rem3A = arith.constant 123 : i32
    %rem3A_35 = arith.constant 2 : i32
    %rem3A_36 = arith.remsi %rem3A, %rem3A_35 : i32
    %add3A_37 = arith.constant 9840 : i32
    %add3A_38 = arith.addi %mul3A_4, %add3A_37 : i32
    %dma_wait3A = arith.constant 0 : i32
    %dma_wait3A_39 = arith.constant 0 : i32
    %dma_wait3A_40 = tpu.memref_slice %arg9[%rem3A_36, %dma_wait3A, %dma_wait3A_39] : memref<2x80x128xf32, #tpu.memory_space<vmem>> -> memref<1x80x128xf32, #tpu.memory_space<vmem>>
    %dma_wait3A_41 = tpu.memref_squeeze %dma_wait3A_40 : memref<1x80x128xf32, #tpu.memory_space<vmem>> -> memref<80x128xf32, #tpu.memory_space<vmem>>
    %dma_wait3A_42 = arith.constant 0 : i32
    %dma_wait3A_43 = tpu.memref_slice %arg6[%add3A_38, %dma_wait3A_42] : memref<320000x128xf32, #tpu.memory_space<hbm>> -> memref<80x128xf32, #tpu.memory_space<hbm>>
    %dma_wait3A_44 = arith.constant 0 : i32
    %dma_wait3A_45 = tpu.memref_slice %arg6[%add3A_38, %dma_wait3A_44] : memref<320000x128xf32, #tpu.memory_space<hbm>> -> memref<80x128xf32, #tpu.memory_space<hbm>>
    %dma_wait3A_46 = arith.constant 0 : i32
    %dma_wait3A_47 = arith.constant 0 : i32
    %dma_wait3A_48 = tpu.memref_slice %arg9[%rem3A_36, %dma_wait3A_46, %dma_wait3A_47] : memref<2x80x128xf32, #tpu.memory_space<vmem>> -> memref<1x80x128xf32, #tpu.memory_space<vmem>>
    %dma_wait3A_49 = tpu.memref_squeeze %dma_wait3A_48 : memref<1x80x128xf32, #tpu.memory_space<vmem>> -> memref<80x128xf32, #tpu.memory_space<vmem>>
    tpu.wait_dma2 semaphore(%arg14 : memref<!tpu.dma_semaphore, #tpu.memory_space<semaphore_mem>>) src(%dma_wait3A_49 : memref<80x128xf32, #tpu.memory_space<vmem>>) dst(%dma_wait3A_45 : memref<80x128xf32, #tpu.memory_space<hbm>>)
    %dma_wait3A_50 = arith.constant 0 : i32
    %dma_wait3A_51 = tpu.memref_slice %arg11[%rem3A_36, %dma_wait3A_50] : memref<2x80xf32, #tpu.memory_space<vmem>> -> memref<1x80xf32, #tpu.memory_space<vmem>>
    %dma_wait3A_52 = tpu.memref_squeeze %dma_wait3A_51 : memref<1x80xf32, #tpu.memory_space<vmem>> -> memref<80xf32, #tpu.memory_space<vmem>>
    %dma_wait3A_53 = tpu.memref_slice %arg5[%add3A_38] : memref<320000xf32, #tpu.memory_space<hbm>> -> memref<80xf32, #tpu.memory_space<hbm>>
    %dma_wait3A_54 = tpu.memref_slice %arg5[%add3A_38] : memref<320000xf32, #tpu.memory_space<hbm>> -> memref<80xf32, #tpu.memory_space<hbm>>
    %dma_wait3A_55 = arith.constant 0 : i32
    %dma_wait3A_56 = tpu.memref_slice %arg11[%rem3A_36, %dma_wait3A_55] : memref<2x80xf32, #tpu.memory_space<vmem>> -> memref<1x80xf32, #tpu.memory_space<vmem>>
    %dma_wait3A_57 = tpu.memref_squeeze %dma_wait3A_56 : memref<1x80xf32, #tpu.memory_space<vmem>> -> memref<80xf32, #tpu.memory_space<vmem>>
    tpu.wait_dma2 semaphore(%arg14 : memref<!tpu.dma_semaphore, #tpu.memory_space<semaphore_mem>>) src(%dma_wait3A_57 : memref<80xf32, #tpu.memory_space<vmem>>) dst(%dma_wait3A_54 : memref<80xf32, #tpu.memory_space<hbm>>)
    %rem3A_58 = arith.constant 124 : i32
    %rem3A_59 = arith.constant 2 : i32
    %rem3A_60 = arith.remsi %rem3A_58, %rem3A_59 : i32
    %add3A_61 = arith.constant 9920 : i32
    %add3A_62 = arith.addi %mul3A_4, %add3A_61 : i32
    %dma_wait3A_63 = arith.constant 0 : i32
    %dma_wait3A_64 = arith.constant 0 : i32
    %dma_wait3A_65 = tpu.memref_slice %arg9[%rem3A_60, %dma_wait3A_63, %dma_wait3A_64] : memref<2x80x128xf32, #tpu.memory_space<vmem>> -> memref<1x80x128xf32, #tpu.memory_space<vmem>>
    %dma_wait3A_66 = tpu.memref_squeeze %dma_wait3A_65 : memref<1x80x128xf32, #tpu.memory_space<vmem>> -> memref<80x128xf32, #tpu.memory_space<vmem>>
    %dma_wait3A_67 = arith.constant 0 : i32
    %dma_wait3A_68 = tpu.memref_slice %arg6[%add3A_62, %dma_wait3A_67] : memref<320000x128xf32, #tpu.memory_space<hbm>> -> memref<80x128xf32, #tpu.memory_space<hbm>>
    %dma_wait3A_69 = arith.constant 0 : i32
    %dma_wait3A_70 = tpu.memref_slice %arg6[%add3A_62, %dma_wait3A_69] : memref<320000x128xf32, #tpu.memory_space<hbm>> -> memref<80x128xf32, #tpu.memory_space<hbm>>
    %dma_wait3A_71 = arith.constant 0 : i32
    %dma_wait3A_72 = arith.constant 0 : i32
    %dma_wait3A_73 = tpu.memref_slice %arg9[%rem3A_60, %dma_wait3A_71, %dma_wait3A_72] : memref<2x80x128xf32, #tpu.memory_space<vmem>> -> memref<1x80x128xf32, #tpu.memory_space<vmem>>
    %dma_wait3A_74 = tpu.memref_squeeze %dma_wait3A_73 : memref<1x80x128xf32, #tpu.memory_space<vmem>> -> memref<80x128xf32, #tpu.memory_space<vmem>>
    tpu.wait_dma2 semaphore(%arg14 : memref<!tpu.dma_semaphore, #tpu.memory_space<semaphore_mem>>) src(%dma_wait3A_74 : memref<80x128xf32, #tpu.memory_space<vmem>>) dst(%dma_wait3A_70 : memref<80x128xf32, #tpu.memory_space<hbm>>)
    %dma_wait3A_75 = arith.constant 0 : i32
    %dma_wait3A_76 = tpu.memref_slice %arg11[%rem3A_60, %dma_wait3A_75] : memref<2x80xf32, #tpu.memory_space<vmem>> -> memref<1x80xf32, #tpu.memory_space<vmem>>
    %dma_wait3A_77 = tpu.memref_squeeze %dma_wait3A_76 : memref<1x80xf32, #tpu.memory_space<vmem>> -> memref<80xf32, #tpu.memory_space<vmem>>
    %dma_wait3A_78 = tpu.memref_slice %arg5[%add3A_62] : memref<320000xf32, #tpu.memory_space<hbm>> -> memref<80xf32, #tpu.memory_space<hbm>>
    %dma_wait3A_79 = tpu.memref_slice %arg5[%add3A_62] : memref<320000xf32, #tpu.memory_space<hbm>> -> memref<80xf32, #tpu.memory_space<hbm>>
    %dma_wait3A_80 = arith.constant 0 : i32
    %dma_wait3A_81 = tpu.memref_slice %arg11[%rem3A_60, %dma_wait3A_80] : memref<2x80xf32, #tpu.memory_space<vmem>> -> memref<1x80xf32, #tpu.memory_space<vmem>>
    %dma_wait3A_82 = tpu.memref_squeeze %dma_wait3A_81 : memref<1x80xf32, #tpu.memory_space<vmem>> -> memref<80xf32, #tpu.memory_space<vmem>>
    tpu.wait_dma2 semaphore(%arg14 : memref<!tpu.dma_semaphore, #tpu.memory_space<semaphore_mem>>) src(%dma_wait3A_82 : memref<80xf32, #tpu.memory_space<vmem>>) dst(%dma_wait3A_79 : memref<80xf32, #tpu.memory_space<hbm>>)
    return
  }
}

</mosaic_0001>

<sc_bundles>
// kernel: kernel.3.cloned.1.call-start
scs
__scs_entry_jumppad:
0x0: {  	(pc) =	sbr.rel $0x88, $3  }
0x1: {  	(tag) =	ssettag $0x0;
	lr =	simm.s32 $0x1  }
0x2: {  	[smem:$0x3F9F] =	sst lr;
	_ =	strace $0xD0000000  }
0x3: {  	_ = 	snop  }
0x4: {  	_ = 	snop  }
0x5: {  	_ = 	snop  }
0x6: {  	_ = 	snop  }
0x7: {  	_ = 	snop  }
__scs_overlays_trampoline_lowered:
0x8: {  	[smem:$0x3FAE] =	sst s0  }
0x9: {  	[smem:$0x3FAF] =	sst s1  }
0xa: {  	[smem:$0x3FB0] =	sst s2  }
0xb: {  	[smem:$0x3FB1] =	sst s3  }
0xc: {  	[smem:$0x3FB2] =	sst s4  }
0xd: {  	[smem:$0x3FB3] =	sst s5  }
0xe: {  	[smem:$0x3FB4] =	sst s6  }
0xf: {  	[smem:$0x3FB5] =	sst s7  }
0x10: {  	[smem:$0x3FB6] =	sst s8  }
0x11: {  	[smem:$0x3FB7] =	sst s9;
	s0 =	simm.s32 @!p0 $0x0  }
0x12: {  	s1 =	sld [smem:$0x3F9D];
	s0 =	simm.s32 @p0 $0x1  }
0x13: {  	[smem:$0x3FB8] =	sst s0;
	s0 =	simm.s32 @!p1 $0x0  }
0x14: {  	s2 =	sld [smem:$0x3F9C];
	s0 =	simm.s32 @p1 $0x1  }
0x15: {  	[smem:$0x3FB9] =	sst s0;
	s0 =	simm.s32 @!p2 $0x0  }
0x16: {  	s3 =	sld [smem:$0x3FDB];
	s0 =	simm.s32 @p2 $0x1  }
0x17: {  	s4 =	simm.s32 $0x1BF5;
	[smem:$0x3FBB] =	sst s0  }
0x18: {  	s0 =	sld [smem:$0x3F9E];
	_ =	swait.ge [sflag:s4], $0x0  }
0x19: {  	s7 =	sld [smem:$0x3F9F]  }
0x1a: {  	s8 =	sadd.s32 $0xFFFFE003, lr  }
0x1b: {  	s9 =	sadd.s32 $0xFFFFFEF7, lr;
	s5 =	simm.s32 $0xFFFFFFFF;
	p2 =	slt.u32 s8, $0xFFFFF086  }
0x1c: {  	p1 =	slt.u32 s9, $0xF7A;
	s5 =	simm.s32 @!p2 $0x0  }
0x1d: {  	s5 =	simm.s32 @p1 $0x1;
	p0 =	seq.s32 s7, s2  }
0x1e: {  	s7 =	smul.u32 @!p0 $0xF7A, s2;
	p2 =	seq.s32 @!p0 s5, $0x0  }
0x1f: {  	s9 =	smul.u32 $0xF7A, s1;
	s8 =	simm.s32 @!p0 $0x1BF5;
	p2 =	por !p2, p0  }
0x20: {  	[sflag:s8] =	ssyncset.s32 @!p0 $0xFFFFF086;
	s6 =	sadd.s32 @!p0 s3, s7;
	s7 =	simm.s32 @!p0 $0x108  }
0x21: {  	s3 =	sadd.s32 s3, s9;
	s6 =	sadd.s32 @!p0 $0x88, s6;
	s7 =	simm.s32 @p2 $0x1082  }
0x22: {  	[simem:s7], [sflag:s8] =	dma.local @!p0 [hbm:s6], $0xF7A  }
0x23: {  	s9 =	sor.u32 $0xD0000000, s2;
	s6 =	simm.s32 $0x108;
	_ =	swait.ge @!p0 [sflag:s8], $0x0  }
0x24: {  	s3 =	sadd.s32 $0x88, s3;
	s6 =	simm.s32 @!p1 $0x1082;
	[sflag:s4] =	ssyncset.s32 $0xFFFFF086  }
0x25: {  	[simem:s6], [sflag:s4] =	dma.local [hbm:s3], $0xF7A  }
0x26: {  	[smem:$0x3F9F] =	sst s1;
	(tag) =	ssettag s2;
	_ =	strace s9  }
0x27: {  	s1 =	sld [smem:$0x3FAF]  }
0x28: {  	s2 =	sld [smem:$0x3FB0]  }
0x29: {  	s4 =	sld [smem:$0x3FB2]  }
0x2a: {  	p0 =	seq.s32 s5, $0x0;
	s5 =	sld [smem:$0x3FB3]  }
0x2b: {  	s6 =	sld [smem:$0x3FB4]  }
0x2c: {  	s7 =	sld [smem:$0x3FB5]  }
0x2d: {  	s3 =	simm.s32 $0x108;
	s8 =	sld [smem:$0x3FB6]  }
0x2e: {  	s3 =	simm.s32 @!p0 $0x1082;
	s9 =	sld [smem:$0x3FB7]  }
0x2f: {  	lr =	sadd.s32 s0, s3;
	s0 =	sld [smem:$0x3FAE]  }
0x30: {  	s3 =	sld [smem:$0x3FB1]  }
0x31: {  	[smem:$0x3FBA] =	sst s10  }
0x32: {  	s10 =	sld [smem:$0x3FB8];
	_ =	sdelay $0x3  }
0x33: {  	p0 =	seq.s32 s10, $0x1;
	s10 =	sld [smem:$0x3FBA];
	_ =	sdelay $0x3  }
0x34: {  	[smem:$0x3FBA] =	sst s10  }
0x35: {  	s10 =	sld [smem:$0x3FB9];
	_ =	sdelay $0x3  }
0x36: {  	p1 =	seq.s32 s10, $0x1;
	s10 =	sld [smem:$0x3FBA];
	_ =	sdelay $0x3  }
0x37: {  	[smem:$0x3FBA] =	sst s10  }
0x38: {  	s10 =	sld [smem:$0x3FBB]  }
0x39: {  	_ = 	snop;
	(pc) =	sbr.ind lr, $3  }
0x3a: {  	_ = 	snop  }
0x3b: {  	_ = 	snop  }
0x3c: {  	p2 =	seq.s32 s10, $0x1;
	s10 =	sld [smem:$0x3FBA]  }
0x3d: {  	_ =	shalt  }
0x3e: {  	_ =	shalt  }
0x3f: {  	_ =	shalt  }
0x40: {  	_ =	shalt  }
0x41: {  	_ =	shalt  }
0x42: {  	_ =	shalt  }
0x43: {  	_ =	shalt  }
0x44: {  	_ =	shalt  }
0x45: {  	_ =	shalt  }
0x46: {  	_ =	shalt  }
0x47: {  	_ =	shalt  }
0x48: {  	_ =	shalt  }
0x49: {  	_ =	shalt  }
0x4a: {  	_ =	shalt  }
0x4b: {  	_ =	shalt  }
0x4c: {  	_ =	shalt  }
0x4d: {  	_ =	shalt  }
0x4e: {  	_ =	shalt  }
0x4f: {  	_ =	shalt  }
0x50: {  	_ =	shalt  }
0x51: {  	_ =	shalt  }
0x52: {  	_ =	shalt  }
0x53: {  	_ =	shalt  }
0x54: {  	_ =	shalt  }
0x55: {  	_ =	shalt  }
0x56: {  	_ =	shalt  }
0x57: {  	_ =	shalt  }
0x58: {  	_ =	shalt  }
0x59: {  	_ =	shalt  }
0x5a: {  	_ =	shalt  }
0x5b: {  	_ =	shalt  }
0x5c: {  	_ =	shalt  }
0x5d: {  	_ =	shalt  }
0x5e: {  	_ =	shalt  }
0x5f: {  	_ =	shalt  }
0x60: {  	_ =	shalt  }
0x61: {  	_ =	shalt  }
0x62: {  	_ =	shalt  }
0x63: {  	_ =	shalt  }
0x64: {  	_ =	shalt  }
0x65: {  	_ =	shalt  }
0x66: {  	_ =	shalt  }
0x67: {  	_ =	shalt  }
0x68: {  	_ =	shalt  }
0x69: {  	_ =	shalt  }
0x6a: {  	_ =	shalt  }
0x6b: {  	_ =	shalt  }
0x6c: {  	_ =	shalt  }
0x6d: {  	_ =	shalt  }
0x6e: {  	_ =	shalt  }
0x6f: {  	_ =	shalt  }
0x70: {  	_ =	shalt  }
0x71: {  	_ =	shalt  }
0x72: {  	_ =	shalt  }
0x73: {  	_ =	shalt  }
0x74: {  	_ =	shalt  }
0x75: {  	_ =	shalt  }
0x76: {  	_ =	shalt  }
0x77: {  	_ =	shalt  }
0x78: {  	_ =	shalt  }
0x79: {  	_ =	shalt  }
0x7a: {  	_ =	shalt  }
0x7b: {  	_ =	shalt  }
0x7c: {  	_ =	shalt  }
0x7d: {  	_ =	shalt  }
0x7e: {  	_ =	shalt  }
0x7f: {  	_ =	shalt  }
0x80: {  	_ =	shalt  }
0x81: {  	_ =	shalt  }
0x82: {  	_ =	shalt  }
0x83: {  	_ =	shalt  }
0x84: {  	_ =	shalt  }
0x85: {  	_ =	shalt  }
0x86: {  	_ =	shalt  }
0x87: {  	_ =	shalt  }
.Lfunc_end0:
.L_simem_size_0:
called_computation_lowered:
.L_overlay_start_0:
0x88: {  	s2 =	sld [smem:$0x3FD9]  }
0x89: {  	s3 =	sld [smem:$0x3FFE];
	_ =	sdelay $0x1  }
0x8a: {  	s1 =	srdreg.scid  }
0x8b: {  	s0 =	sand.u32 $0x1, s1  }
0x8c: {  	s14 =	sshll.u32 s0, $0xA;
	s2 =	sadd.s32 s3, s2  }
0x8d: {  	s2 =	sadd.s32 s2, s14  }
0x8e: {  	[smem:$0x3FC6] =	sst s2  }
0x8f: {  	_ = 	snop  }
0x90: {  	s2 =	sld [smem:$0x3FD0];
	_ =	sdelay $0x2  }
0x91: {  	s4 =	simm.s32 $0xA;
	s5 =	simm.s32 $0x10;
	s15 =	sld [smem:$0x3FC9]  }
0x92: {  	[smem:s5], [sflag:s4] =	dma.local [hbm:s2], $0x1  }
0x93: {  	_ =	swait.eq [sflag:s4], $0x1  }
0x94: {  	[sflag:s4] =	ssyncset.done $0x0  }
0x95: {  	s16 =	sld [smem:$0x10];
	[sflag:s4] =	ssyncadd.s32 $0xFFFFFFFF  }
0x96: {  	s17 =	sld [smem:$0x11];
	(tm) =	ssettm $0x1  }
0x97: {  	s18 =	sld [smem:$0x3FFB];
	_ =	sdelay $0x3  }
0x98: {  	_ =	strace s18  }
0x99: {  	s5 =	sld [smem:$0x3FFC];
	_ =	sdelay $0x3  }
0x9a: {  	_ =	strace s5  }
0x9b: {  	s5 =	sld [smem:$0x3FFD];
	_ =	sdelay $0x3  }
0x9c: {  	_ =	strace s5  }
0x9d: {  	_ =	strace $0x8FFFFFFF  }
0x9e: {  	s19 =	sld [smem:$0x3FDB];
	_ =	sdelay $0x1  }
0x9f: {  	s6 =	simm.s32 $_scs_section_size  }
0xa0: {  	s7 =	simm.s32 $_size__tile_overlayer_lowered;
	s8 =	simm.s32 $_tile_overlayer_lowered  }
0xa1: {  	s22 =	simm.s32 $0x1BFF;
	s21 =	sshll.u32 s8, $0x1;
	s5 =	sadd.s32 s6, s19  }
0xa2: {  	s9 =	simm.s32 $0x0;
	s20 =	sshll.u32 s7, $0x1;
	s7 =	sadd.s32 s21, s5  }
0xa3: {  	[timem:s9], [sflag:s22] =	dma.local [hbm:s7], s20  }
0xa4: {  	_ =	swait.ge [sflag:s22], s20  }
0xa5: {  	s6 =	ssub.s32 $0x0, s20;
	[sflag:s22] =	ssyncset.done $0x0  }
0xa6: {  	[sflag:s22] =	ssyncadd.s32 s6;
	_ =	sdelay $0x1  }
0xa7: {  	s23 =	simm.s32 $0x1B8B  }
0xa8: {  	_ =	swait.ge [sflag:s23], $0x1  }
0xa9: {  	[sflag:s23] =	ssyncset.done $0x0  }
0xaa: {  	s25 =	simm.s32 $0x1B8E;
	s24 =	sld [smem:$0x3FFE];
	[sflag:s23] =	ssyncadd.s32 $0xFFFFFFFF  }
0xab: {  	s26 =	simm.s32 $execute0_lowered;
	[smem:$0x3FD2] =	sst s25  }
0xac: {  	s7 =	sshll.u32 s26, $0x1;
	_ =	strace $0x80000046;
	[dreg:$0x1] =	wrdreg $0xFFFFFFFF  }
0xad: {  	s28 =	simm.s32 $_size_execute0_lowered;
	s5 =	sadd.s32 s5, s7;
	[dreg:$0x0] =	wrdreg $0x0  }
0xae: {  	s7 =	sshll.u32 s28, $0x1;
	[dreg:$0x2] =	wrdreg s5  }
0xaf: {  	[dreg:$0x3] =	wrdreg s7  }
0xb0: {  	[dreg:$0x4] =	wrdreg $0xC0  }
0xb1: {  	_ =	task [dreg:s9], $0x5FFFF  }
0xb2: {  	[dreg:$0x1] =	wrdreg $0xFFFFFFFF  }
0xb3: {  	[dreg:$0x0] =	wrdreg $0x60  }
0xb4: {  	[dreg:$0x2] =	wrdreg s15  }
0xb5: {  	[dreg:$0x3] =	wrdreg s24  }
0xb6: {  	[dreg:$0x4] =	wrdreg s16  }
0xb7: {  	[dreg:$0x5] =	wrdreg s17  }
0xb8: {  	[dreg:$0x6] =	wrdreg $0x9  }
0xb9: {  	_ =	task.clear_ibuf [dreg:s9], $0x7FFFF;
	_ =	strace $0x90000046  }
0xba: {  	s29 =	simm.s32 $0x9;
	_ =	strace $0x80000048  }
0xbb: {  	_ =	swait.ge [sflag:s29], $0x1  }
0xbc: {  	[sflag:s29] =	ssyncadd.s32 $0xFFFFFFFF  }
0xbd: {  	_ =	strace $0x90000048  }
0xbe: {  	_ =	sfence  }
0xbf: {  	s30 =	sld [smem:$0x0];
	_ =	sdelay $0x2  }
0xc0: {  	s31 =	sshll.u32 s1, $0xD;
	s1 =	sshrl.u32 s1, $0x2  }
0xc1: {  	s3 =	sand.u32 $0x4000, s31;
	s1 =	sadd.s32 s1, s30  }
0xc2: {  	s0 =	sor.u32 s3, s0;
	s1 =	sshll.u32 s1, $0x11  }
0xc3: {  	s0 =	sor.u32 s1, s0  }
0xc4: {  	s0 =	sadd.s32 $0x8F2B, s0  }
0xc5: {  	[sflag:s0] =	ssyncadd.remote.s32 $0x1  }
0xc6: {  	_ =	sfence.sel $0xFFFF  }
0xc7: {  	[dreg:$0x0] =	wrdreg $0xFFFFFFFF;
	(pc) =	sbr.abs _section_cstart, $3  }
0xc8: {  	[dreg:$0x1] =	wrdreg $0xFFFFFFFF  }
0xc9: {  	_ =	task.clear_ibuf [dreg:s9], $0x2FFFF;
	_ =	strace $0x9FFFFFFF  }
0xca: {  	(tm) =	ssettm $0x7FFFFFFF  }
0xcb: {  	_ =	shalt  }
tec
execute0_lowered:
.L_overlay_start_1:
0x0: {  	(tag) =	ssettag $0x1  }
0x1: {  	s1 =	rddreg [dreg:$0x0]  }
0x2: {  	s0 =	rddreg [dreg:$0x1]  }
0x3: {  	s3 =	rddreg [dreg:$0x2]  }
0x4: {  	s4 =	rddreg [dreg:$0x3]  }
0x5: {  	s2 =	srdreg.scid;
	s5 =	stileid.u32  }
0x6: {  	s10 =	simm.s32 $0x4;
	s11 =	simm.s32 $0x4000;
	s12 =	simm.s32 $0x50  }
0x7: {  	s15 =	simm.s32 $0x1;
	s16 =	simm.s32 $0x2;
	s17 =	simm.s32 $0x3  }
0x8: {  	s18 =	simm.s32 $0x0;
	s2 =	sand.u32 $0x1, s2;
	s6 =	sshll.u32 s5, $0x1  }
0x9: {  	s5 =	simm.s32 $0x0;
	s7 =	ssub.s32 $0x2, s2;
	s2 =	sor.u32 s2, s6  }
0xa: {  	[smem:$0x7FF] =	sst s5;
	s31 =	sshrl.u32 s7, $0x1;
	s8 =	sshll.u32 s2, $0xB  }
0xb: {  	_ =	strace $0x80000047;
	s9 =	ssub.s32 s7, s31;
	s6 =	sadd.s32 s0, s8  }
0xc: {  	v0 =	vlaneseq.u32;
	s7 =	smul.u32 $0x2710, s2;
	s8 =	sadd.s32 $0x10000, s6;
	s9 =	smax.u32 s9, $0x1  }
.LBB2_1:
0xd: {  	[tilespmem:s5], [sflag:$0x4] =	stream.linear.gather [hbm4b:s8+s5], $0x3E80, $0x38;
	[tilespmem:$0x12100] =	vst v63  }
0xe: {  	_ =	swait.ge [sflag:s10], $0x3E80  }
0xf: {  	[sflag:s10] =	ssyncset.done $0x0  }
0x10: {  	[sflag:s10] =	ssyncadd.s32 $0xFFFFC180  }
0x11: {  	[tilespmem:s11], [sflag:$0x4] =	stream.linear.gather [hbm4b:s6+s5], $0x3E80, $0x38;
	[tilespmem:$0x12100] =	vst v63  }
0x12: {  	_ =	swait.ge [sflag:s10], $0x3E80  }
0x13: {  	[sflag:s10] =	ssyncset.done $0x0  }
0x14: {  	s0 =	simm.s32 $0x8000;
	[sflag:s10] =	ssyncadd.s32 $0xFFFFC180  }
0x15: {  	[tilespmem:s0], [sflag:$0x1] =	stream.indirect.gather [hbm4b:s1+s12], $0x80, s5, s12, $0xb8;
	[tilespmem:$0x12100] =	vst v63  }
0x16: {  	s31 =	simm.s32 $0xD000;
	p0 =	por $0x0, $0x0;
	s20 =	simm.s32 $0x0  }
0x17: {  	[tilespmem:s31], [sflag:$0x2] =	stream.indirect.gather [hbm4b:s1+s12], $0x80, s11, s12, $0xb8;
	[tilespmem:$0x12100] =	vst v63  }
.LBB2_2:
0x18: {  	_ =	swait.ge [sflag:s15], $0x2800;
	p1 =	seq.s32 s20, $0x0  }
.Ltmp0:
0x19: {  	[sflag:s15] =	ssyncset.done $0x0;
	(pc) =	sbr.rel @p1 .LBB2_5-.Ltmp0, $4  }
0x1a: {  	[sflag:s15] =	ssyncadd.s32 $0xFFFFD800  }
0x1b: {  	_ =	swait.ge [sflag:s16], $0x2800  }
0x1c: {  	[sflag:s16] =	ssyncset.done $0x0  }
0x1d: {  	s21 =	sand.u32 $0x1, s20;
	s19 =	sadd.s32 $0x1, s20;
	[sflag:s16] =	ssyncadd.s32 $0xFFFFD800  }
0x1e: {  	p1 =	seq.s32 s20, $0x7C  }
.Ltmp1:
0x1f: {  	_ = 	snop;
	(pc) =	sbr.rel @p1 .LBB2_6-.Ltmp1, $1  }
0x20: {  	_ =	sdelay $0x3  }
0x21: {  	_ =	swait.ge [sflag:s17], $0x2800  }
0x22: {  	[sflag:s17] =	ssyncset.done $0x0  }
0x23: {  	[sflag:s17] =	ssyncadd.s32 $0xFFFFD800  }
0x24: {  	_ =	swait.ge [sflag:s17], $0x50  }
0x25: {  	[sflag:s17] =	ssyncset.done $0x0  }
0x26: {  	[sflag:s17] =	ssyncadd.s32 $0xFFFFFFB0  }
.LBB2_5:
0x27: {  	s0 =	sxor.u32 $0x1, s21  }
0x28: {  	s0 =	smul.u32 $0x2800, s0;
	_ =	sdelay $0x1  }
0x29: {  	s13 =	sshll.u32 s19, $0x7;
	s2 =	sor.u32 $0x8000, s0  }
0x2a: {  	[tilespmem:s2], [sflag:$0x1] =	stream.indirect.gather [hbm4b:s1+s12], $0x80, s13, s12, $0xb8;
	[tilespmem:$0x12100] =	vst v63  }
0x2b: {  	s31 =	sadd.s32 $0x4000, s13;
	s0 =	sadd.s32 $0xD000, s0  }
0x2c: {  	[tilespmem:s0], [sflag:$0x2] =	stream.indirect.gather [hbm4b:s1+s12], $0x80, s31, s12, $0xb8;
	[tilespmem:$0x12100] =	vst v63  }
.LBB2_6:
0x2d: {  	s0 =	simm.s32 $0x1  }
0x2e: {  	s0 =	simm.s32 @!p0 $0x0  }
0x2f: {  	s0 =	smul.u32 $0xA000, s0;
	_ =	sdelay $0x1  }
0x30: {  	s0 =	sshrl.u32 s0, $0x2  }
0x31: {  	s24 =	sor.u32 $0x8080, s0  }
0x32: {  	v1 =	vld [tilespmem:s24+$0xFFFFFF80]  }
0x33: {  	s25 =	sadd.s32 $0xD080, s0;
	v2 =	vld [tilespmem:s24+$0xFFFFFF90]  }
0x34: {  	v3 =	vld [tilespmem:s25+$0xFFFFFF90]  }
0x35: {  	v4 =	vld [tilespmem:s25+$0xFFFFFF80]  }
0x36: {  	v5 =	vld [tilespmem:s24+$0xFFFFFFA0]  }
0x37: {  	v6 =	vld [tilespmem:s25+$0xFFFFFFA0]  }
0x38: {  	v7 =	vld [tilespmem:s24+$0xFFFFFFB0]  }
0x39: {  	v8 =	vld [tilespmem:s25+$0xFFFFFFB0]  }
0x3a: {  	v1 =	vsub.f32 v1, v4;
	v2 =	vsub.f32 v2, v3;
	v3 =	vld [tilespmem:s24+$0xFFFFFFC0]  }
0x3b: {  	v4 =	vld [tilespmem:s25+$0xFFFFFFC0]  }
0x3c: {  	v11 =	vld [tilespmem:s25+$0xFFFFFFD0];
	v5 =	vsub.f32 v5, v6;
	v9 =	vmul.f32 v1, v1;
	v10 =	vmul.f32 v2, v2  }
0x3d: {  	v6 =	vld [tilespmem:s24+$0xFFFFFFD0]  }
0x3e: {  	v12 =	vld [tilespmem:s25+$0xFFFFFFE0];
	v7 =	vsub.f32 v7, v8;
	v9 =	vadd.f32 v10, v9;
	v10 =	vmul.f32 v5, v5  }
0x3f: {  	v8 =	vld [tilespmem:s24+$0xFFFFFFE0]  }
0x40: {  	v13 =	vld [tilespmem:s25+$0xFFFFFFF0];
	v3 =	vsub.f32 v3, v4;
	v9 =	vadd.f32 v10, v9;
	v10 =	vmul.f32 v7, v7  }
0x41: {  	v4 =	vld [tilespmem:s24+$0xFFFFFFF0]  }
0x42: {  	v6 =	vsub.f32 v6, v11;
	v9 =	vadd.f32 v10, v9;
	v10 =	vmul.f32 v3, v3;
	_ =	sdelay $0x1  }
0x43: {  	v8 =	vsub.f32 v8, v12;
	v9 =	vadd.f32 v10, v9;
	v10 =	vmul.f32 v6, v6;
	_ =	sdelay $0x1  }
0x44: {  	v4 =	vsub.f32 v4, v13;
	v9 =	vadd.f32 v10, v9;
	v10 =	vmul.f32 v8, v8;
	_ =	sdelay $0x1  }
0x45: {  	v9 =	vadd.f32 v10, v9;
	v10 =	vmul.f32 v4, v4;
	_ =	sdelay $0x1  }
0x46: {  	v9 =	vadd.f32 v10, v9;
	_ =	sdelay $0x1  }
0x47: {  	(xrf2) =	vadd.scan.msk.f32 $0xffff, v9;
	_ =	sdelay $0x9  }
0x48: {  	v9, _, _ =	vpop (xrf2)  }
0x49: {  	v9 =	vbroadcast v9, $0xF;
	_ =	sdelay $0x1  }
0x4a: {  	v10 =	vshra.s32 v9, $0x1;
	v11 =	vmul.f32 $5.000000000e-01, v9  }
0x4b: {  	v10 =	vsub.s32 $0x5F3759DF, v10  }
0x4c: {  	v53 =	vmul.f32 v10, v11;
	_ =	sdelay $0x1  }
0x4d: {  	v12 =	vmul.f32 v10, v53;
	_ =	sdelay $0x1  }
0x4e: {  	v12 =	vsub.f32 $1.500000000e+00, v12;
	_ =	sdelay $0x1  }
0x4f: {  	v10 =	vmul.f32 v10, v12;
	_ =	sdelay $0x1  }
0x50: {  	v11 =	vmul.f32 v10, v11;
	_ =	sdelay $0x1  }
0x51: {  	v11 =	vmul.f32 v11, v10;
	_ =	sdelay $0x1  }
0x52: {  	v11 =	vsub.f32 $1.500000000e+00, v11;
	_ =	sdelay $0x1  }
0x53: {  	v10 =	vmul.f32 v11, v10;
	_ =	sdelay $0x1  }
0x54: {  	v11 =	vmul.f32 v10, v9;
	_ =	sdelay $0x1  }
0x55: {  	v9 =	vadd.f32 $1.000000000e+00, v11;
	_ =	sdelay $0x1  }
0x56: {  	(erf) = vrcp.f32 v9;
	_ =	sdelay $0x8  }
0x57: {  	v9 =	vpop (erf)  }
0x58: {  	v4 =	vmul.f32 v9, v4  }
0x59: {  	v1 =	vmul.f32 v9, v1  }
0x5a: {  	v5 =	vmul.f32 v9, v5;
	[tilespmem:s24+$0xFFFFFFF0] =	vst v4  }
0x5b: {  	v3 =	vmul.f32 v9, v3;
	[tilespmem:s24+$0xFFFFFF80] =	vst v1  }
0x5c: {  	v1 =	vmul.f32 v9, v6;
	[tilespmem:s24+$0xFFFFFFA0] =	vst v5  }
0x5d: {  	v4 =	vmul.f32 v9, v8;
	[tilespmem:s24+$0xFFFFFFC0] =	vst v3  }
0x5e: {  	v3 =	vmul.f32 v9, v7;
	[tilespmem:s24+$0xFFFFFFD0] =	vst v1  }
0x5f: {  	v1 =	vmul.f32 v9, v2;
	[tilespmem:s24+$0xFFFFFFE0] =	vst v4  }
0x60: {  	v2 =	vld [tilespmem:s24+$0x10];
	[tilespmem:s24+$0xFFFFFFB0] =	vst v3  }
0x61: {  	v3 =	vld [tilespmem:s24+$0x0];
	[tilespmem:s24+$0xFFFFFF90] =	vst v1  }
0x62: {  	v1 =	vld [tilespmem:s25+$0x0]  }
0x63: {  	v4 =	vld [tilespmem:s25+$0x10]  }
0x64: {  	v5 =	vld [tilespmem:s24+$0x20]  }
0x65: {  	v6 =	vld [tilespmem:s25+$0x20]  }
0x66: {  	v8 =	vld [tilespmem:s24+$0x30]  }
0x67: {  	v7 =	vld [tilespmem:s25+$0x30]  }
0x68: {  	v9 =	vld [tilespmem:s25+$0x40];
	v3 =	vsub.f32 v3, v1;
	v4 =	vsub.f32 v2, v4  }
0x69: {  	v1 =	vld [tilespmem:s24+$0x40]  }
0x6a: {  	v10 =	vld [tilespmem:s24+$0x50];
	v2 =	vsub.f32 v5, v6;
	v5 =	vmul.f32 v3, v3;
	v6 =	vmul.f32 v4, v4  }
0x6b: {  	v54 =	vld [tilespmem:s25+$0x50]  }
0x6c: {  	v14 =	vld [tilespmem:s25+$0x60];
	v55 =	vmul.f32 v2, v2;
	v6 =	vadd.f32 v6, v5;
	v5 =	vsub.f32 v8, v7  }
0x6d: {  	v8 =	vld [tilespmem:s24+$0x60]  }
0x6e: {  	v15 =	vld [tilespmem:s25+$0x70];
	v7 =	vadd.f32 v55, v6;
	v56 =	vmul.f32 v5, v5;
	v6 =	vsub.f32 v1, v9  }
0x6f: {  	v1 =	vld [tilespmem:s24+$0x70]  }
0x70: {  	v9 =	vadd.f32 v56, v7;
	v57 =	vmul.f32 v6, v6;
	v7 =	vsub.f32 v10, v54;
	_ =	sdelay $0x1  }
0x71: {  	v10 =	vadd.f32 v57, v9;
	v12 =	vmul.f32 v7, v7;
	v9 =	vsub.f32 v8, v14;
	_ =	sdelay $0x1  }
0x72: {  	v8 =	vadd.f32 v12, v10;
	v58 =	vmul.f32 v9, v9;
	v10 =	vsub.f32 v1, v15;
	_ =	sdelay $0x1  }
0x73: {  	v1 =	vadd.f32 v58, v8;
	v8 =	vmul.f32 v10, v10;
	_ =	sdelay $0x1  }
0x74: {  	v1 =	vadd.f32 v8, v1;
	_ =	sdelay $0x1  }
0x75: {  	(xrf2) =	vadd.scan.msk.f32 $0xffff, v1;
	_ =	sdelay $0x9  }
0x76: {  	v1, _, _ =	vpop (xrf2)  }
0x77: {  	v1 =	vbroadcast v1, $0xF;
	_ =	sdelay $0x1  }
0x78: {  	v8 =	vshra.s32 v1, $0x1;
	v59 =	vmul.f32 $5.000000000e-01, v1  }
0x79: {  	v8 =	vsub.s32 $0x5F3759DF, v8  }
0x7a: {  	v60 =	vmul.f32 v8, v59;
	_ =	sdelay $0x1  }
0x7b: {  	v13 =	vmul.f32 v8, v60;
	_ =	sdelay $0x1  }
0x7c: {  	v13 =	vsub.f32 $1.500000000e+00, v13;
	_ =	sdelay $0x1  }
0x7d: {  	v8 =	vmul.f32 v8, v13;
	_ =	sdelay $0x1  }
0x7e: {  	v12 =	vmul.f32 v8, v59;
	_ =	sdelay $0x1  }
0x7f: {  	v12 =	vmul.f32 v12, v8;
	_ =	sdelay $0x1  }
0x80: {  	v12 =	vsub.f32 $1.500000000e+00, v12;
	_ =	sdelay $0x1  }
0x81: {  	v8 =	vmul.f32 v12, v8;
	_ =	sdelay $0x1  }
0x82: {  	s2 =	simm.s32 $0x0;
	s14 =	simm.s32 $0x1;
	v1 =	vmul.f32 v8, v1  }
0x83: {  	s13 =	simm.s32 $0x2;
	v61 =	vmov s2;
	v62 =	vmov s14  }
0x84: {  	vm0 =	veq.s32 v61, v0;
	s22 =	sadd.s32 $0xA0F0, s0;
	s23 =	sadd.s32 $0xF0F0, s0;
	s26 =	sadd.s32 $0x98F0, s0;
	v8 =	vimm.f32 $0.0e+00;
	v63 =	vadd.f32 $1.000000000e+00, v1  }
0x85: {  	vm15 =	veq.s32 v62, v0;
	s28 =	sadd.s32 $0xE8F0, s0;
	s29 =	sadd.s32 $0x90F0, s0;
	s30 =	sadd.s32 $0xE0F0, s0;
	v8 =	vsel vm0, v11, v8  }
0x86: {  	s31 =	sadd.s32 $0x88F0, s0;
	s0 =	sadd.s32 $0xD8F0, s0;
	s2 =	smov.u32 s24;
	v1 =	vsel vm15, v1, v8;
	(erf) = vrcp.f32 v63  }
.LBB2_7:
0x87: {  	_ =	sdelay $0x2  }
0x88: {  	p1 =	slt.u32 s13, $0xE;
	s24 =	sadd.s32 $0x100, s24;
	s25 =	sadd.s32 $0x100, s25  }
0x89: {  	s14 =	smov.u32 s13;
	s13 =	sadd.s32 $0x2, s13;
	_ =	sdelay $0x3  }
0x8a: {  	v8 =	vpop (erf)  }
0x8b: {  	v3 =	vmul.f32 v8, v3;
	v4 =	vmul.f32 v8, v4  }
0x8c: {  	v2 =	vmul.f32 v8, v2;
	v5 =	vmul.f32 v8, v5  }
0x8d: {  	[tilespmem:s2+$0x0] =	vst v3;
	v3 =	vmul.f32 v8, v6;
	v6 =	vmul.f32 v8, v7  }
0x8e: {  	v7 =	vmul.f32 v8, v10;
	[tilespmem:s2+$0x10] =	vst v4;
	v4 =	vmul.f32 v8, v9  }
0x8f: {  	[tilespmem:s2+$0x30] =	vst v5  }
0x90: {  	[tilespmem:s2+$0x40] =	vst v3  }
0x91: {  	[tilespmem:s2+$0x70] =	vst v7  }
0x92: {  	[tilespmem:s2+$0x60] =	vst v4  }
0x93: {  	v3 =	vld [tilespmem:s24+$0xFFFFFF80];
	[tilespmem:s2+$0x20] =	vst v2  }
0x94: {  	v2 =	vld [tilespmem:s24+$0xFFFFFF90];
	[tilespmem:s2+$0x50] =	vst v6;
	s2 =	smov.u32 s24  }
0x95: {  	v4 =	vld [tilespmem:s25+$0xFFFFFF90]  }
0x96: {  	v5 =	vld [tilespmem:s25+$0xFFFFFF80]  }
0x97: {  	v6 =	vld [tilespmem:s24+$0xFFFFFFA0]  }
0x98: {  	v7 =	vld [tilespmem:s25+$0xFFFFFFA0]  }
0x99: {  	v8 =	vld [tilespmem:s24+$0xFFFFFFB0]  }
0x9a: {  	v9 =	vld [tilespmem:s25+$0xFFFFFFB0]  }
0x9b: {  	v2 =	vsub.f32 v2, v4;
	v3 =	vsub.f32 v3, v5;
	v4 =	vld [tilespmem:s24+$0xFFFFFFC0]  }
0x9c: {  	v5 =	vld [tilespmem:s25+$0xFFFFFFC0]  }
0x9d: {  	v11 =	vmul.f32 v2, v2;
	v10 =	vmul.f32 v3, v3;
	v6 =	vsub.f32 v6, v7;
	v7 =	vld [tilespmem:s24+$0xFFFFFFD0]  }
0x9e: {  	v12 =	vld [tilespmem:s25+$0xFFFFFFD0]  }
0x9f: {  	v10 =	vadd.f32 v11, v10;
	v11 =	vmul.f32 v6, v6;
	v9 =	vsub.f32 v8, v9;
	v8 =	vld [tilespmem:s24+$0xFFFFFFE0]  }
0xa0: {  	v13 =	vld [tilespmem:s25+$0xFFFFFFE0]  }
0xa1: {  	v10 =	vadd.f32 v11, v10;
	v11 =	vmul.f32 v9, v9;
	v4 =	vsub.f32 v4, v5;
	v5 =	vld [tilespmem:s24+$0xFFFFFFF0]  }
0xa2: {  	v14 =	vld [tilespmem:s25+$0xFFFFFFF0]  }
0xa3: {  	v10 =	vadd.f32 v11, v10;
	v11 =	vmul.f32 v4, v4;
	v7 =	vsub.f32 v7, v12;
	_ =	sdelay $0x1  }
0xa4: {  	v10 =	vadd.f32 v11, v10;
	v11 =	vmul.f32 v7, v7;
	v12 =	vsub.f32 v8, v13;
	_ =	sdelay $0x1  }
0xa5: {  	v8 =	vadd.f32 v11, v10;
	v10 =	vmul.f32 v12, v12;
	v5 =	vsub.f32 v5, v14;
	_ =	sdelay $0x1  }
0xa6: {  	v8 =	vadd.f32 v10, v8;
	v10 =	vmul.f32 v5, v5;
	_ =	sdelay $0x1  }
0xa7: {  	v8 =	vadd.f32 v10, v8;
	_ =	sdelay $0x1  }
0xa8: {  	(xrf2) =	vadd.scan.msk.f32 $0xffff, v8;
	_ =	sdelay $0x9  }
0xa9: {  	v8, _, _ =	vpop (xrf2)  }
0xaa: {  	v8 =	vbroadcast v8, $0xF;
	_ =	sdelay $0x1  }
0xab: {  	v10 =	vshra.s32 v8, $0x1;
	v11 =	vmul.f32 $5.000000000e-01, v8  }
0xac: {  	v10 =	vsub.s32 $0x5F3759DF, v10  }
0xad: {  	v13 =	vmul.f32 v10, v11;
	_ =	sdelay $0x1  }
0xae: {  	v13 =	vmul.f32 v10, v13;
	_ =	sdelay $0x1  }
0xaf: {  	v13 =	vsub.f32 $1.500000000e+00, v13;
	_ =	sdelay $0x1  }
0xb0: {  	v10 =	vmul.f32 v10, v13;
	_ =	sdelay $0x1  }
0xb1: {  	v11 =	vmul.f32 v10, v11;
	_ =	sdelay $0x1  }
0xb2: {  	v11 =	vmul.f32 v11, v10;
	_ =	sdelay $0x1  }
0xb3: {  	v11 =	vsub.f32 $1.500000000e+00, v11;
	_ =	sdelay $0x1  }
0xb4: {  	v10 =	vmul.f32 v11, v10;
	_ =	sdelay $0x1  }
0xb5: {  	v8 =	vmul.f32 v10, v8;
	_ =	sdelay $0x1  }
0xb6: {  	v10 =	vadd.f32 $1.000000000e+00, v8;
	_ =	sdelay $0x1  }
0xb7: {  	(erf) = vrcp.f32 v10;
	_ =	sdelay $0x8  }
0xb8: {  	v10 =	vpop (erf)  }
0xb9: {  	v3 =	vmul.f32 v10, v3;
	v5 =	vmul.f32 v10, v5  }
0xba: {  	v6 =	vmul.f32 v10, v6;
	v11 =	vmul.f32 v10, v12  }
0xbb: {  	v2 =	vmul.f32 v10, v2;
	v4 =	vmul.f32 v10, v4;
	[tilespmem:s24+$0xFFFFFFF0] =	vst v5  }
0xbc: {  	v5 =	vmul.f32 v10, v7;
	[tilespmem:s24+$0xFFFFFF80] =	vst v3;
	v3 =	vmul.f32 v10, v9  }
0xbd: {  	[tilespmem:s24+$0xFFFFFFA0] =	vst v6  }
0xbe: {  	[tilespmem:s24+$0xFFFFFFC0] =	vst v4  }
0xbf: {  	[tilespmem:s24+$0xFFFFFFD0] =	vst v5  }
0xc0: {  	[tilespmem:s24+$0xFFFFFFE0] =	vst v11;
	v4 =	vld [tilespmem:s24+$0x10]  }
0xc1: {  	[tilespmem:s24+$0xFFFFFFB0] =	vst v3;
	v3 =	vld [tilespmem:s24+$0x0]  }
0xc2: {  	[tilespmem:s24+$0xFFFFFF90] =	vst v2;
	v2 =	vld [tilespmem:s24+$0x20]  }
0xc3: {  	v5 =	vld [tilespmem:s25+$0x0]  }
0xc4: {  	v6 =	vld [tilespmem:s25+$0x10]  }
0xc5: {  	v7 =	vld [tilespmem:s25+$0x20]  }
0xc6: {  	v9 =	vld [tilespmem:s25+$0x30];
	_ =	sdelay $0x1  }
0xc7: {  	v3 =	vsub.f32 v3, v5;
	v5 =	vld [tilespmem:s24+$0x30]  }
0xc8: {  	v4 =	vsub.f32 v4, v6;
	v6 =	vld [tilespmem:s24+$0x40]  }
0xc9: {  	v2 =	vsub.f32 v2, v7;
	v7 =	vld [tilespmem:s25+$0x40]  }
0xca: {  	v10 =	vmul.f32 v3, v3;
	v11 =	vmul.f32 v4, v4;
	v12 =	vld [tilespmem:s24+$0x50]  }
0xcb: {  	v13 =	vld [tilespmem:s25+$0x50]  }
0xcc: {  	v10 =	vadd.f32 v11, v10;
	v11 =	vmul.f32 v2, v2;
	v5 =	vsub.f32 v5, v9;
	v9 =	vld [tilespmem:s24+$0x60]  }
0xcd: {  	v14 =	vld [tilespmem:s25+$0x60]  }
0xce: {  	v10 =	vadd.f32 v11, v10;
	v11 =	vmul.f32 v5, v5;
	v6 =	vsub.f32 v6, v7;
	v15 =	vld [tilespmem:s24+$0x70]  }
0xcf: {  	v16 =	vld [tilespmem:s25+$0x70]  }
0xd0: {  	v10 =	vadd.f32 v11, v10;
	v11 =	vmul.f32 v6, v6;
	v7 =	vsub.f32 v12, v13;
	_ =	sdelay $0x1  }
0xd1: {  	v10 =	vadd.f32 v11, v10;
	v11 =	vmul.f32 v7, v7;
	v9 =	vsub.f32 v9, v14;
	_ =	sdelay $0x1  }
0xd2: {  	v11 =	vadd.f32 v11, v10;
	v12 =	vmul.f32 v9, v9;
	v10 =	vsub.f32 v15, v16;
	_ =	sdelay $0x1  }
0xd3: {  	v11 =	vadd.f32 v12, v11;
	v12 =	vmul.f32 v10, v10;
	_ =	sdelay $0x1  }
0xd4: {  	v11 =	vadd.f32 v12, v11;
	_ =	sdelay $0x1  }
0xd5: {  	(xrf2) =	vadd.scan.msk.f32 $0xffff, v11;
	_ =	sdelay $0x9  }
0xd6: {  	v11, _, _ =	vpop (xrf2)  }
0xd7: {  	v11 =	vbroadcast v11, $0xF;
	_ =	sdelay $0x1  }
0xd8: {  	v12 =	vshra.s32 v11, $0x1;
	v13 =	vmul.f32 $5.000000000e-01, v11  }
0xd9: {  	v12 =	vsub.s32 $0x5F3759DF, v12  }
0xda: {  	v14 =	vmul.f32 v12, v13;
	_ =	sdelay $0x1  }
0xdb: {  	v14 =	vmul.f32 v12, v14;
	_ =	sdelay $0x1  }
0xdc: {  	v14 =	vsub.f32 $1.500000000e+00, v14;
	_ =	sdelay $0x1  }
0xdd: {  	v12 =	vmul.f32 v12, v14;
	_ =	sdelay $0x1  }
0xde: {  	v13 =	vmul.f32 v12, v13;
	_ =	sdelay $0x1  }
0xdf: {  	v13 =	vmul.f32 v13, v12;
	_ =	sdelay $0x1  }
0xe0: {  	v13 =	vsub.f32 $1.500000000e+00, v13;
	_ =	sdelay $0x1  }
0xe1: {  	v12 =	vmul.f32 v13, v12  }
0xe2: {  	v13 =	vmov s14;
	s14 =	sadd.s32 $0x1, s14  }
.Ltmp2:
0xe3: {  	vm0 =	veq.s32 v13, v0;
	v11 =	vmul.f32 v12, v11;
	v12 =	vmov s14;
	(pc) =	sbr.rel @p1 .LBB2_7-.Ltmp2, $3  }
0xe4: {  	v1 =	vsel vm0, v8, v1;
	vm0 =	veq.s32 v12, v0  }
0xe5: {  	v8 =	vadd.f32 $1.000000000e+00, v11;
	v1 =	vsel vm0, v11, v1;
	_ =	sdelay $0x1  }
0xe6: {  	(erf) = vrcp.f32 v8  }
0xe7: {  	_ =	sdelay $0x7  }
0xe8: {  	v8 =	vpop (erf)  }
0xe9: {  	v3 =	vmul.f32 v8, v3  }
0xea: {  	v4 =	vmul.f32 v8, v4  }
0xeb: {  	v5 =	vmul.f32 v8, v5;
	[tilespmem:s2+$0x0] =	vst v3  }
0xec: {  	v2 =	vmul.f32 v8, v2;
	[tilespmem:s2+$0x10] =	vst v4  }
0xed: {  	v3 =	vmul.f32 v8, v6;
	[tilespmem:s2+$0x30] =	vst v5  }
0xee: {  	v4 =	vmul.f32 v8, v10;
	[tilespmem:s2+$0x20] =	vst v2  }
0xef: {  	v5 =	vmul.f32 v8, v9;
	[tilespmem:s2+$0x40] =	vst v3  }
0xf0: {  	[tilespmem:s2+$0x70] =	vst v4;
	v3 =	vmul.f32 v8, v7  }
0xf1: {  	[tilespmem:s2+$0x60] =	vst v5  }
0xf2: {  	s24 =	sshll.u32 s21, $0x7;
	[tilespmem:s2+$0x50] =	vst v3  }
0xf3: {  	[tilespmem:s24+$0x12000] =	vst v1  }
0xf4: {  	v1 =	vld [tilespmem:s31+$0xFFFFFF10]  }
0xf5: {  	v2 =	vld [tilespmem:s31+$0xFFFFFF20]  }
0xf6: {  	v3 =	vld [tilespmem:s0+$0xFFFFFF20]  }
0xf7: {  	v4 =	vld [tilespmem:s0+$0xFFFFFF10]  }
0xf8: {  	v5 =	vld [tilespmem:s31+$0xFFFFFF30]  }
0xf9: {  	v6 =	vld [tilespmem:s0+$0xFFFFFF30]  }
0xfa: {  	v7 =	vld [tilespmem:s31+$0xFFFFFF40]  }
0xfb: {  	v8 =	vld [tilespmem:s0+$0xFFFFFF40]  }
0xfc: {  	v1 =	vsub.f32 v1, v4;
	v2 =	vsub.f32 v2, v3;
	v3 =	vld [tilespmem:s31+$0xFFFFFF50]  }
0xfd: {  	v4 =	vld [tilespmem:s0+$0xFFFFFF50]  }
0xfe: {  	v11 =	vld [tilespmem:s0+$0xFFFFFF60];
	v5 =	vsub.f32 v5, v6;
	v9 =	vmul.f32 v1, v1;
	v10 =	vmul.f32 v2, v2  }
0xff: {  	v6 =	vld [tilespmem:s31+$0xFFFFFF60]  }
0x100: {  	v12 =	vld [tilespmem:s0+$0xFFFFFF70];
	v7 =	vsub.f32 v7, v8;
	v9 =	vadd.f32 v10, v9;
	v10 =	vmul.f32 v5, v5  }
0x101: {  	v8 =	vld [tilespmem:s31+$0xFFFFFF70]  }
0x102: {  	v13 =	vld [tilespmem:s0+$0xFFFFFF80];
	v3 =	vsub.f32 v3, v4;
	v9 =	vadd.f32 v10, v9;
	v10 =	vmul.f32 v7, v7  }
0x103: {  	v4 =	vld [tilespmem:s31+$0xFFFFFF80]  }
0x104: {  	v6 =	vsub.f32 v6, v11;
	v9 =	vadd.f32 v10, v9;
	v10 =	vmul.f32 v3, v3;
	_ =	sdelay $0x1  }
0x105: {  	v8 =	vsub.f32 v8, v12;
	v9 =	vadd.f32 v10, v9;
	v10 =	vmul.f32 v6, v6;
	_ =	sdelay $0x1  }
0x106: {  	v4 =	vsub.f32 v4, v13;
	v9 =	vadd.f32 v10, v9;
	v10 =	vmul.f32 v8, v8;
	_ =	sdelay $0x1  }
0x107: {  	v9 =	vadd.f32 v10, v9;
	v10 =	vmul.f32 v4, v4;
	_ =	sdelay $0x1  }
0x108: {  	v9 =	vadd.f32 v10, v9;
	_ =	sdelay $0x1  }
0x109: {  	(xrf2) =	vadd.scan.msk.f32 $0xffff, v9;
	_ =	sdelay $0x9  }
0x10a: {  	v9, _, _ =	vpop (xrf2)  }
0x10b: {  	v9 =	vbroadcast v9, $0xF;
	_ =	sdelay $0x1  }
0x10c: {  	v10 =	vshra.s32 v9, $0x1;
	v11 =	vmul.f32 $5.000000000e-01, v9  }
0x10d: {  	v10 =	vsub.s32 $0x5F3759DF, v10  }
0x10e: {  	v53 =	vmul.f32 v10, v11;
	_ =	sdelay $0x1  }
0x10f: {  	v12 =	vmul.f32 v10, v53;
	_ =	sdelay $0x1  }
0x110: {  	v12 =	vsub.f32 $1.500000000e+00, v12;
	_ =	sdelay $0x1  }
0x111: {  	v10 =	vmul.f32 v10, v12;
	_ =	sdelay $0x1  }
0x112: {  	v11 =	vmul.f32 v10, v11;
	_ =	sdelay $0x1  }
0x113: {  	v11 =	vmul.f32 v11, v10;
	_ =	sdelay $0x1  }
0x114: {  	v11 =	vsub.f32 $1.500000000e+00, v11;
	_ =	sdelay $0x1  }
0x115: {  	v10 =	vmul.f32 v11, v10;
	_ =	sdelay $0x1  }
0x116: {  	v11 =	vmul.f32 v10, v9;
	_ =	sdelay $0x1  }
0x117: {  	v9 =	vadd.f32 $1.000000000e+00, v11;
	_ =	sdelay $0x1  }
0x118: {  	(erf) = vrcp.f32 v9;
	_ =	sdelay $0x8  }
0x119: {  	v9 =	vpop (erf)  }
0x11a: {  	v4 =	vmul.f32 v9, v4  }
0x11b: {  	v1 =	vmul.f32 v9, v1  }
0x11c: {  	v5 =	vmul.f32 v9, v5;
	[tilespmem:s31+$0xFFFFFF80] =	vst v4  }
0x11d: {  	v3 =	vmul.f32 v9, v3;
	[tilespmem:s31+$0xFFFFFF10] =	vst v1  }
0x11e: {  	v1 =	vmul.f32 v9, v6;
	[tilespmem:s31+$0xFFFFFF30] =	vst v5  }
0x11f: {  	v4 =	vmul.f32 v9, v8;
	[tilespmem:s31+$0xFFFFFF50] =	vst v3  }
0x120: {  	v3 =	vmul.f32 v9, v7;
	[tilespmem:s31+$0xFFFFFF60] =	vst v1  }
0x121: {  	v1 =	vmul.f32 v9, v2;
	[tilespmem:s31+$0xFFFFFF70] =	vst v4  }
0x122: {  	v2 =	vld [tilespmem:s31+$0xFFFFFFA0];
	[tilespmem:s31+$0xFFFFFF40] =	vst v3  }
0x123: {  	v3 =	vld [tilespmem:s31+$0xFFFFFF90];
	[tilespmem:s31+$0xFFFFFF20] =	vst v1  }
0x124: {  	v1 =	vld [tilespmem:s0+$0xFFFFFF90]  }
0x125: {  	v4 =	vld [tilespmem:s0+$0xFFFFFFA0]  }
0x126: {  	v5 =	vld [tilespmem:s31+$0xFFFFFFB0]  }
0x127: {  	v6 =	vld [tilespmem:s0+$0xFFFFFFB0]  }
0x128: {  	v8 =	vld [tilespmem:s31+$0xFFFFFFC0]  }
0x129: {  	v7 =	vld [tilespmem:s0+$0xFFFFFFC0]  }
0x12a: {  	v9 =	vld [tilespmem:s0+$0xFFFFFFD0];
	v3 =	vsub.f32 v3, v1;
	v4 =	vsub.f32 v2, v4  }
0x12b: {  	v1 =	vld [tilespmem:s31+$0xFFFFFFD0]  }
0x12c: {  	v10 =	vld [tilespmem:s31+$0xFFFFFFE0];
	v2 =	vsub.f32 v5, v6;
	v5 =	vmul.f32 v3, v3;
	v6 =	vmul.f32 v4, v4  }
0x12d: {  	v54 =	vld [tilespmem:s0+$0xFFFFFFE0]  }
0x12e: {  	v14 =	vld [tilespmem:s0+$0xFFFFFFF0];
	v55 =	vmul.f32 v2, v2;
	v6 =	vadd.f32 v6, v5;
	v5 =	vsub.f32 v8, v7  }
0x12f: {  	v7 =	vld [tilespmem:s31+$0xFFFFFFF0]  }
0x130: {  	v15 =	vld [tilespmem:s0+$0x0];
	v8 =	vadd.f32 v55, v6;
	v56 =	vmul.f32 v5, v5;
	v6 =	vsub.f32 v1, v9  }
0x131: {  	v1 =	vld [tilespmem:s31+$0x0]  }
0x132: {  	v9 =	vadd.f32 v56, v8;
	v57 =	vmul.f32 v6, v6;
	v8 =	vsub.f32 v10, v54;
	_ =	sdelay $0x1  }
0x133: {  	v10 =	vadd.f32 v57, v9;
	v12 =	vmul.f32 v8, v8;
	v9 =	vsub.f32 v7, v14;
	_ =	sdelay $0x1  }
0x134: {  	v7 =	vadd.f32 v12, v10;
	v58 =	vmul.f32 v9, v9;
	v10 =	vsub.f32 v1, v15;
	_ =	sdelay $0x1  }
0x135: {  	v1 =	vadd.f32 v58, v7;
	v7 =	vmul.f32 v10, v10;
	_ =	sdelay $0x1  }
0x136: {  	v1 =	vadd.f32 v7, v1;
	_ =	sdelay $0x1  }
0x137: {  	(xrf2) =	vadd.scan.msk.f32 $0xffff, v1;
	_ =	sdelay $0x9  }
0x138: {  	v1, _, _ =	vpop (xrf2)  }
0x139: {  	v1 =	vbroadcast v1, $0xF;
	_ =	sdelay $0x1  }
0x13a: {  	v7 =	vshra.s32 v1, $0x1;
	v59 =	vmul.f32 $5.000000000e-01, v1  }
0x13b: {  	v7 =	vsub.s32 $0x5F3759DF, v7  }
0x13c: {  	v60 =	vmul.f32 v7, v59;
	_ =	sdelay $0x1  }
0x13d: {  	v13 =	vmul.f32 v7, v60;
	_ =	sdelay $0x1  }
0x13e: {  	v13 =	vsub.f32 $1.500000000e+00, v13;
	_ =	sdelay $0x1  }
0x13f: {  	v7 =	vmul.f32 v7, v13;
	_ =	sdelay $0x1  }
0x140: {  	v12 =	vmul.f32 v7, v59;
	_ =	sdelay $0x1  }
0x141: {  	v12 =	vmul.f32 v12, v7;
	_ =	sdelay $0x1  }
0x142: {  	v12 =	vsub.f32 $1.500000000e+00, v12;
	_ =	sdelay $0x1  }
0x143: {  	v7 =	vmul.f32 v12, v7;
	_ =	sdelay $0x1  }
0x144: {  	s14 =	simm.s32 $0x0;
	s25 =	simm.s32 $0x1;
	v1 =	vmul.f32 v7, v1  }
0x145: {  	v61 =	vmov s14;
	v62 =	vmov s25  }
0x146: {  	vm0 =	veq.s32 v61, v0;
	v7 =	vimm.f32 $0.0e+00;
	v63 =	vadd.f32 $1.000000000e+00, v1  }
0x147: {  	vm15 =	veq.s32 v62, v0;
	v7 =	vsel vm0, v11, v7  }
0x148: {  	s13 =	simm.s32 $0x2;
	s25 =	sor.u32 $0x12000, s24;
	s2 =	smov.u32 s31;
	v1 =	vsel vm15, v1, v7;
	(erf) = vrcp.f32 v63  }
.LBB2_9:
0x149: {  	_ =	sdelay $0x2  }
0x14a: {  	p1 =	slt.u32 s13, $0xE;
	s31 =	sadd.s32 $0x100, s31;
	s0 =	sadd.s32 $0x100, s0  }
0x14b: {  	s14 =	smov.u32 s13;
	s13 =	sadd.s32 $0x2, s13;
	_ =	sdelay $0x3  }
0x14c: {  	v7 =	vpop (erf)  }
0x14d: {  	v3 =	vmul.f32 v7, v3;
	v4 =	vmul.f32 v7, v4  }
0x14e: {  	v2 =	vmul.f32 v7, v2;
	v5 =	vmul.f32 v7, v5  }
0x14f: {  	[tilespmem:s2+$0xFFFFFF90] =	vst v3;
	v3 =	vmul.f32 v7, v6;
	v6 =	vmul.f32 v7, v8  }
0x150: {  	[tilespmem:s2+$0xFFFFFFA0] =	vst v4;
	v4 =	vmul.f32 v7, v9;
	v7 =	vmul.f32 v7, v10  }
0x151: {  	[tilespmem:s2+$0xFFFFFFC0] =	vst v5  }
0x152: {  	[tilespmem:s2+$0xFFFFFFD0] =	vst v3  }
0x153: {  	[tilespmem:s2+$0x0] =	vst v7  }
0x154: {  	[tilespmem:s2+$0xFFFFFFF0] =	vst v4  }
0x155: {  	v3 =	vld [tilespmem:s31+$0xFFFFFF10];
	[tilespmem:s2+$0xFFFFFFB0] =	vst v2  }
0x156: {  	v2 =	vld [tilespmem:s31+$0xFFFFFF20];
	[tilespmem:s2+$0xFFFFFFE0] =	vst v6;
	s2 =	smov.u32 s31  }
0x157: {  	v4 =	vld [tilespmem:s0+$0xFFFFFF20]  }
0x158: {  	v5 =	vld [tilespmem:s0+$0xFFFFFF10]  }
0x159: {  	v6 =	vld [tilespmem:s31+$0xFFFFFF30]  }
0x15a: {  	v7 =	vld [tilespmem:s0+$0xFFFFFF30]  }
0x15b: {  	v8 =	vld [tilespmem:s31+$0xFFFFFF40]  }
0x15c: {  	v9 =	vld [tilespmem:s0+$0xFFFFFF40]  }
0x15d: {  	v2 =	vsub.f32 v2, v4;
	v3 =	vsub.f32 v3, v5;
	v4 =	vld [tilespmem:s31+$0xFFFFFF50]  }
0x15e: {  	v5 =	vld [tilespmem:s0+$0xFFFFFF50]  }
0x15f: {  	v11 =	vmul.f32 v2, v2;
	v10 =	vmul.f32 v3, v3;
	v6 =	vsub.f32 v6, v7;
	v7 =	vld [tilespmem:s31+$0xFFFFFF60]  }
0x160: {  	v12 =	vld [tilespmem:s0+$0xFFFFFF60]  }
0x161: {  	v10 =	vadd.f32 v11, v10;
	v11 =	vmul.f32 v6, v6;
	v8 =	vsub.f32 v8, v9;
	v9 =	vld [tilespmem:s31+$0xFFFFFF70]  }
0x162: {  	v13 =	vld [tilespmem:s0+$0xFFFFFF70]  }
0x163: {  	v10 =	vadd.f32 v11, v10;
	v11 =	vmul.f32 v8, v8;
	v4 =	vsub.f32 v4, v5;
	v5 =	vld [tilespmem:s31+$0xFFFFFF80]  }
0x164: {  	v14 =	vld [tilespmem:s0+$0xFFFFFF80]  }
0x165: {  	v10 =	vadd.f32 v11, v10;
	v11 =	vmul.f32 v4, v4;
	v12 =	vsub.f32 v7, v12;
	_ =	sdelay $0x1  }
0x166: {  	v7 =	vadd.f32 v11, v10;
	v10 =	vmul.f32 v12, v12;
	v9 =	vsub.f32 v9, v13;
	_ =	sdelay $0x1  }
0x167: {  	v7 =	vadd.f32 v10, v7;
	v10 =	vmul.f32 v9, v9;
	v5 =	vsub.f32 v5, v14;
	_ =	sdelay $0x1  }
0x168: {  	v7 =	vadd.f32 v10, v7;
	v10 =	vmul.f32 v5, v5;
	_ =	sdelay $0x1  }
0x169: {  	v7 =	vadd.f32 v10, v7;
	_ =	sdelay $0x1  }
0x16a: {  	(xrf2) =	vadd.scan.msk.f32 $0xffff, v7;
	_ =	sdelay $0x9  }
0x16b: {  	v7, _, _ =	vpop (xrf2)  }
0x16c: {  	v7 =	vbroadcast v7, $0xF;
	_ =	sdelay $0x1  }
0x16d: {  	v10 =	vshra.s32 v7, $0x1;
	v11 =	vmul.f32 $5.000000000e-01, v7  }
0x16e: {  	v10 =	vsub.s32 $0x5F3759DF, v10  }
0x16f: {  	v13 =	vmul.f32 v10, v11;
	_ =	sdelay $0x1  }
0x170: {  	v13 =	vmul.f32 v10, v13;
	_ =	sdelay $0x1  }
0x171: {  	v13 =	vsub.f32 $1.500000000e+00, v13;
	_ =	sdelay $0x1  }
0x172: {  	v10 =	vmul.f32 v10, v13;
	_ =	sdelay $0x1  }
0x173: {  	v11 =	vmul.f32 v10, v11;
	_ =	sdelay $0x1  }
0x174: {  	v11 =	vmul.f32 v11, v10;
	_ =	sdelay $0x1  }
0x175: {  	v11 =	vsub.f32 $1.500000000e+00, v11;
	_ =	sdelay $0x1  }
0x176: {  	v10 =	vmul.f32 v11, v10;
	_ =	sdelay $0x1  }
0x177: {  	v7 =	vmul.f32 v10, v7;
	_ =	sdelay $0x1  }
0x178: {  	v10 =	vadd.f32 $1.000000000e+00, v7;
	_ =	sdelay $0x1  }
0x179: {  	(erf) = vrcp.f32 v10;
	_ =	sdelay $0x8  }
0x17a: {  	v10 =	vpop (erf)  }
0x17b: {  	v3 =	vmul.f32 v10, v3;
	v5 =	vmul.f32 v10, v5  }
0x17c: {  	v6 =	vmul.f32 v10, v6;
	v9 =	vmul.f32 v10, v9  }
0x17d: {  	v2 =	vmul.f32 v10, v2;
	v4 =	vmul.f32 v10, v4;
	[tilespmem:s31+$0xFFFFFF80] =	vst v5  }
0x17e: {  	v5 =	vmul.f32 v10, v12;
	[tilespmem:s31+$0xFFFFFF10] =	vst v3;
	v3 =	vmul.f32 v10, v8  }
0x17f: {  	[tilespmem:s31+$0xFFFFFF30] =	vst v6  }
0x180: {  	[tilespmem:s31+$0xFFFFFF50] =	vst v4  }
0x181: {  	[tilespmem:s31+$0xFFFFFF60] =	vst v5  }
0x182: {  	[tilespmem:s31+$0xFFFFFF70] =	vst v9;
	v4 =	vld [tilespmem:s31+$0xFFFFFFA0]  }
0x183: {  	[tilespmem:s31+$0xFFFFFF40] =	vst v3;
	v3 =	vld [tilespmem:s31+$0xFFFFFF90]  }
0x184: {  	[tilespmem:s31+$0xFFFFFF20] =	vst v2;
	v2 =	vld [tilespmem:s31+$0xFFFFFFB0]  }
0x185: {  	v5 =	vld [tilespmem:s0+$0xFFFFFF90]  }
0x186: {  	v6 =	vld [tilespmem:s0+$0xFFFFFFA0]  }
0x187: {  	v8 =	vld [tilespmem:s0+$0xFFFFFFB0]  }
0x188: {  	v9 =	vld [tilespmem:s0+$0xFFFFFFC0];
	_ =	sdelay $0x1  }
0x189: {  	v3 =	vsub.f32 v3, v5;
	v5 =	vld [tilespmem:s31+$0xFFFFFFC0]  }
0x18a: {  	v4 =	vsub.f32 v4, v6;
	v6 =	vld [tilespmem:s31+$0xFFFFFFD0]  }
0x18b: {  	v2 =	vsub.f32 v2, v8;
	v8 =	vld [tilespmem:s0+$0xFFFFFFD0]  }
0x18c: {  	v10 =	vmul.f32 v3, v3;
	v11 =	vmul.f32 v4, v4;
	v12 =	vld [tilespmem:s31+$0xFFFFFFE0]  }
0x18d: {  	v13 =	vld [tilespmem:s0+$0xFFFFFFE0]  }
0x18e: {  	v10 =	vadd.f32 v11, v10;
	v11 =	vmul.f32 v2, v2;
	v5 =	vsub.f32 v5, v9;
	v9 =	vld [tilespmem:s31+$0xFFFFFFF0]  }
0x18f: {  	v14 =	vld [tilespmem:s0+$0xFFFFFFF0]  }
0x190: {  	v10 =	vadd.f32 v11, v10;
	v11 =	vmul.f32 v5, v5;
	v6 =	vsub.f32 v6, v8;
	v15 =	vld [tilespmem:s31+$0x0]  }
0x191: {  	v16 =	vld [tilespmem:s0+$0x0]  }
0x192: {  	v10 =	vadd.f32 v11, v10;
	v11 =	vmul.f32 v6, v6;
	v8 =	vsub.f32 v12, v13;
	_ =	sdelay $0x1  }
0x193: {  	v10 =	vadd.f32 v11, v10;
	v11 =	vmul.f32 v8, v8;
	v9 =	vsub.f32 v9, v14;
	_ =	sdelay $0x1  }
0x194: {  	v11 =	vadd.f32 v11, v10;
	v12 =	vmul.f32 v9, v9;
	v10 =	vsub.f32 v15, v16;
	_ =	sdelay $0x1  }
0x195: {  	v11 =	vadd.f32 v12, v11;
	v12 =	vmul.f32 v10, v10;
	_ =	sdelay $0x1  }
0x196: {  	v11 =	vadd.f32 v12, v11;
	_ =	sdelay $0x1  }
0x197: {  	(xrf2) =	vadd.scan.msk.f32 $0xffff, v11;
	_ =	sdelay $0x9  }
0x198: {  	v11, _, _ =	vpop (xrf2)  }
0x199: {  	v11 =	vbroadcast v11, $0xF;
	_ =	sdelay $0x1  }
0x19a: {  	v12 =	vshra.s32 v11, $0x1;
	v13 =	vmul.f32 $5.000000000e-01, v11  }
0x19b: {  	v12 =	vsub.s32 $0x5F3759DF, v12  }
0x19c: {  	v14 =	vmul.f32 v12, v13;
	_ =	sdelay $0x1  }
0x19d: {  	v14 =	vmul.f32 v12, v14;
	_ =	sdelay $0x1  }
0x19e: {  	v14 =	vsub.f32 $1.500000000e+00, v14;
	_ =	sdelay $0x1  }
0x19f: {  	v12 =	vmul.f32 v12, v14;
	_ =	sdelay $0x1  }
0x1a0: {  	v13 =	vmul.f32 v12, v13;
	_ =	sdelay $0x1  }
0x1a1: {  	v13 =	vmul.f32 v13, v12;
	_ =	sdelay $0x1  }
0x1a2: {  	v13 =	vsub.f32 $1.500000000e+00, v13;
	_ =	sdelay $0x1  }
0x1a3: {  	v12 =	vmul.f32 v13, v12  }
0x1a4: {  	v13 =	vmov s14;
	s14 =	sadd.s32 $0x1, s14  }
.Ltmp3:
0x1a5: {  	vm0 =	veq.s32 v13, v0;
	v11 =	vmul.f32 v12, v11;
	v12 =	vmov s14;
	(pc) =	sbr.rel @p1 .LBB2_9-.Ltmp3, $3  }
0x1a6: {  	v1 =	vsel vm0, v7, v1;
	vm0 =	veq.s32 v12, v0  }
0x1a7: {  	v7 =	vadd.f32 $1.000000000e+00, v11;
	v1 =	vsel vm0, v11, v1;
	_ =	sdelay $0x1  }
0x1a8: {  	(erf) = vrcp.f32 v7  }
0x1a9: {  	_ =	sdelay $0x7  }
0x1aa: {  	v7 =	vpop (erf)  }
0x1ab: {  	v3 =	vmul.f32 v7, v3  }
0x1ac: {  	v4 =	vmul.f32 v7, v4  }
0x1ad: {  	v5 =	vmul.f32 v7, v5;
	[tilespmem:s2+$0xFFFFFF90] =	vst v3  }
0x1ae: {  	v2 =	vmul.f32 v7, v2;
	[tilespmem:s2+$0xFFFFFFA0] =	vst v4  }
0x1af: {  	v3 =	vmul.f32 v7, v6;
	[tilespmem:s2+$0xFFFFFFC0] =	vst v5  }
0x1b0: {  	v4 =	vmul.f32 v7, v10;
	[tilespmem:s2+$0xFFFFFFB0] =	vst v2  }
0x1b1: {  	v5 =	vmul.f32 v7, v9;
	[tilespmem:s2+$0xFFFFFFD0] =	vst v3  }
0x1b2: {  	[tilespmem:s2+$0x0] =	vst v4;
	v3 =	vmul.f32 v7, v8  }
0x1b3: {  	[tilespmem:s2+$0xFFFFFFF0] =	vst v5  }
0x1b4: {  	[tilespmem:s2+$0xFFFFFFE0] =	vst v3  }
0x1b5: {  	[tilespmem:s24+$0x12010] =	vst v1  }
0x1b6: {  	v1 =	vld [tilespmem:s29+$0xFFFFFF10]  }
0x1b7: {  	v2 =	vld [tilespmem:s29+$0xFFFFFF20]  }
0x1b8: {  	v3 =	vld [tilespmem:s30+$0xFFFFFF20]  }
0x1b9: {  	v4 =	vld [tilespmem:s30+$0xFFFFFF10]  }
0x1ba: {  	v5 =	vld [tilespmem:s29+$0xFFFFFF30]  }
0x1bb: {  	v6 =	vld [tilespmem:s30+$0xFFFFFF30]  }
0x1bc: {  	v7 =	vld [tilespmem:s29+$0xFFFFFF40]  }
0x1bd: {  	v8 =	vld [tilespmem:s30+$0xFFFFFF40]  }
0x1be: {  	v1 =	vsub.f32 v1, v4;
	v2 =	vsub.f32 v2, v3;
	v3 =	vld [tilespmem:s29+$0xFFFFFF50]  }
0x1bf: {  	v4 =	vld [tilespmem:s30+$0xFFFFFF50]  }
0x1c0: {  	v11 =	vld [tilespmem:s30+$0xFFFFFF60];
	v5 =	vsub.f32 v5, v6;
	v9 =	vmul.f32 v1, v1;
	v10 =	vmul.f32 v2, v2  }
0x1c1: {  	v6 =	vld [tilespmem:s29+$0xFFFFFF60]  }
0x1c2: {  	v12 =	vld [tilespmem:s30+$0xFFFFFF70];
	v7 =	vsub.f32 v7, v8;
	v9 =	vadd.f32 v10, v9;
	v10 =	vmul.f32 v5, v5  }
0x1c3: {  	v8 =	vld [tilespmem:s29+$0xFFFFFF70]  }
0x1c4: {  	v13 =	vld [tilespmem:s30+$0xFFFFFF80];
	v3 =	vsub.f32 v3, v4;
	v9 =	vadd.f32 v10, v9;
	v10 =	vmul.f32 v7, v7  }
0x1c5: {  	v4 =	vld [tilespmem:s29+$0xFFFFFF80]  }
0x1c6: {  	v6 =	vsub.f32 v6, v11;
	v9 =	vadd.f32 v10, v9;
	v10 =	vmul.f32 v3, v3;
	_ =	sdelay $0x1  }
0x1c7: {  	v8 =	vsub.f32 v8, v12;
	v9 =	vadd.f32 v10, v9;
	v10 =	vmul.f32 v6, v6;
	_ =	sdelay $0x1  }
0x1c8: {  	v4 =	vsub.f32 v4, v13;
	v9 =	vadd.f32 v10, v9;
	v10 =	vmul.f32 v8, v8;
	_ =	sdelay $0x1  }
0x1c9: {  	v9 =	vadd.f32 v10, v9;
	v10 =	vmul.f32 v4, v4;
	_ =	sdelay $0x1  }
0x1ca: {  	v9 =	vadd.f32 v10, v9;
	_ =	sdelay $0x1  }
0x1cb: {  	(xrf2) =	vadd.scan.msk.f32 $0xffff, v9;
	_ =	sdelay $0x9  }
0x1cc: {  	v9, _, _ =	vpop (xrf2)  }
0x1cd: {  	v9 =	vbroadcast v9, $0xF;
	_ =	sdelay $0x1  }
0x1ce: {  	v10 =	vshra.s32 v9, $0x1;
	v11 =	vmul.f32 $5.000000000e-01, v9  }
0x1cf: {  	v10 =	vsub.s32 $0x5F3759DF, v10  }
0x1d0: {  	v54 =	vmul.f32 v10, v11;
	_ =	sdelay $0x1  }
0x1d1: {  	v12 =	vmul.f32 v10, v54;
	_ =	sdelay $0x1  }
0x1d2: {  	v12 =	vsub.f32 $1.500000000e+00, v12;
	_ =	sdelay $0x1  }
0x1d3: {  	v10 =	vmul.f32 v10, v12;
	_ =	sdelay $0x1  }
0x1d4: {  	v11 =	vmul.f32 v10, v11;
	_ =	sdelay $0x1  }
0x1d5: {  	v11 =	vmul.f32 v11, v10;
	_ =	sdelay $0x1  }
0x1d6: {  	v11 =	vsub.f32 $1.500000000e+00, v11;
	_ =	sdelay $0x1  }
0x1d7: {  	v10 =	vmul.f32 v11, v10;
	_ =	sdelay $0x1  }
0x1d8: {  	v11 =	vmul.f32 v10, v9;
	_ =	sdelay $0x1  }
0x1d9: {  	v9 =	vadd.f32 $1.000000000e+00, v11;
	_ =	sdelay $0x1  }
0x1da: {  	(erf) = vrcp.f32 v9;
	_ =	sdelay $0x8  }
0x1db: {  	v9 =	vpop (erf)  }
0x1dc: {  	v4 =	vmul.f32 v9, v4  }
0x1dd: {  	v1 =	vmul.f32 v9, v1  }
0x1de: {  	v5 =	vmul.f32 v9, v5;
	[tilespmem:s29+$0xFFFFFF80] =	vst v4  }
0x1df: {  	v3 =	vmul.f32 v9, v3;
	[tilespmem:s29+$0xFFFFFF10] =	vst v1  }
0x1e0: {  	v1 =	vmul.f32 v9, v6;
	[tilespmem:s29+$0xFFFFFF30] =	vst v5  }
0x1e1: {  	v4 =	vmul.f32 v9, v8;
	[tilespmem:s29+$0xFFFFFF50] =	vst v3  }
0x1e2: {  	v3 =	vmul.f32 v9, v7;
	[tilespmem:s29+$0xFFFFFF60] =	vst v1  }
0x1e3: {  	v1 =	vmul.f32 v9, v2;
	[tilespmem:s29+$0xFFFFFF70] =	vst v4  }
0x1e4: {  	v2 =	vld [tilespmem:s29+$0xFFFFFFA0];
	[tilespmem:s29+$0xFFFFFF40] =	vst v3  }
0x1e5: {  	v3 =	vld [tilespmem:s29+$0xFFFFFF90];
	[tilespmem:s29+$0xFFFFFF20] =	vst v1  }
0x1e6: {  	v1 =	vld [tilespmem:s30+$0xFFFFFF90]  }
0x1e7: {  	v4 =	vld [tilespmem:s30+$0xFFFFFFA0]  }
0x1e8: {  	v5 =	vld [tilespmem:s29+$0xFFFFFFB0]  }
0x1e9: {  	v6 =	vld [tilespmem:s30+$0xFFFFFFB0]  }
0x1ea: {  	v8 =	vld [tilespmem:s29+$0xFFFFFFC0]  }
0x1eb: {  	v7 =	vld [tilespmem:s30+$0xFFFFFFC0]  }
0x1ec: {  	v9 =	vld [tilespmem:s30+$0xFFFFFFD0];
	v3 =	vsub.f32 v3, v1;
	v4 =	vsub.f32 v2, v4  }
0x1ed: {  	v1 =	vld [tilespmem:s29+$0xFFFFFFD0]  }
0x1ee: {  	v10 =	vld [tilespmem:s29+$0xFFFFFFE0];
	v2 =	vsub.f32 v5, v6;
	v5 =	vmul.f32 v3, v3;
	v6 =	vmul.f32 v4, v4  }
0x1ef: {  	v55 =	vld [tilespmem:s30+$0xFFFFFFE0]  }
0x1f0: {  	v14 =	vld [tilespmem:s29+$0xFFFFFFF0];
	v56 =	vmul.f32 v2, v2;
	v6 =	vadd.f32 v6, v5;
	v5 =	vsub.f32 v8, v7  }
0x1f1: {  	v15 =	vld [tilespmem:s30+$0xFFFFFFF0]  }
0x1f2: {  	v57 =	vld [tilespmem:s30+$0x0];
	v7 =	vsub.f32 v1, v9;
	v6 =	vadd.f32 v56, v6;
	v8 =	vmul.f32 v5, v5  }
0x1f3: {  	v1 =	vld [tilespmem:s29+$0x0]  }
0x1f4: {  	v9 =	vmul.f32 v7, v7;
	v6 =	vadd.f32 v8, v6;
	v8 =	vsub.f32 v10, v55;
	_ =	sdelay $0x1  }
0x1f5: {  	v6 =	vadd.f32 v9, v6;
	v10 =	vmul.f32 v8, v8;
	v9 =	vsub.f32 v14, v15;
	_ =	sdelay $0x1  }
0x1f6: {  	v6 =	vadd.f32 v10, v6;
	v58 =	vmul.f32 v9, v9;
	v10 =	vsub.f32 v1, v57;
	_ =	sdelay $0x1  }
0x1f7: {  	v1 =	vadd.f32 v58, v6;
	v6 =	vmul.f32 v10, v10;
	_ =	sdelay $0x1  }
0x1f8: {  	v1 =	vadd.f32 v6, v1;
	_ =	sdelay $0x1  }
0x1f9: {  	(xrf2) =	vadd.scan.msk.f32 $0xffff, v1;
	_ =	sdelay $0x9  }
0x1fa: {  	v1, _, _ =	vpop (xrf2)  }
0x1fb: {  	v1 =	vbroadcast v1, $0xF;
	_ =	sdelay $0x1  }
0x1fc: {  	v6 =	vshra.s32 v1, $0x1;
	v59 =	vmul.f32 $5.000000000e-01, v1  }
0x1fd: {  	v6 =	vsub.s32 $0x5F3759DF, v6  }
0x1fe: {  	v60 =	vmul.f32 v6, v59;
	_ =	sdelay $0x1  }
0x1ff: {  	v13 =	vmul.f32 v6, v60;
	_ =	sdelay $0x1  }
0x200: {  	v13 =	vsub.f32 $1.500000000e+00, v13;
	_ =	sdelay $0x1  }
0x201: {  	v6 =	vmul.f32 v6, v13;
	_ =	sdelay $0x1  }
0x202: {  	v12 =	vmul.f32 v6, v59;
	_ =	sdelay $0x1  }
0x203: {  	v12 =	vmul.f32 v12, v6;
	_ =	sdelay $0x1  }
0x204: {  	v12 =	vsub.f32 $1.500000000e+00, v12;
	_ =	sdelay $0x1  }
0x205: {  	v6 =	vmul.f32 v12, v6;
	_ =	sdelay $0x1  }
0x206: {  	s0 =	simm.s32 $0x0;
	s31 =	simm.s32 $0x1;
	v1 =	vmul.f32 v6, v1  }
0x207: {  	v61 =	vmov s0;
	v62 =	vmov s31  }
0x208: {  	vm0 =	veq.s32 v61, v0;
	v6 =	vimm.f32 $0.0e+00;
	v63 =	vadd.f32 $1.000000000e+00, v1  }
0x209: {  	vm15 =	veq.s32 v62, v0;
	v6 =	vsel vm0, v11, v6  }
0x20a: {  	s0 =	smov.u32 s29;
	s2 =	simm.s32 $0x2;
	v1 =	vsel vm15, v1, v6;
	(erf) = vrcp.f32 v63  }
.LBB2_11:
0x20b: {  	_ =	sdelay $0x2  }
0x20c: {  	p1 =	slt.u32 s2, $0xE;
	s29 =	sadd.s32 $0x100, s29;
	s30 =	sadd.s32 $0x100, s30  }
0x20d: {  	s13 =	smov.u32 s2;
	s2 =	sadd.s32 $0x2, s2;
	_ =	sdelay $0x3  }
0x20e: {  	v6 =	vpop (erf)  }
0x20f: {  	v3 =	vmul.f32 v6, v3;
	v4 =	vmul.f32 v6, v4  }
0x210: {  	v2 =	vmul.f32 v6, v2;
	v5 =	vmul.f32 v6, v5  }
0x211: {  	[tilespmem:s0+$0xFFFFFF90] =	vst v3;
	v3 =	vmul.f32 v6, v7;
	v7 =	vmul.f32 v6, v8  }
0x212: {  	[tilespmem:s0+$0xFFFFFFA0] =	vst v4;
	v4 =	vmul.f32 v6, v9;
	v6 =	vmul.f32 v6, v10  }
0x213: {  	[tilespmem:s0+$0xFFFFFFC0] =	vst v5  }
0x214: {  	[tilespmem:s0+$0xFFFFFFD0] =	vst v3  }
0x215: {  	[tilespmem:s0+$0x0] =	vst v6  }
0x216: {  	[tilespmem:s0+$0xFFFFFFF0] =	vst v4  }
0x217: {  	v3 =	vld [tilespmem:s29+$0xFFFFFF10];
	[tilespmem:s0+$0xFFFFFFB0] =	vst v2  }
0x218: {  	v2 =	vld [tilespmem:s29+$0xFFFFFF20];
	[tilespmem:s0+$0xFFFFFFE0] =	vst v7;
	s0 =	smov.u32 s29  }
0x219: {  	v4 =	vld [tilespmem:s30+$0xFFFFFF20]  }
0x21a: {  	v5 =	vld [tilespmem:s30+$0xFFFFFF10]  }
0x21b: {  	v6 =	vld [tilespmem:s29+$0xFFFFFF30]  }
0x21c: {  	v7 =	vld [tilespmem:s30+$0xFFFFFF30]  }
0x21d: {  	v8 =	vld [tilespmem:s29+$0xFFFFFF40]  }
0x21e: {  	v9 =	vld [tilespmem:s30+$0xFFFFFF40]  }
0x21f: {  	v2 =	vsub.f32 v2, v4;
	v3 =	vsub.f32 v3, v5;
	v4 =	vld [tilespmem:s29+$0xFFFFFF50]  }
0x220: {  	v5 =	vld [tilespmem:s30+$0xFFFFFF50]  }
0x221: {  	v11 =	vmul.f32 v2, v2;
	v10 =	vmul.f32 v3, v3;
	v7 =	vsub.f32 v6, v7;
	v6 =	vld [tilespmem:s29+$0xFFFFFF60]  }
0x222: {  	v12 =	vld [tilespmem:s30+$0xFFFFFF60]  }
0x223: {  	v10 =	vadd.f32 v11, v10;
	v11 =	vmul.f32 v7, v7;
	v8 =	vsub.f32 v8, v9;
	v9 =	vld [tilespmem:s29+$0xFFFFFF70]  }
0x224: {  	v13 =	vld [tilespmem:s30+$0xFFFFFF70]  }
0x225: {  	v10 =	vadd.f32 v11, v10;
	v11 =	vmul.f32 v8, v8;
	v4 =	vsub.f32 v4, v5;
	v5 =	vld [tilespmem:s29+$0xFFFFFF80]  }
0x226: {  	v14 =	vld [tilespmem:s30+$0xFFFFFF80]  }
0x227: {  	v10 =	vadd.f32 v11, v10;
	v11 =	vmul.f32 v4, v4;
	v12 =	vsub.f32 v6, v12;
	_ =	sdelay $0x1  }
0x228: {  	v6 =	vadd.f32 v11, v10;
	v10 =	vmul.f32 v12, v12;
	v9 =	vsub.f32 v9, v13;
	_ =	sdelay $0x1  }
0x229: {  	v6 =	vadd.f32 v10, v6;
	v10 =	vmul.f32 v9, v9;
	v5 =	vsub.f32 v5, v14;
	_ =	sdelay $0x1  }
0x22a: {  	v6 =	vadd.f32 v10, v6;
	v10 =	vmul.f32 v5, v5;
	_ =	sdelay $0x1  }
0x22b: {  	v6 =	vadd.f32 v10, v6;
	_ =	sdelay $0x1  }
0x22c: {  	(xrf2) =	vadd.scan.msk.f32 $0xffff, v6;
	_ =	sdelay $0x9  }
0x22d: {  	v6, _, _ =	vpop (xrf2)  }
0x22e: {  	v6 =	vbroadcast v6, $0xF;
	_ =	sdelay $0x1  }
0x22f: {  	v10 =	vshra.s32 v6, $0x1;
	v11 =	vmul.f32 $5.000000000e-01, v6  }
0x230: {  	v10 =	vsub.s32 $0x5F3759DF, v10  }
0x231: {  	v13 =	vmul.f32 v10, v11;
	_ =	sdelay $0x1  }
0x232: {  	v13 =	vmul.f32 v10, v13;
	_ =	sdelay $0x1  }
0x233: {  	v13 =	vsub.f32 $1.500000000e+00, v13;
	_ =	sdelay $0x1  }
0x234: {  	v10 =	vmul.f32 v10, v13;
	_ =	sdelay $0x1  }
0x235: {  	v11 =	vmul.f32 v10, v11;
	_ =	sdelay $0x1  }
0x236: {  	v11 =	vmul.f32 v11, v10;
	_ =	sdelay $0x1  }
0x237: {  	v11 =	vsub.f32 $1.500000000e+00, v11;
	_ =	sdelay $0x1  }
0x238: {  	v10 =	vmul.f32 v11, v10;
	_ =	sdelay $0x1  }
0x239: {  	v6 =	vmul.f32 v10, v6;
	_ =	sdelay $0x1  }
0x23a: {  	v10 =	vadd.f32 $1.000000000e+00, v6;
	_ =	sdelay $0x1  }
0x23b: {  	(erf) = vrcp.f32 v10;
	_ =	sdelay $0x8  }
0x23c: {  	v10 =	vpop (erf)  }
0x23d: {  	v3 =	vmul.f32 v10, v3;
	v5 =	vmul.f32 v10, v5  }
0x23e: {  	v7 =	vmul.f32 v10, v7;
	v9 =	vmul.f32 v10, v9  }
0x23f: {  	v2 =	vmul.f32 v10, v2;
	v4 =	vmul.f32 v10, v4;
	[tilespmem:s29+$0xFFFFFF80] =	vst v5  }
0x240: {  	v5 =	vmul.f32 v10, v12;
	[tilespmem:s29+$0xFFFFFF10] =	vst v3;
	v3 =	vmul.f32 v10, v8  }
0x241: {  	[tilespmem:s29+$0xFFFFFF30] =	vst v7  }
0x242: {  	[tilespmem:s29+$0xFFFFFF50] =	vst v4  }
0x243: {  	[tilespmem:s29+$0xFFFFFF60] =	vst v5  }
0x244: {  	[tilespmem:s29+$0xFFFFFF70] =	vst v9;
	v4 =	vld [tilespmem:s29+$0xFFFFFFA0]  }
0x245: {  	[tilespmem:s29+$0xFFFFFF40] =	vst v3;
	v3 =	vld [tilespmem:s29+$0xFFFFFF90]  }
0x246: {  	[tilespmem:s29+$0xFFFFFF20] =	vst v2;
	v2 =	vld [tilespmem:s29+$0xFFFFFFB0]  }
0x247: {  	v5 =	vld [tilespmem:s30+$0xFFFFFF90]  }
0x248: {  	v7 =	vld [tilespmem:s30+$0xFFFFFFA0]  }
0x249: {  	v8 =	vld [tilespmem:s30+$0xFFFFFFB0]  }
0x24a: {  	v9 =	vld [tilespmem:s30+$0xFFFFFFC0];
	_ =	sdelay $0x1  }
0x24b: {  	v3 =	vsub.f32 v3, v5;
	v5 =	vld [tilespmem:s29+$0xFFFFFFC0]  }
0x24c: {  	v4 =	vsub.f32 v4, v7;
	v7 =	vld [tilespmem:s29+$0xFFFFFFD0]  }
0x24d: {  	v2 =	vsub.f32 v2, v8;
	v8 =	vld [tilespmem:s30+$0xFFFFFFD0]  }
0x24e: {  	v10 =	vmul.f32 v3, v3;
	v11 =	vmul.f32 v4, v4;
	v12 =	vld [tilespmem:s29+$0xFFFFFFE0]  }
0x24f: {  	v13 =	vld [tilespmem:s30+$0xFFFFFFE0]  }
0x250: {  	v10 =	vadd.f32 v11, v10;
	v11 =	vmul.f32 v2, v2;
	v5 =	vsub.f32 v5, v9;
	v9 =	vld [tilespmem:s29+$0xFFFFFFF0]  }
0x251: {  	v14 =	vld [tilespmem:s30+$0xFFFFFFF0]  }
0x252: {  	v10 =	vadd.f32 v11, v10;
	v11 =	vmul.f32 v5, v5;
	v7 =	vsub.f32 v7, v8;
	v15 =	vld [tilespmem:s29+$0x0]  }
0x253: {  	v16 =	vld [tilespmem:s30+$0x0]  }
0x254: {  	v10 =	vadd.f32 v11, v10;
	v11 =	vmul.f32 v7, v7;
	v8 =	vsub.f32 v12, v13;
	_ =	sdelay $0x1  }
0x255: {  	v10 =	vadd.f32 v11, v10;
	v11 =	vmul.f32 v8, v8;
	v9 =	vsub.f32 v9, v14;
	_ =	sdelay $0x1  }
0x256: {  	v11 =	vadd.f32 v11, v10;
	v12 =	vmul.f32 v9, v9;
	v10 =	vsub.f32 v15, v16;
	_ =	sdelay $0x1  }
0x257: {  	v11 =	vadd.f32 v12, v11;
	v12 =	vmul.f32 v10, v10;
	_ =	sdelay $0x1  }
0x258: {  	v11 =	vadd.f32 v12, v11;
	_ =	sdelay $0x1  }
0x259: {  	(xrf2) =	vadd.scan.msk.f32 $0xffff, v11;
	_ =	sdelay $0x9  }
0x25a: {  	v11, _, _ =	vpop (xrf2)  }
0x25b: {  	v11 =	vbroadcast v11, $0xF;
	_ =	sdelay $0x1  }
0x25c: {  	v12 =	vshra.s32 v11, $0x1;
	v13 =	vmul.f32 $5.000000000e-01, v11  }
0x25d: {  	v12 =	vsub.s32 $0x5F3759DF, v12  }
0x25e: {  	v14 =	vmul.f32 v12, v13;
	_ =	sdelay $0x1  }
0x25f: {  	v14 =	vmul.f32 v12, v14;
	_ =	sdelay $0x1  }
0x260: {  	v14 =	vsub.f32 $1.500000000e+00, v14;
	_ =	sdelay $0x1  }
0x261: {  	v12 =	vmul.f32 v12, v14;
	_ =	sdelay $0x1  }
0x262: {  	v13 =	vmul.f32 v12, v13;
	_ =	sdelay $0x1  }
0x263: {  	v13 =	vmul.f32 v13, v12;
	_ =	sdelay $0x1  }
0x264: {  	v13 =	vsub.f32 $1.500000000e+00, v13;
	_ =	sdelay $0x1  }
0x265: {  	v12 =	vmul.f32 v13, v12  }
0x266: {  	v13 =	vmov s13;
	s13 =	sadd.s32 $0x1, s13  }
.Ltmp4:
0x267: {  	vm0 =	veq.s32 v13, v0;
	v11 =	vmul.f32 v12, v11;
	v12 =	vmov s13;
	(pc) =	sbr.rel @p1 .LBB2_11-.Ltmp4, $3  }
0x268: {  	v1 =	vsel vm0, v6, v1;
	vm0 =	veq.s32 v12, v0  }
0x269: {  	v6 =	vadd.f32 $1.000000000e+00, v11;
	v1 =	vsel vm0, v11, v1;
	_ =	sdelay $0x1  }
0x26a: {  	(erf) = vrcp.f32 v6  }
0x26b: {  	_ =	sdelay $0x7  }
0x26c: {  	v6 =	vpop (erf)  }
0x26d: {  	v3 =	vmul.f32 v6, v3  }
0x26e: {  	v4 =	vmul.f32 v6, v4  }
0x26f: {  	v5 =	vmul.f32 v6, v5;
	[tilespmem:s0+$0xFFFFFF90] =	vst v3  }
0x270: {  	v2 =	vmul.f32 v6, v2;
	[tilespmem:s0+$0xFFFFFFA0] =	vst v4  }
0x271: {  	v3 =	vmul.f32 v6, v7;
	[tilespmem:s0+$0xFFFFFFC0] =	vst v5  }
0x272: {  	v4 =	vmul.f32 v6, v10;
	[tilespmem:s0+$0xFFFFFFB0] =	vst v2  }
0x273: {  	v5 =	vmul.f32 v6, v9;
	[tilespmem:s0+$0xFFFFFFD0] =	vst v3  }
0x274: {  	[tilespmem:s0+$0x0] =	vst v4;
	v3 =	vmul.f32 v6, v8  }
0x275: {  	[tilespmem:s0+$0xFFFFFFF0] =	vst v5  }
0x276: {  	[tilespmem:s0+$0xFFFFFFE0] =	vst v3  }
0x277: {  	[tilespmem:s24+$0x12020] =	vst v1  }
0x278: {  	v1 =	vld [tilespmem:s26+$0xFFFFFF10]  }
0x279: {  	v2 =	vld [tilespmem:s26+$0xFFFFFF20]  }
0x27a: {  	v3 =	vld [tilespmem:s28+$0xFFFFFF20]  }
0x27b: {  	v4 =	vld [tilespmem:s28+$0xFFFFFF10]  }
0x27c: {  	v5 =	vld [tilespmem:s26+$0xFFFFFF30]  }
0x27d: {  	v6 =	vld [tilespmem:s28+$0xFFFFFF30]  }
0x27e: {  	v7 =	vld [tilespmem:s26+$0xFFFFFF40]  }
0x27f: {  	v8 =	vld [tilespmem:s28+$0xFFFFFF40]  }
0x280: {  	v1 =	vsub.f32 v1, v4;
	v2 =	vsub.f32 v2, v3;
	v3 =	vld [tilespmem:s26+$0xFFFFFF50]  }
0x281: {  	v4 =	vld [tilespmem:s28+$0xFFFFFF50]  }
0x282: {  	v11 =	vld [tilespmem:s28+$0xFFFFFF60];
	v5 =	vsub.f32 v5, v6;
	v9 =	vmul.f32 v1, v1;
	v10 =	vmul.f32 v2, v2  }
0x283: {  	v6 =	vld [tilespmem:s26+$0xFFFFFF60]  }
0x284: {  	v12 =	vld [tilespmem:s28+$0xFFFFFF70];
	v7 =	vsub.f32 v7, v8;
	v9 =	vadd.f32 v10, v9;
	v10 =	vmul.f32 v5, v5  }
0x285: {  	v8 =	vld [tilespmem:s26+$0xFFFFFF70]  }
0x286: {  	v13 =	vld [tilespmem:s28+$0xFFFFFF80];
	v3 =	vsub.f32 v3, v4;
	v9 =	vadd.f32 v10, v9;
	v10 =	vmul.f32 v7, v7  }
0x287: {  	v4 =	vld [tilespmem:s26+$0xFFFFFF80]  }
0x288: {  	v6 =	vsub.f32 v6, v11;
	v9 =	vadd.f32 v10, v9;
	v10 =	vmul.f32 v3, v3;
	_ =	sdelay $0x1  }
0x289: {  	v8 =	vsub.f32 v8, v12;
	v9 =	vadd.f32 v10, v9;
	v10 =	vmul.f32 v6, v6;
	_ =	sdelay $0x1  }
0x28a: {  	v4 =	vsub.f32 v4, v13;
	v9 =	vadd.f32 v10, v9;
	v10 =	vmul.f32 v8, v8;
	_ =	sdelay $0x1  }
0x28b: {  	v9 =	vadd.f32 v10, v9;
	v10 =	vmul.f32 v4, v4;
	_ =	sdelay $0x1  }
0x28c: {  	v9 =	vadd.f32 v10, v9;
	_ =	sdelay $0x1  }
0x28d: {  	(xrf2) =	vadd.scan.msk.f32 $0xffff, v9;
	_ =	sdelay $0x9  }
0x28e: {  	v9, _, _ =	vpop (xrf2)  }
0x28f: {  	v9 =	vbroadcast v9, $0xF;
	_ =	sdelay $0x1  }
0x290: {  	v10 =	vshra.s32 v9, $0x1;
	v11 =	vmul.f32 $5.000000000e-01, v9  }
0x291: {  	v10 =	vsub.s32 $0x5F3759DF, v10  }
0x292: {  	v54 =	vmul.f32 v10, v11;
	_ =	sdelay $0x1  }
0x293: {  	v12 =	vmul.f32 v10, v54;
	_ =	sdelay $0x1  }
0x294: {  	v12 =	vsub.f32 $1.500000000e+00, v12;
	_ =	sdelay $0x1  }
0x295: {  	v10 =	vmul.f32 v10, v12;
	_ =	sdelay $0x1  }
0x296: {  	v11 =	vmul.f32 v10, v11;
	_ =	sdelay $0x1  }
0x297: {  	v11 =	vmul.f32 v11, v10;
	_ =	sdelay $0x1  }
0x298: {  	v11 =	vsub.f32 $1.500000000e+00, v11;
	_ =	sdelay $0x1  }
0x299: {  	v10 =	vmul.f32 v11, v10;
	_ =	sdelay $0x1  }
0x29a: {  	v11 =	vmul.f32 v10, v9;
	_ =	sdelay $0x1  }
0x29b: {  	v9 =	vadd.f32 $1.000000000e+00, v11;
	_ =	sdelay $0x1  }
0x29c: {  	(erf) = vrcp.f32 v9;
	_ =	sdelay $0x8  }
0x29d: {  	v9 =	vpop (erf)  }
0x29e: {  	v4 =	vmul.f32 v9, v4  }
0x29f: {  	v1 =	vmul.f32 v9, v1  }
0x2a0: {  	v5 =	vmul.f32 v9, v5;
	[tilespmem:s26+$0xFFFFFF80] =	vst v4  }
0x2a1: {  	v3 =	vmul.f32 v9, v3;
	[tilespmem:s26+$0xFFFFFF10] =	vst v1  }
0x2a2: {  	v1 =	vmul.f32 v9, v6;
	[tilespmem:s26+$0xFFFFFF30] =	vst v5  }
0x2a3: {  	v4 =	vmul.f32 v9, v8;
	[tilespmem:s26+$0xFFFFFF50] =	vst v3  }
0x2a4: {  	v3 =	vmul.f32 v9, v7;
	[tilespmem:s26+$0xFFFFFF60] =	vst v1  }
0x2a5: {  	v1 =	vmul.f32 v9, v2;
	[tilespmem:s26+$0xFFFFFF70] =	vst v4  }
0x2a6: {  	v2 =	vld [tilespmem:s26+$0xFFFFFFA0];
	[tilespmem:s26+$0xFFFFFF40] =	vst v3  }
0x2a7: {  	v3 =	vld [tilespmem:s26+$0xFFFFFF90];
	[tilespmem:s26+$0xFFFFFF20] =	vst v1  }
0x2a8: {  	v1 =	vld [tilespmem:s28+$0xFFFFFF90]  }
0x2a9: {  	v4 =	vld [tilespmem:s28+$0xFFFFFFA0]  }
0x2aa: {  	v5 =	vld [tilespmem:s26+$0xFFFFFFB0]  }
0x2ab: {  	v6 =	vld [tilespmem:s28+$0xFFFFFFB0]  }
0x2ac: {  	v8 =	vld [tilespmem:s26+$0xFFFFFFC0]  }
0x2ad: {  	v7 =	vld [tilespmem:s28+$0xFFFFFFC0]  }
0x2ae: {  	v9 =	vld [tilespmem:s28+$0xFFFFFFD0];
	v3 =	vsub.f32 v3, v1;
	v4 =	vsub.f32 v2, v4  }
0x2af: {  	v1 =	vld [tilespmem:s26+$0xFFFFFFD0]  }
0x2b0: {  	v10 =	vld [tilespmem:s26+$0xFFFFFFE0];
	v2 =	vsub.f32 v5, v6;
	v5 =	vmul.f32 v3, v3;
	v6 =	vmul.f32 v4, v4  }
0x2b1: {  	v55 =	vld [tilespmem:s28+$0xFFFFFFE0]  }
0x2b2: {  	v14 =	vld [tilespmem:s26+$0xFFFFFFF0];
	v56 =	vmul.f32 v2, v2;
	v6 =	vadd.f32 v6, v5;
	v5 =	vsub.f32 v8, v7  }
0x2b3: {  	v15 =	vld [tilespmem:s28+$0xFFFFFFF0]  }
0x2b4: {  	v57 =	vld [tilespmem:s28+$0x0];
	v7 =	vsub.f32 v1, v9;
	v6 =	vadd.f32 v56, v6;
	v8 =	vmul.f32 v5, v5  }
0x2b5: {  	v1 =	vld [tilespmem:s26+$0x0]  }
0x2b6: {  	v9 =	vmul.f32 v7, v7;
	v6 =	vadd.f32 v8, v6;
	v8 =	vsub.f32 v10, v55;
	_ =	sdelay $0x1  }
0x2b7: {  	v6 =	vadd.f32 v9, v6;
	v10 =	vmul.f32 v8, v8;
	v9 =	vsub.f32 v14, v15;
	_ =	sdelay $0x1  }
0x2b8: {  	v6 =	vadd.f32 v10, v6;
	v58 =	vmul.f32 v9, v9;
	v10 =	vsub.f32 v1, v57;
	_ =	sdelay $0x1  }
0x2b9: {  	v1 =	vadd.f32 v58, v6;
	v6 =	vmul.f32 v10, v10;
	_ =	sdelay $0x1  }
0x2ba: {  	v1 =	vadd.f32 v6, v1;
	_ =	sdelay $0x1  }
0x2bb: {  	(xrf2) =	vadd.scan.msk.f32 $0xffff, v1;
	_ =	sdelay $0x9  }
0x2bc: {  	v1, _, _ =	vpop (xrf2)  }
0x2bd: {  	v1 =	vbroadcast v1, $0xF;
	_ =	sdelay $0x1  }
0x2be: {  	v6 =	vshra.s32 v1, $0x1;
	v59 =	vmul.f32 $5.000000000e-01, v1  }
0x2bf: {  	v6 =	vsub.s32 $0x5F3759DF, v6  }
0x2c0: {  	v60 =	vmul.f32 v6, v59;
	_ =	sdelay $0x1  }
0x2c1: {  	v13 =	vmul.f32 v6, v60;
	_ =	sdelay $0x1  }
0x2c2: {  	v13 =	vsub.f32 $1.500000000e+00, v13;
	_ =	sdelay $0x1  }
0x2c3: {  	v6 =	vmul.f32 v6, v13;
	_ =	sdelay $0x1  }
0x2c4: {  	v12 =	vmul.f32 v6, v59;
	_ =	sdelay $0x1  }
0x2c5: {  	v12 =	vmul.f32 v12, v6;
	_ =	sdelay $0x1  }
0x2c6: {  	v12 =	vsub.f32 $1.500000000e+00, v12;
	_ =	sdelay $0x1  }
0x2c7: {  	v6 =	vmul.f32 v12, v6;
	_ =	sdelay $0x1  }
0x2c8: {  	s30 =	simm.s32 $0x0;
	s31 =	simm.s32 $0x1;
	v1 =	vmul.f32 v6, v1  }
0x2c9: {  	v61 =	vmov s30;
	v62 =	vmov s31  }
0x2ca: {  	vm0 =	veq.s32 v61, v0;
	v6 =	vimm.f32 $0.0e+00;
	v63 =	vadd.f32 $1.000000000e+00, v1  }
0x2cb: {  	vm15 =	veq.s32 v62, v0;
	v6 =	vsel vm0, v11, v6  }
0x2cc: {  	s2 =	simm.s32 $0x2;
	s0 =	smov.u32 s26;
	v1 =	vsel vm15, v1, v6;
	(erf) = vrcp.f32 v63  }
.LBB2_13:
0x2cd: {  	_ =	sdelay $0x2  }
0x2ce: {  	p1 =	slt.u32 s2, $0xE;
	s26 =	sadd.s32 $0x100, s26;
	s28 =	sadd.s32 $0x100, s28  }
0x2cf: {  	s13 =	smov.u32 s2;
	s2 =	sadd.s32 $0x2, s2;
	_ =	sdelay $0x3  }
0x2d0: {  	v6 =	vpop (erf)  }
0x2d1: {  	v3 =	vmul.f32 v6, v3;
	v4 =	vmul.f32 v6, v4  }
0x2d2: {  	v2 =	vmul.f32 v6, v2;
	v5 =	vmul.f32 v6, v5  }
0x2d3: {  	[tilespmem:s0+$0xFFFFFF90] =	vst v3;
	v3 =	vmul.f32 v6, v7;
	v7 =	vmul.f32 v6, v8  }
0x2d4: {  	[tilespmem:s0+$0xFFFFFFA0] =	vst v4;
	v4 =	vmul.f32 v6, v9;
	v6 =	vmul.f32 v6, v10  }
0x2d5: {  	[tilespmem:s0+$0xFFFFFFC0] =	vst v5  }
0x2d6: {  	[tilespmem:s0+$0xFFFFFFD0] =	vst v3  }
0x2d7: {  	[tilespmem:s0+$0x0] =	vst v6  }
0x2d8: {  	[tilespmem:s0+$0xFFFFFFF0] =	vst v4  }
0x2d9: {  	v3 =	vld [tilespmem:s26+$0xFFFFFF10];
	[tilespmem:s0+$0xFFFFFFB0] =	vst v2  }
0x2da: {  	v2 =	vld [tilespmem:s26+$0xFFFFFF20];
	[tilespmem:s0+$0xFFFFFFE0] =	vst v7;
	s0 =	smov.u32 s26  }
0x2db: {  	v4 =	vld [tilespmem:s28+$0xFFFFFF20]  }
0x2dc: {  	v5 =	vld [tilespmem:s28+$0xFFFFFF10]  }
0x2dd: {  	v6 =	vld [tilespmem:s26+$0xFFFFFF30]  }
0x2de: {  	v7 =	vld [tilespmem:s28+$0xFFFFFF30]  }
0x2df: {  	v8 =	vld [tilespmem:s26+$0xFFFFFF40]  }
0x2e0: {  	v9 =	vld [tilespmem:s28+$0xFFFFFF40]  }
0x2e1: {  	v2 =	vsub.f32 v2, v4;
	v3 =	vsub.f32 v3, v5;
	v4 =	vld [tilespmem:s26+$0xFFFFFF50]  }
0x2e2: {  	v5 =	vld [tilespmem:s28+$0xFFFFFF50]  }
0x2e3: {  	v11 =	vmul.f32 v2, v2;
	v10 =	vmul.f32 v3, v3;
	v7 =	vsub.f32 v6, v7;
	v6 =	vld [tilespmem:s26+$0xFFFFFF60]  }
0x2e4: {  	v12 =	vld [tilespmem:s28+$0xFFFFFF60]  }
0x2e5: {  	v10 =	vadd.f32 v11, v10;
	v11 =	vmul.f32 v7, v7;
	v8 =	vsub.f32 v8, v9;
	v9 =	vld [tilespmem:s26+$0xFFFFFF70]  }
0x2e6: {  	v13 =	vld [tilespmem:s28+$0xFFFFFF70]  }
0x2e7: {  	v10 =	vadd.f32 v11, v10;
	v11 =	vmul.f32 v8, v8;
	v4 =	vsub.f32 v4, v5;
	v5 =	vld [tilespmem:s26+$0xFFFFFF80]  }
0x2e8: {  	v14 =	vld [tilespmem:s28+$0xFFFFFF80]  }
0x2e9: {  	v10 =	vadd.f32 v11, v10;
	v11 =	vmul.f32 v4, v4;
	v12 =	vsub.f32 v6, v12;
	_ =	sdelay $0x1  }
0x2ea: {  	v6 =	vadd.f32 v11, v10;
	v10 =	vmul.f32 v12, v12;
	v9 =	vsub.f32 v9, v13;
	_ =	sdelay $0x1  }
0x2eb: {  	v6 =	vadd.f32 v10, v6;
	v10 =	vmul.f32 v9, v9;
	v5 =	vsub.f32 v5, v14;
	_ =	sdelay $0x1  }
0x2ec: {  	v6 =	vadd.f32 v10, v6;
	v10 =	vmul.f32 v5, v5;
	_ =	sdelay $0x1  }
0x2ed: {  	v6 =	vadd.f32 v10, v6;
	_ =	sdelay $0x1  }
0x2ee: {  	(xrf2) =	vadd.scan.msk.f32 $0xffff, v6;
	_ =	sdelay $0x9  }
0x2ef: {  	v6, _, _ =	vpop (xrf2)  }
0x2f0: {  	v6 =	vbroadcast v6, $0xF;
	_ =	sdelay $0x1  }
0x2f1: {  	v10 =	vshra.s32 v6, $0x1;
	v11 =	vmul.f32 $5.000000000e-01, v6  }
0x2f2: {  	v10 =	vsub.s32 $0x5F3759DF, v10  }
0x2f3: {  	v13 =	vmul.f32 v10, v11;
	_ =	sdelay $0x1  }
0x2f4: {  	v13 =	vmul.f32 v10, v13;
	_ =	sdelay $0x1  }
0x2f5: {  	v13 =	vsub.f32 $1.500000000e+00, v13;
	_ =	sdelay $0x1  }
0x2f6: {  	v10 =	vmul.f32 v10, v13;
	_ =	sdelay $0x1  }
0x2f7: {  	v11 =	vmul.f32 v10, v11;
	_ =	sdelay $0x1  }
0x2f8: {  	v11 =	vmul.f32 v11, v10;
	_ =	sdelay $0x1  }
0x2f9: {  	v11 =	vsub.f32 $1.500000000e+00, v11;
	_ =	sdelay $0x1  }
0x2fa: {  	v10 =	vmul.f32 v11, v10;
	_ =	sdelay $0x1  }
0x2fb: {  	v6 =	vmul.f32 v10, v6;
	_ =	sdelay $0x1  }
0x2fc: {  	v10 =	vadd.f32 $1.000000000e+00, v6;
	_ =	sdelay $0x1  }
0x2fd: {  	(erf) = vrcp.f32 v10;
	_ =	sdelay $0x8  }
0x2fe: {  	v10 =	vpop (erf)  }
0x2ff: {  	v3 =	vmul.f32 v10, v3;
	v5 =	vmul.f32 v10, v5  }
0x300: {  	v7 =	vmul.f32 v10, v7;
	v9 =	vmul.f32 v10, v9  }
0x301: {  	v2 =	vmul.f32 v10, v2;
	v4 =	vmul.f32 v10, v4;
	[tilespmem:s26+$0xFFFFFF80] =	vst v5  }
0x302: {  	v5 =	vmul.f32 v10, v12;
	[tilespmem:s26+$0xFFFFFF10] =	vst v3;
	v3 =	vmul.f32 v10, v8  }
0x303: {  	[tilespmem:s26+$0xFFFFFF30] =	vst v7  }
0x304: {  	[tilespmem:s26+$0xFFFFFF50] =	vst v4  }
0x305: {  	[tilespmem:s26+$0xFFFFFF60] =	vst v5  }
0x306: {  	[tilespmem:s26+$0xFFFFFF70] =	vst v9;
	v4 =	vld [tilespmem:s26+$0xFFFFFFA0]  }
0x307: {  	[tilespmem:s26+$0xFFFFFF40] =	vst v3;
	v3 =	vld [tilespmem:s26+$0xFFFFFF90]  }
0x308: {  	[tilespmem:s26+$0xFFFFFF20] =	vst v2;
	v2 =	vld [tilespmem:s26+$0xFFFFFFB0]  }
0x309: {  	v5 =	vld [tilespmem:s28+$0xFFFFFF90]  }
0x30a: {  	v7 =	vld [tilespmem:s28+$0xFFFFFFA0]  }
0x30b: {  	v8 =	vld [tilespmem:s28+$0xFFFFFFB0]  }
0x30c: {  	v9 =	vld [tilespmem:s28+$0xFFFFFFC0];
	_ =	sdelay $0x1  }
0x30d: {  	v3 =	vsub.f32 v3, v5;
	v5 =	vld [tilespmem:s26+$0xFFFFFFC0]  }
0x30e: {  	v4 =	vsub.f32 v4, v7;
	v7 =	vld [tilespmem:s26+$0xFFFFFFD0]  }
0x30f: {  	v2 =	vsub.f32 v2, v8;
	v8 =	vld [tilespmem:s28+$0xFFFFFFD0]  }
0x310: {  	v10 =	vmul.f32 v3, v3;
	v11 =	vmul.f32 v4, v4;
	v12 =	vld [tilespmem:s26+$0xFFFFFFE0]  }
0x311: {  	v13 =	vld [tilespmem:s28+$0xFFFFFFE0]  }
0x312: {  	v10 =	vadd.f32 v11, v10;
	v11 =	vmul.f32 v2, v2;
	v5 =	vsub.f32 v5, v9;
	v9 =	vld [tilespmem:s26+$0xFFFFFFF0]  }
0x313: {  	v14 =	vld [tilespmem:s28+$0xFFFFFFF0]  }
0x314: {  	v10 =	vadd.f32 v11, v10;
	v11 =	vmul.f32 v5, v5;
	v7 =	vsub.f32 v7, v8;
	v15 =	vld [tilespmem:s26+$0x0]  }
0x315: {  	v16 =	vld [tilespmem:s28+$0x0]  }
0x316: {  	v10 =	vadd.f32 v11, v10;
	v11 =	vmul.f32 v7, v7;
	v8 =	vsub.f32 v12, v13;
	_ =	sdelay $0x1  }
0x317: {  	v10 =	vadd.f32 v11, v10;
	v11 =	vmul.f32 v8, v8;
	v9 =	vsub.f32 v9, v14;
	_ =	sdelay $0x1  }
0x318: {  	v11 =	vadd.f32 v11, v10;
	v12 =	vmul.f32 v9, v9;
	v10 =	vsub.f32 v15, v16;
	_ =	sdelay $0x1  }
0x319: {  	v11 =	vadd.f32 v12, v11;
	v12 =	vmul.f32 v10, v10;
	_ =	sdelay $0x1  }
0x31a: {  	v11 =	vadd.f32 v12, v11;
	_ =	sdelay $0x1  }
0x31b: {  	(xrf2) =	vadd.scan.msk.f32 $0xffff, v11;
	_ =	sdelay $0x9  }
0x31c: {  	v11, _, _ =	vpop (xrf2)  }
0x31d: {  	v11 =	vbroadcast v11, $0xF;
	_ =	sdelay $0x1  }
0x31e: {  	v12 =	vshra.s32 v11, $0x1;
	v13 =	vmul.f32 $5.000000000e-01, v11  }
0x31f: {  	v12 =	vsub.s32 $0x5F3759DF, v12  }
0x320: {  	v14 =	vmul.f32 v12, v13;
	_ =	sdelay $0x1  }
0x321: {  	v14 =	vmul.f32 v12, v14;
	_ =	sdelay $0x1  }
0x322: {  	v14 =	vsub.f32 $1.500000000e+00, v14;
	_ =	sdelay $0x1  }
0x323: {  	v12 =	vmul.f32 v12, v14;
	_ =	sdelay $0x1  }
0x324: {  	v13 =	vmul.f32 v12, v13;
	_ =	sdelay $0x1  }
0x325: {  	v13 =	vmul.f32 v13, v12;
	_ =	sdelay $0x1  }
0x326: {  	v13 =	vsub.f32 $1.500000000e+00, v13;
	_ =	sdelay $0x1  }
0x327: {  	v12 =	vmul.f32 v13, v12  }
0x328: {  	v13 =	vmov s13;
	s13 =	sadd.s32 $0x1, s13  }
.Ltmp5:
0x329: {  	vm0 =	veq.s32 v13, v0;
	v11 =	vmul.f32 v12, v11;
	v12 =	vmov s13;
	(pc) =	sbr.rel @p1 .LBB2_13-.Ltmp5, $3  }
0x32a: {  	v1 =	vsel vm0, v6, v1;
	vm0 =	veq.s32 v12, v0  }
0x32b: {  	v6 =	vadd.f32 $1.000000000e+00, v11;
	v1 =	vsel vm0, v11, v1;
	_ =	sdelay $0x1  }
0x32c: {  	(erf) = vrcp.f32 v6  }
0x32d: {  	_ =	sdelay $0x7  }
0x32e: {  	v6 =	vpop (erf)  }
0x32f: {  	v3 =	vmul.f32 v6, v3  }
0x330: {  	v4 =	vmul.f32 v6, v4  }
0x331: {  	v5 =	vmul.f32 v6, v5;
	[tilespmem:s0+$0xFFFFFF90] =	vst v3  }
0x332: {  	v2 =	vmul.f32 v6, v2;
	[tilespmem:s0+$0xFFFFFFA0] =	vst v4  }
0x333: {  	v3 =	vmul.f32 v6, v7;
	[tilespmem:s0+$0xFFFFFFC0] =	vst v5  }
0x334: {  	v4 =	vmul.f32 v6, v10;
	[tilespmem:s0+$0xFFFFFFB0] =	vst v2  }
0x335: {  	v5 =	vmul.f32 v6, v9;
	[tilespmem:s0+$0xFFFFFFD0] =	vst v3  }
0x336: {  	[tilespmem:s0+$0x0] =	vst v4;
	v3 =	vmul.f32 v6, v8  }
0x337: {  	[tilespmem:s0+$0xFFFFFFF0] =	vst v5  }
0x338: {  	[tilespmem:s0+$0xFFFFFFE0] =	vst v3  }
0x339: {  	[tilespmem:s24+$0x12030] =	vst v1  }
0x33a: {  	v1 =	vld [tilespmem:s22+$0xFFFFFF10]  }
0x33b: {  	v2 =	vld [tilespmem:s22+$0xFFFFFF20]  }
0x33c: {  	v3 =	vld [tilespmem:s23+$0xFFFFFF20]  }
0x33d: {  	v4 =	vld [tilespmem:s23+$0xFFFFFF10]  }
0x33e: {  	v5 =	vld [tilespmem:s22+$0xFFFFFF30]  }
0x33f: {  	v6 =	vld [tilespmem:s23+$0xFFFFFF30]  }
0x340: {  	v7 =	vld [tilespmem:s22+$0xFFFFFF40]  }
0x341: {  	v8 =	vld [tilespmem:s23+$0xFFFFFF40]  }
0x342: {  	v1 =	vsub.f32 v1, v4;
	v2 =	vsub.f32 v2, v3;
	v3 =	vld [tilespmem:s22+$0xFFFFFF50]  }
0x343: {  	v4 =	vld [tilespmem:s23+$0xFFFFFF50]  }
0x344: {  	v11 =	vld [tilespmem:s23+$0xFFFFFF60];
	v5 =	vsub.f32 v5, v6;
	v9 =	vmul.f32 v1, v1;
	v10 =	vmul.f32 v2, v2  }
0x345: {  	v6 =	vld [tilespmem:s22+$0xFFFFFF60]  }
0x346: {  	v12 =	vld [tilespmem:s23+$0xFFFFFF70];
	v7 =	vsub.f32 v7, v8;
	v9 =	vadd.f32 v10, v9;
	v10 =	vmul.f32 v5, v5  }
0x347: {  	v8 =	vld [tilespmem:s22+$0xFFFFFF70]  }
0x348: {  	v13 =	vld [tilespmem:s23+$0xFFFFFF80];
	v3 =	vsub.f32 v3, v4;
	v9 =	vadd.f32 v10, v9;
	v10 =	vmul.f32 v7, v7  }
0x349: {  	v4 =	vld [tilespmem:s22+$0xFFFFFF80]  }
0x34a: {  	v6 =	vsub.f32 v6, v11;
	v9 =	vadd.f32 v10, v9;
	v10 =	vmul.f32 v3, v3;
	_ =	sdelay $0x1  }
0x34b: {  	v8 =	vsub.f32 v8, v12;
	v9 =	vadd.f32 v10, v9;
	v10 =	vmul.f32 v6, v6;
	_ =	sdelay $0x1  }
0x34c: {  	v4 =	vsub.f32 v4, v13;
	v9 =	vadd.f32 v10, v9;
	v10 =	vmul.f32 v8, v8;
	_ =	sdelay $0x1  }
0x34d: {  	v9 =	vadd.f32 v10, v9;
	v10 =	vmul.f32 v4, v4;
	_ =	sdelay $0x1  }
0x34e: {  	v9 =	vadd.f32 v10, v9;
	_ =	sdelay $0x1  }
0x34f: {  	(xrf2) =	vadd.scan.msk.f32 $0xffff, v9;
	_ =	sdelay $0x9  }
0x350: {  	v9, _, _ =	vpop (xrf2)  }
0x351: {  	v9 =	vbroadcast v9, $0xF;
	_ =	sdelay $0x1  }
0x352: {  	v10 =	vshra.s32 v9, $0x1;
	v11 =	vmul.f32 $5.000000000e-01, v9  }
0x353: {  	v10 =	vsub.s32 $0x5F3759DF, v10  }
0x354: {  	v54 =	vmul.f32 v10, v11;
	_ =	sdelay $0x1  }
0x355: {  	v12 =	vmul.f32 v10, v54;
	_ =	sdelay $0x1  }
0x356: {  	v12 =	vsub.f32 $1.500000000e+00, v12;
	_ =	sdelay $0x1  }
0x357: {  	v10 =	vmul.f32 v10, v12;
	_ =	sdelay $0x1  }
0x358: {  	v11 =	vmul.f32 v10, v11;
	_ =	sdelay $0x1  }
0x359: {  	v11 =	vmul.f32 v11, v10;
	_ =	sdelay $0x1  }
0x35a: {  	v11 =	vsub.f32 $1.500000000e+00, v11;
	_ =	sdelay $0x1  }
0x35b: {  	v10 =	vmul.f32 v11, v10;
	_ =	sdelay $0x1  }
0x35c: {  	v11 =	vmul.f32 v10, v9;
	_ =	sdelay $0x1  }
0x35d: {  	v9 =	vadd.f32 $1.000000000e+00, v11;
	_ =	sdelay $0x1  }
0x35e: {  	(erf) = vrcp.f32 v9;
	_ =	sdelay $0x8  }
0x35f: {  	v9 =	vpop (erf)  }
0x360: {  	v4 =	vmul.f32 v9, v4  }
0x361: {  	v1 =	vmul.f32 v9, v1  }
0x362: {  	v5 =	vmul.f32 v9, v5;
	[tilespmem:s22+$0xFFFFFF80] =	vst v4  }
0x363: {  	v3 =	vmul.f32 v9, v3;
	[tilespmem:s22+$0xFFFFFF10] =	vst v1  }
0x364: {  	v1 =	vmul.f32 v9, v6;
	[tilespmem:s22+$0xFFFFFF30] =	vst v5  }
0x365: {  	v4 =	vmul.f32 v9, v8;
	[tilespmem:s22+$0xFFFFFF50] =	vst v3  }
0x366: {  	v3 =	vmul.f32 v9, v7;
	[tilespmem:s22+$0xFFFFFF60] =	vst v1  }
0x367: {  	v1 =	vmul.f32 v9, v2;
	[tilespmem:s22+$0xFFFFFF70] =	vst v4  }
0x368: {  	v2 =	vld [tilespmem:s22+$0xFFFFFFA0];
	[tilespmem:s22+$0xFFFFFF40] =	vst v3  }
0x369: {  	v3 =	vld [tilespmem:s22+$0xFFFFFF90];
	[tilespmem:s22+$0xFFFFFF20] =	vst v1  }
0x36a: {  	v1 =	vld [tilespmem:s23+$0xFFFFFF90]  }
0x36b: {  	v4 =	vld [tilespmem:s23+$0xFFFFFFA0]  }
0x36c: {  	v5 =	vld [tilespmem:s22+$0xFFFFFFB0]  }
0x36d: {  	v6 =	vld [tilespmem:s23+$0xFFFFFFB0]  }
0x36e: {  	v8 =	vld [tilespmem:s22+$0xFFFFFFC0]  }
0x36f: {  	v7 =	vld [tilespmem:s23+$0xFFFFFFC0]  }
0x370: {  	v9 =	vld [tilespmem:s23+$0xFFFFFFD0];
	v3 =	vsub.f32 v3, v1;
	v4 =	vsub.f32 v2, v4  }
0x371: {  	v1 =	vld [tilespmem:s22+$0xFFFFFFD0]  }
0x372: {  	v10 =	vld [tilespmem:s22+$0xFFFFFFE0];
	v2 =	vsub.f32 v5, v6;
	v5 =	vmul.f32 v3, v3;
	v6 =	vmul.f32 v4, v4  }
0x373: {  	v55 =	vld [tilespmem:s23+$0xFFFFFFE0]  }
0x374: {  	v14 =	vld [tilespmem:s22+$0xFFFFFFF0];
	v56 =	vmul.f32 v2, v2;
	v6 =	vadd.f32 v6, v5;
	v5 =	vsub.f32 v8, v7  }
0x375: {  	v15 =	vld [tilespmem:s23+$0xFFFFFFF0]  }
0x376: {  	v57 =	vld [tilespmem:s23+$0x0];
	v7 =	vsub.f32 v1, v9;
	v6 =	vadd.f32 v56, v6;
	v8 =	vmul.f32 v5, v5  }
0x377: {  	v1 =	vld [tilespmem:s22+$0x0]  }
0x378: {  	v9 =	vmul.f32 v7, v7;
	v6 =	vadd.f32 v8, v6;
	v8 =	vsub.f32 v10, v55;
	_ =	sdelay $0x1  }
0x379: {  	v6 =	vadd.f32 v9, v6;
	v10 =	vmul.f32 v8, v8;
	v9 =	vsub.f32 v14, v15;
	_ =	sdelay $0x1  }
0x37a: {  	v6 =	vadd.f32 v10, v6;
	v58 =	vmul.f32 v9, v9;
	v10 =	vsub.f32 v1, v57;
	_ =	sdelay $0x1  }
0x37b: {  	v1 =	vadd.f32 v58, v6;
	v6 =	vmul.f32 v10, v10;
	_ =	sdelay $0x1  }
0x37c: {  	v1 =	vadd.f32 v6, v1;
	_ =	sdelay $0x1  }
0x37d: {  	(xrf2) =	vadd.scan.msk.f32 $0xffff, v1;
	_ =	sdelay $0x9  }
0x37e: {  	v1, _, _ =	vpop (xrf2)  }
0x37f: {  	v1 =	vbroadcast v1, $0xF;
	_ =	sdelay $0x1  }
0x380: {  	v6 =	vshra.s32 v1, $0x1;
	v59 =	vmul.f32 $5.000000000e-01, v1  }
0x381: {  	v6 =	vsub.s32 $0x5F3759DF, v6  }
0x382: {  	v60 =	vmul.f32 v6, v59;
	_ =	sdelay $0x1  }
0x383: {  	v13 =	vmul.f32 v6, v60;
	_ =	sdelay $0x1  }
0x384: {  	v13 =	vsub.f32 $1.500000000e+00, v13;
	_ =	sdelay $0x1  }
0x385: {  	v6 =	vmul.f32 v6, v13;
	_ =	sdelay $0x1  }
0x386: {  	v12 =	vmul.f32 v6, v59;
	_ =	sdelay $0x1  }
0x387: {  	v12 =	vmul.f32 v12, v6;
	_ =	sdelay $0x1  }
0x388: {  	v12 =	vsub.f32 $1.500000000e+00, v12;
	_ =	sdelay $0x1  }
0x389: {  	v6 =	vmul.f32 v12, v6;
	_ =	sdelay $0x1  }
0x38a: {  	s30 =	simm.s32 $0x0;
	s31 =	simm.s32 $0x1;
	v1 =	vmul.f32 v6, v1  }
0x38b: {  	v61 =	vmov s30;
	v62 =	vmov s31  }
0x38c: {  	vm0 =	veq.s32 v61, v0;
	v6 =	vimm.f32 $0.0e+00;
	v63 =	vadd.f32 $1.000000000e+00, v1  }
0x38d: {  	vm15 =	veq.s32 v62, v0;
	v6 =	vsel vm0, v11, v6  }
0x38e: {  	s2 =	simm.s32 $0x2;
	s0 =	smov.u32 s22;
	v1 =	vsel vm15, v1, v6;
	(erf) = vrcp.f32 v63  }
.LBB2_15:
0x38f: {  	_ =	sdelay $0x2  }
0x390: {  	p1 =	slt.u32 s2, $0xE;
	s22 =	sadd.s32 $0x100, s22;
	s23 =	sadd.s32 $0x100, s23  }
0x391: {  	s13 =	smov.u32 s2;
	s2 =	sadd.s32 $0x2, s2;
	_ =	sdelay $0x3  }
0x392: {  	v6 =	vpop (erf)  }
0x393: {  	v3 =	vmul.f32 v6, v3;
	v4 =	vmul.f32 v6, v4  }
0x394: {  	v2 =	vmul.f32 v6, v2;
	v5 =	vmul.f32 v6, v5  }
0x395: {  	[tilespmem:s0+$0xFFFFFF90] =	vst v3;
	v3 =	vmul.f32 v6, v7;
	v7 =	vmul.f32 v6, v8  }
0x396: {  	[tilespmem:s0+$0xFFFFFFA0] =	vst v4;
	v4 =	vmul.f32 v6, v9;
	v6 =	vmul.f32 v6, v10  }
0x397: {  	[tilespmem:s0+$0xFFFFFFC0] =	vst v5  }
0x398: {  	[tilespmem:s0+$0xFFFFFFD0] =	vst v3  }
0x399: {  	[tilespmem:s0+$0x0] =	vst v6  }
0x39a: {  	[tilespmem:s0+$0xFFFFFFF0] =	vst v4  }
0x39b: {  	v3 =	vld [tilespmem:s22+$0xFFFFFF10];
	[tilespmem:s0+$0xFFFFFFB0] =	vst v2  }
0x39c: {  	v2 =	vld [tilespmem:s22+$0xFFFFFF20];
	[tilespmem:s0+$0xFFFFFFE0] =	vst v7;
	s0 =	smov.u32 s22  }
0x39d: {  	v4 =	vld [tilespmem:s23+$0xFFFFFF20]  }
0x39e: {  	v5 =	vld [tilespmem:s23+$0xFFFFFF10]  }
0x39f: {  	v6 =	vld [tilespmem:s22+$0xFFFFFF30]  }
0x3a0: {  	v7 =	vld [tilespmem:s23+$0xFFFFFF30]  }
0x3a1: {  	v8 =	vld [tilespmem:s22+$0xFFFFFF40]  }
0x3a2: {  	v9 =	vld [tilespmem:s23+$0xFFFFFF40]  }
0x3a3: {  	v2 =	vsub.f32 v2, v4;
	v3 =	vsub.f32 v3, v5;
	v4 =	vld [tilespmem:s22+$0xFFFFFF50]  }
0x3a4: {  	v5 =	vld [tilespmem:s23+$0xFFFFFF50]  }
0x3a5: {  	v11 =	vmul.f32 v2, v2;
	v10 =	vmul.f32 v3, v3;
	v7 =	vsub.f32 v6, v7;
	v6 =	vld [tilespmem:s22+$0xFFFFFF60]  }
0x3a6: {  	v12 =	vld [tilespmem:s23+$0xFFFFFF60]  }
0x3a7: {  	v10 =	vadd.f32 v11, v10;
	v11 =	vmul.f32 v7, v7;
	v8 =	vsub.f32 v8, v9;
	v9 =	vld [tilespmem:s22+$0xFFFFFF70]  }
0x3a8: {  	v13 =	vld [tilespmem:s23+$0xFFFFFF70]  }
0x3a9: {  	v10 =	vadd.f32 v11, v10;
	v11 =	vmul.f32 v8, v8;
	v4 =	vsub.f32 v4, v5;
	v5 =	vld [tilespmem:s22+$0xFFFFFF80]  }
0x3aa: {  	v14 =	vld [tilespmem:s23+$0xFFFFFF80]  }
0x3ab: {  	v10 =	vadd.f32 v11, v10;
	v11 =	vmul.f32 v4, v4;
	v12 =	vsub.f32 v6, v12;
	_ =	sdelay $0x1  }
0x3ac: {  	v6 =	vadd.f32 v11, v10;
	v10 =	vmul.f32 v12, v12;
	v9 =	vsub.f32 v9, v13;
	_ =	sdelay $0x1  }
0x3ad: {  	v6 =	vadd.f32 v10, v6;
	v10 =	vmul.f32 v9, v9;
	v5 =	vsub.f32 v5, v14;
	_ =	sdelay $0x1  }
0x3ae: {  	v6 =	vadd.f32 v10, v6;
	v10 =	vmul.f32 v5, v5;
	_ =	sdelay $0x1  }
0x3af: {  	v6 =	vadd.f32 v10, v6;
	_ =	sdelay $0x1  }
0x3b0: {  	(xrf2) =	vadd.scan.msk.f32 $0xffff, v6;
	_ =	sdelay $0x9  }
0x3b1: {  	v6, _, _ =	vpop (xrf2)  }
0x3b2: {  	v6 =	vbroadcast v6, $0xF;
	_ =	sdelay $0x1  }
0x3b3: {  	v10 =	vshra.s32 v6, $0x1;
	v11 =	vmul.f32 $5.000000000e-01, v6  }
0x3b4: {  	v10 =	vsub.s32 $0x5F3759DF, v10  }
0x3b5: {  	v13 =	vmul.f32 v10, v11;
	_ =	sdelay $0x1  }
0x3b6: {  	v13 =	vmul.f32 v10, v13;
	_ =	sdelay $0x1  }
0x3b7: {  	v13 =	vsub.f32 $1.500000000e+00, v13;
	_ =	sdelay $0x1  }
0x3b8: {  	v10 =	vmul.f32 v10, v13;
	_ =	sdelay $0x1  }
0x3b9: {  	v11 =	vmul.f32 v10, v11;
	_ =	sdelay $0x1  }
0x3ba: {  	v11 =	vmul.f32 v11, v10;
	_ =	sdelay $0x1  }
0x3bb: {  	v11 =	vsub.f32 $1.500000000e+00, v11;
	_ =	sdelay $0x1  }
0x3bc: {  	v10 =	vmul.f32 v11, v10;
	_ =	sdelay $0x1  }
0x3bd: {  	v6 =	vmul.f32 v10, v6;
	_ =	sdelay $0x1  }
0x3be: {  	v10 =	vadd.f32 $1.000000000e+00, v6;
	_ =	sdelay $0x1  }
0x3bf: {  	(erf) = vrcp.f32 v10;
	_ =	sdelay $0x8  }
0x3c0: {  	v10 =	vpop (erf)  }
0x3c1: {  	v3 =	vmul.f32 v10, v3;
	v5 =	vmul.f32 v10, v5  }
0x3c2: {  	v7 =	vmul.f32 v10, v7;
	v9 =	vmul.f32 v10, v9  }
0x3c3: {  	v2 =	vmul.f32 v10, v2;
	v4 =	vmul.f32 v10, v4;
	[tilespmem:s22+$0xFFFFFF80] =	vst v5  }
0x3c4: {  	v5 =	vmul.f32 v10, v12;
	[tilespmem:s22+$0xFFFFFF10] =	vst v3;
	v3 =	vmul.f32 v10, v8  }
0x3c5: {  	[tilespmem:s22+$0xFFFFFF30] =	vst v7  }
0x3c6: {  	[tilespmem:s22+$0xFFFFFF50] =	vst v4  }
0x3c7: {  	[tilespmem:s22+$0xFFFFFF60] =	vst v5  }
0x3c8: {  	[tilespmem:s22+$0xFFFFFF70] =	vst v9;
	v4 =	vld [tilespmem:s22+$0xFFFFFFA0]  }
0x3c9: {  	[tilespmem:s22+$0xFFFFFF40] =	vst v3;
	v3 =	vld [tilespmem:s22+$0xFFFFFF90]  }
0x3ca: {  	[tilespmem:s22+$0xFFFFFF20] =	vst v2;
	v2 =	vld [tilespmem:s22+$0xFFFFFFB0]  }
0x3cb: {  	v5 =	vld [tilespmem:s23+$0xFFFFFF90]  }
0x3cc: {  	v7 =	vld [tilespmem:s23+$0xFFFFFFA0]  }
0x3cd: {  	v8 =	vld [tilespmem:s23+$0xFFFFFFB0]  }
0x3ce: {  	v9 =	vld [tilespmem:s23+$0xFFFFFFC0];
	_ =	sdelay $0x1  }
0x3cf: {  	v3 =	vsub.f32 v3, v5;
	v5 =	vld [tilespmem:s22+$0xFFFFFFC0]  }
0x3d0: {  	v4 =	vsub.f32 v4, v7;
	v7 =	vld [tilespmem:s22+$0xFFFFFFD0]  }
0x3d1: {  	v2 =	vsub.f32 v2, v8;
	v8 =	vld [tilespmem:s23+$0xFFFFFFD0]  }
0x3d2: {  	v10 =	vmul.f32 v3, v3;
	v11 =	vmul.f32 v4, v4;
	v12 =	vld [tilespmem:s22+$0xFFFFFFE0]  }
0x3d3: {  	v13 =	vld [tilespmem:s23+$0xFFFFFFE0]  }
0x3d4: {  	v10 =	vadd.f32 v11, v10;
	v11 =	vmul.f32 v2, v2;
	v5 =	vsub.f32 v5, v9;
	v9 =	vld [tilespmem:s22+$0xFFFFFFF0]  }
0x3d5: {  	v14 =	vld [tilespmem:s23+$0xFFFFFFF0]  }
0x3d6: {  	v10 =	vadd.f32 v11, v10;
	v11 =	vmul.f32 v5, v5;
	v7 =	vsub.f32 v7, v8;
	v15 =	vld [tilespmem:s22+$0x0]  }
0x3d7: {  	v16 =	vld [tilespmem:s23+$0x0]  }
0x3d8: {  	v10 =	vadd.f32 v11, v10;
	v11 =	vmul.f32 v7, v7;
	v8 =	vsub.f32 v12, v13;
	_ =	sdelay $0x1  }
0x3d9: {  	v10 =	vadd.f32 v11, v10;
	v11 =	vmul.f32 v8, v8;
	v9 =	vsub.f32 v9, v14;
	_ =	sdelay $0x1  }
0x3da: {  	v11 =	vadd.f32 v11, v10;
	v12 =	vmul.f32 v9, v9;
	v10 =	vsub.f32 v15, v16;
	_ =	sdelay $0x1  }
0x3db: {  	v11 =	vadd.f32 v12, v11;
	v12 =	vmul.f32 v10, v10;
	_ =	sdelay $0x1  }
0x3dc: {  	v11 =	vadd.f32 v12, v11;
	_ =	sdelay $0x1  }
0x3dd: {  	(xrf2) =	vadd.scan.msk.f32 $0xffff, v11;
	_ =	sdelay $0x9  }
0x3de: {  	v11, _, _ =	vpop (xrf2)  }
0x3df: {  	v11 =	vbroadcast v11, $0xF;
	_ =	sdelay $0x1  }
0x3e0: {  	v12 =	vshra.s32 v11, $0x1;
	v13 =	vmul.f32 $5.000000000e-01, v11  }
0x3e1: {  	v12 =	vsub.s32 $0x5F3759DF, v12  }
0x3e2: {  	v14 =	vmul.f32 v12, v13;
	_ =	sdelay $0x1  }
0x3e3: {  	v14 =	vmul.f32 v12, v14;
	_ =	sdelay $0x1  }
0x3e4: {  	v14 =	vsub.f32 $1.500000000e+00, v14;
	_ =	sdelay $0x1  }
0x3e5: {  	v12 =	vmul.f32 v12, v14;
	_ =	sdelay $0x1  }
0x3e6: {  	v13 =	vmul.f32 v12, v13;
	_ =	sdelay $0x1  }
0x3e7: {  	v13 =	vmul.f32 v13, v12;
	_ =	sdelay $0x1  }
0x3e8: {  	v13 =	vsub.f32 $1.500000000e+00, v13;
	_ =	sdelay $0x1  }
0x3e9: {  	v12 =	vmul.f32 v13, v12  }
0x3ea: {  	v13 =	vmov s13;
	s13 =	sadd.s32 $0x1, s13  }
.Ltmp6:
0x3eb: {  	vm0 =	veq.s32 v13, v0;
	v11 =	vmul.f32 v12, v11;
	v12 =	vmov s13;
	(pc) =	sbr.rel @p1 .LBB2_15-.Ltmp6, $3  }
0x3ec: {  	v1 =	vsel vm0, v6, v1;
	vm0 =	veq.s32 v12, v0  }
0x3ed: {  	v6 =	vadd.f32 $1.000000000e+00, v11;
	v1 =	vsel vm0, v11, v1;
	_ =	sdelay $0x1  }
0x3ee: {  	(erf) = vrcp.f32 v6  }
0x3ef: {  	_ =	sdelay $0x7  }
0x3f0: {  	v6 =	vpop (erf)  }
0x3f1: {  	v3 =	vmul.f32 v6, v3  }
0x3f2: {  	v4 =	vmul.f32 v6, v4  }
0x3f3: {  	v5 =	vmul.f32 v6, v5;
	[tilespmem:s0+$0xFFFFFF90] =	vst v3  }
0x3f4: {  	v62 =	vmul.f32 v6, v10;
	[tilespmem:s0+$0xFFFFFFA0] =	vst v4  }
0x3f5: {  	v63 =	vmul.f32 v6, v9;
	[tilespmem:s0+$0xFFFFFFC0] =	vst v5  }
0x3f6: {  	v3 =	vmul.f32 v6, v7;
	[tilespmem:s0+$0x0] =	vst v62  }
0x3f7: {  	s2 =	smul.u32 $0x50, s20;
	v2 =	vmul.f32 v6, v2;
	[tilespmem:s0+$0xFFFFFFF0] =	vst v63  }
0x3f8: {  	s13 =	smul.u32 $0xA000, s21;
	[tilespmem:s0+$0xFFFFFFD0] =	vst v3;
	v3 =	vmul.f32 v6, v8  }
0x3f9: {  	p1 =	sne.s32 s19, $0x7D;
	s2 =	sadd.s32 s7, s2;
	[tilespmem:s0+$0xFFFFFFB0] =	vst v2  }
.Ltmp7:
0x3fa: {  	s29 =	sshrl.u32 s13, $0x2;
	s30 =	sshll.u32 s2, $0x4;
	[tilespmem:s0+$0xFFFFFFE0] =	vst v3;
	(pc) =	sbr.rel @p1 .LBB2_2-.Ltmp7, $4  }
0x3fb: {  	s31 =	sshrl.u32 s2, $0x3;
	s13 =	sadd.s32 s4, s30;
	s0 =	sor.u32 $0x8000, s29;
	[tilespmem:s24+$0x12040] =	vst v1  }
0x3fc: {  	[hbm4b:s13+s5] =	stream.linear.scatter [tilespmem:s0], [sflag:$0x3], $0x2800, $0x38;
	[tilespmem:$0x12100] =	vst v63  }
0x3fd: {  	p0 =	por !p0, !p0;
	s20 =	smov.u32 s19;
	s0 =	sadd.s32 s3, s31  }
0x3fe: {  	[hbm4b:s0+s5] =	stream.linear.scatter [tilespmem:s25], [sflag:$0x3], $0x50, $0x38;
	[tilespmem:$0x12100] =	vst v63  }
0x3ff: {  	_ =	swait.ge [sflag:s17], $0x2800  }
0x400: {  	[sflag:s17] =	ssyncset.done $0x0  }
0x401: {  	[sflag:s17] =	ssyncadd.s32 $0xFFFFD800  }
0x402: {  	_ =	swait.ge [sflag:s17], $0x50  }
0x403: {  	[sflag:s17] =	ssyncset.done $0x0  }
0x404: {  	s18 =	sadd.s32 $0x1, s18;
	[sflag:s17] =	ssyncadd.s32 $0xFFFFFFB0  }
0x405: {  	p0 =	sne.s32 s18, s9;
	_ =	swait.ge [sflag:s17], $0x2800  }
.Ltmp8:
0x406: {  	[sflag:s17] =	ssyncset.done $0x0;
	(pc) =	sbr.rel @p0 .LBB2_1-.Ltmp8, $4  }
0x407: {  	[sflag:s17] =	ssyncadd.s32 $0xFFFFD800  }
0x408: {  	_ =	swait.ge [sflag:s17], $0x50  }
0x409: {  	[sflag:s17] =	ssyncset.done $0x0  }
0x40a: {  	[sflag:s17] =	ssyncadd.s32 $0xFFFFFFB0  }
0x40b: {  	_ =	sfence.sel $0x180000  }
0x40c: {  	[bflag:$0x0] =	sbarrier.arrive $0xFFFF  }
0x40d: {  	_ =	strace $0x90000047  }
0x40e: {  	s0 =	stileid.u32;
	[bflag:$0x2] =	sbarrier.arrive $0xFFFF  }
0x40f: {  	p0 =	sne.s32 s0, $0x0;
	s0 =	rddreg [dreg:$0x4]  }
0x410: {  	s0 =	sadd.s32 @!p0 $0x100000, s0  }
0x411: {  	[sflag:s0] =	ssyncadd.tile.s32 @!p0 $0x1;
	_ =	shalt  }
.Lfunc_end2:
_tile_overlayer_lowered:
.L_overlay_start_2:
0x412: {  	(tag) =	ssettag $0x2  }
0x413: {  	s0 =	rddreg [dreg:$0x0];
	s2 =	stileid.u32  }
0x414: {  	s1 =	rddreg [dreg:$0x1];
	p0 =	sne.s32 s2, $0x0  }
0x415: {  	s3 =	rddreg [dreg:$0x2];
	[bflag:$0x3] =	sbarrier.arrive $0xFFFF;
	s2 =	simm.s32 @!p0 $0x1C04  }
0x416: {  	[timem:s3], [sflag:s2] =	dma.local @!p0 [hbm:s0], s1  }
0x417: {  	s0 =	simm.s32 @!p0 $0x4  }
0x418: {  	_ =	swait.ge @!p0 [sflag:s0], s1  }
0x419: {  	s1 =	ssub.s32 @!p0 $0x0, s1;
	[sflag:s0] =	ssyncset.done @!p0 $0x0  }
0x41a: {  	[sflag:s0] =	ssyncadd.s32 @!p0 s1  }
0x41b: {  	[bflag:$0x3] =	sbarrier.arrive $0xFFFF  }
0x41c: {  	_ =	shalt  }

</sc_bundles>
